<compile_context>
chip_gen: v7x
topology: tpu7x:2x2x1
jax: 0.10.2.dev20260603
libtpu: 0.0.44.dev20260713+nightly
codegen_flags: <defaults>
</compile_context>

<pallas_src>
import functools

import jax
import jax.numpy as jnp
import numpy as np
from jax import lax
from jax.experimental import pallas as pl
from jax.experimental.pallas import tpu as pltpu
from jax.experimental.pallas import tpu_sc as plsc

N, E, F_IN, H, G = 10000, 320000, 128, 64, 64
BN_EPS = 1e-5

NC, NS = 2, 16
NW = NC * NS
CHUNK = 128
ROWS_PER_W = 80
ROWS = NW * ROWS_PER_W
RPW0, RPW1 = 160, 0
RPW_MAX = max(RPW0, RPW1)
ROWS_ALLOC = NS * (RPW0 + RPW1)
E_PAD = ROWS_ALLOC * CHUNK
N_ACC = 10240
ZROWS = N_ACC // NS
ZCHUNK = 80
NBUF = 4


def _seg_body(y_hbm, src_hbm, dst_hbm, out_hbm, src_v, dst_v, rows_v, zbuf, acc,
              gsems, ssems):
    c = lax.axis_index("c")
    s = lax.axis_index("s")
    wid = c * NS + s

    def _zrow(r, carry):
        for k in range(H // 16):
            zbuf[r, pl.ds(16 * k, 16)] = jnp.zeros((16,), jnp.float32)
        return carry

    lax.fori_loop(0, ZCHUNK, _zrow, 0)

    def _zcopy(r, carry):
        pltpu.sync_copy(zbuf, acc.at[pl.ds(s * ZROWS + r * ZCHUNK, ZCHUNK)])
        return carry

    lax.fori_loop(0, ZROWS // ZCHUNK, _zcopy, 0)

    plsc.subcore_barrier()

    bufs = tuple(rows_v.at[b] for b in range(NBUF))

    def _gather(j, b):
        pltpu.make_async_copy(y_hbm.at[src_v.at[j]], bufs[b], gsems.at[b]).start()

    def _gwait(b):
        pltpu.make_async_copy(y_hbm.at[src_v.at[0]], bufs[b], gsems.at[b]).wait()

    def _swait(b):
        pltpu.make_async_copy(bufs[b], acc.at[dst_v.at[0]], ssems.at[b]).wait()

    def _run(rpw, base):
        pltpu.sync_copy(src_hbm.at[pl.ds(base, rpw)], src_v.at[pl.ds(0, rpw)])
        pltpu.sync_copy(dst_hbm.at[pl.ds(base, rpw)], dst_v.at[pl.ds(0, rpw)])
        for b in range(NBUF - 1):
            _gather(b, b)
        pltpu.async_copy(bufs[NBUF - 1], acc.at[pl.ds(N, CHUNK)],
                         ssems.at[NBUF - 1])

        def _step(j4, carry):
            for b in range(NBUF):
                j = NBUF * j4 + b
                _gwait(b)
                pltpu.async_copy(bufs[b], acc.at[dst_v.at[j]], ssems.at[b],
                                 add=True)
                nxt = j + NBUF - 1
                bb = (b + NBUF - 1) % NBUF

                @pl.when(nxt < rpw)
                def _():
                    _swait(bb)
                    _gather(nxt, bb)
            return carry

        lax.fori_loop(0, rpw // NBUF, _step, 0)
        for b in range(NBUF):
            _swait(b)

    if RPW0 > 0:
        @pl.when(c == 0)
        def _():
            _run(RPW0, s * RPW0)

    if RPW1 > 0:
        @pl.when(c == 1)
        def _():
            _run(RPW1, NS * RPW0 + s * RPW1)

    plsc.subcore_barrier()

    pltpu.sync_copy(acc.at[pl.ds(s * ZROWS, ZROWS)], out_hbm.at[c].at[pl.ds(s * ZROWS, ZROWS)])


_seg_sum = pl.kernel(
    _seg_body,
    out_type=jax.ShapeDtypeStruct((NC, N_ACC, H), jnp.float32),
    mesh=plsc.VectorSubcoreMesh(
        core_axis_name="c", subcore_axis_name="s", num_cores=NC, num_subcores=NS
    ),
    scratch_types=[
        pltpu.VMEM((RPW_MAX, CHUNK), jnp.int32),
        pltpu.VMEM((RPW_MAX, CHUNK), jnp.int32),
        pltpu.VMEM((NBUF, CHUNK, H), jnp.float32),
        pltpu.VMEM((ZCHUNK, H), jnp.float32),
        pltpu.VMEM_SHARED((N_ACC, H), jnp.float32),
        pltpu.SemaphoreType.DMA((NBUF,)),
        pltpu.SemaphoreType.DMA((NBUF,)),
    ],
    compiler_params=pltpu.CompilerParams(use_tc_tiling_on_sc=False),
)

BLK = 1000
GRID = N // BLK


def _proj_body(x_ref, w_ref, o_ref):
    o_ref[:] = jnp.dot(x_ref[:], w_ref[:], preferred_element_type=jnp.float32)


_proj = pl.pallas_call(
    _proj_body,
    grid=(GRID,),
    in_specs=[
        pl.BlockSpec((BLK, F_IN), lambda i: (i, 0)),
        pl.BlockSpec((F_IN, H), lambda i: (0, 0)),
    ],
    out_specs=pl.BlockSpec((BLK, H), lambda i: (i, 0)),
    out_shape=jax.ShapeDtypeStruct((N, H), jnp.float32),
)


def _mlp1_body(y_ref, a0_ref, a1_ref, ba_ref, w_ref, bb_ref, g_ref, be_ref, o_ref):
    t = jnp.maximum(y_ref[:] + a0_ref[:] + a1_ref[:] + ba_ref[:], 0.0)
    h = jnp.dot(t, w_ref[:], preferred_element_type=jnp.float32) + bb_ref[:]
    scale = g_ref[:] * (1.0 / np.sqrt(1.0 + BN_EPS))
    o_ref[:] = jnp.maximum(h * scale + be_ref[:], 0.0)


_row = lambda i: (i, 0)
_fix = lambda i: (0, 0)

_mlp1 = pl.pallas_call(
    _mlp1_body,
    grid=(GRID,),
    in_specs=[
        pl.BlockSpec((BLK, H), _row),
        pl.BlockSpec((BLK, H), _row),
        pl.BlockSpec((BLK, H), _row),
        pl.BlockSpec((1, H), _fix),
        pl.BlockSpec((H, H), _fix),
        pl.BlockSpec((1, H), _fix),
        pl.BlockSpec((1, H), _fix),
        pl.BlockSpec((1, H), _fix),
    ],
    out_specs=pl.BlockSpec((BLK, H), _row),
    out_shape=jax.ShapeDtypeStruct((N, H), jnp.float32),
)


def _mlp2_body(h_ref, a0_ref, a1_ref, bid_ref, wa_ref, ba_ref, wb_ref, bb_ref,
               g_ref, be_ref, o_ref, acc_s, acc_c):
    j = pl.program_id(0)

    @pl.when(j == 0)
    def _():
        acc_s[:] = jnp.zeros_like(acc_s)
        acc_c[:] = jnp.zeros_like(acc_c)

    u = h_ref[:] + a0_ref[:] + a1_ref[:]
    t = jnp.maximum(jnp.dot(u, wa_ref[:], preferred_element_type=jnp.float32) + ba_ref[:], 0.0)
    h2 = jnp.dot(t, wb_ref[:], preferred_element_type=jnp.float32) + bb_ref[:]
    scale = g_ref[:] * (1.0 / np.sqrt(1.0 + BN_EPS))
    h2 = jnp.maximum(h2 * scale + be_ref[:], 0.0)

    oh = (bid_ref[:] == lax.broadcasted_iota(jnp.int32, (1, G), 1)).astype(jnp.float32)
    dims = (((0,), (0,)), ((), ()))
    acc_s[:] += lax.dot_general(oh, h2, dims, preferred_element_type=jnp.float32)
    acc_c[:] += lax.dot_general(oh, jnp.ones_like(h2), dims, preferred_element_type=jnp.float32)

    @pl.when(j == pl.num_programs(0) - 1)
    def _():
        o_ref[:] = acc_s[:] / jnp.maximum(acc_c[:], 1.0)


_mlp2_pool = pl.pallas_call(
    _mlp2_body,
    grid=(GRID,),
    in_specs=[
        pl.BlockSpec((BLK, H), _row),
        pl.BlockSpec((BLK, H), _row),
        pl.BlockSpec((BLK, H), _row),
        pl.BlockSpec((BLK, 1), _row),
        pl.BlockSpec((H, H), _fix),
        pl.BlockSpec((1, H), _fix),
        pl.BlockSpec((H, H), _fix),
        pl.BlockSpec((1, H), _fix),
        pl.BlockSpec((1, H), _fix),
        pl.BlockSpec((1, H), _fix),
    ],
    out_specs=pl.BlockSpec((G, H), _fix),
    out_shape=jax.ShapeDtypeStruct((G, H), jnp.float32),
    scratch_shapes=[
        pltpu.VMEM((G, H), jnp.float32),
        pltpu.VMEM((G, H), jnp.float32),
    ],
)


def kernel(x, ei, batch, W1a, b1a, W1b, b1b, g1, be1, W2a, b2a, W2b, b2b, g2, be2):
    src, dst = ei[0], ei[1]
    pad = E_PAD - E
    src_p = jnp.concatenate([src, jnp.zeros((pad,), jnp.int32)]).reshape(ROWS_ALLOC, CHUNK)
    dst_p = jnp.concatenate([dst, jnp.full((pad,), N, jnp.int32)]).reshape(ROWS_ALLOC, CHUNK)

    y = _proj(x, W1a)
    a1 = _seg_sum(y, src_p, dst_p)
    h1 = _mlp1(y, a1[0, :N], a1[1, :N], b1a.reshape(1, H), W1b, b1b.reshape(1, H),
               g1.reshape(1, H), be1.reshape(1, H))
    a2 = _seg_sum(h1, src_p, dst_p)
    out = _mlp2_pool(h1, a2[0, :N], a2[1, :N], batch.reshape(N, 1), W2a,
                     b2a.reshape(1, H), W2b, b2b.reshape(1, H),
                     g2.reshape(1, H), be2.reshape(1, H))
    return out

# --- scband reference (transcript-rebuilt; emitter-appended) ---
"""Pipeline reference for scband-ginencoder-72859825209483 (READ-ONLY COPY).

The authoritative reference and input builder live on the scoring server;
editing this copy changes nothing except your own understanding.
"""

import jax, jax.numpy as jnp
import numpy as np

N, E, F_IN, H, G = 10000, 320000, 128, 64, 64
BN_EPS = 1e-5


def setup_inputs(seed: int = 0) -> dict:
    key = jax.random.key(seed)
    ks = jax.random.split(key, 16)
    x = jax.random.normal(ks[0], (N, F_IN), dtype=jnp.float32)
    ei = jax.random.randint(ks[1], (2, E), 0, N, dtype=jnp.int32)
    batch = jnp.sort(jax.random.randint(ks[2], (N,), 0, G, dtype=jnp.int32))
    s = 0.05
    W1a = jax.random.normal(ks[3], (F_IN, H), dtype=jnp.float32) * s
    b1a = jnp.zeros((H,), dtype=jnp.float32)
    W1b = jax.random.normal(ks[4], (H, H), dtype=jnp.float32) * s
    b1b = jnp.zeros((H,), dtype=jnp.float32)
    g1 = jnp.ones((H,), dtype=jnp.float32)
    be1 = jnp.zeros((H,), dtype=jnp.float32)
    W2a = jax.random.normal(ks[5], (H, H), dtype=jnp.float32) * s
    b2a = jnp.zeros((H,), dtype=jnp.float32)
    W2b = jax.random.normal(ks[6], (H, H), dtype=jnp.float32) * s
    b2b = jnp.zeros((H,), dtype=jnp.float32)
    g2 = jnp.ones((H,), dtype=jnp.float32)
    be2 = jnp.zeros((H,), dtype=jnp.float32)
    return {"x": x, "ei": ei, "batch": batch,
            "W1a": W1a, "b1a": b1a, "W1b": W1b, "b1b": b1b, "g1": g1, "be1": be1,
            "W2a": W2a, "b2a": b2a, "W2b": W2b, "b2b": b2b, "g2": g2, "be2": be2}


def _gin_conv(x, ei, Wa, ba, Wb, bb):
    # GINConv with eps=0: mlp((1+eps)*x + sum_{j in N(i)} x_j)
    src, dst = ei[0], ei[1]
    msgs = jnp.take(x, src, axis=0)                      # gather (memory-bound)
    agg = jax.ops.segment_sum(msgs, dst, num_segments=x.shape[0])  # scatter-add
    h = x + agg
    h = h @ Wa + ba
    h = jax.nn.relu(h)
    h = h @ Wb + bb
    return h


def _bn_eval(h, gamma, beta):
    # BatchNorm in eval mode: running_mean=0, running_var=1
    return h * (gamma / jnp.sqrt(1.0 + BN_EPS)) + beta


def reference(x, ei, batch, W1a, b1a, W1b, b1b, g1, be1, W2a, b2a, W2b, b2b, g2, be2):
    h = _gin_conv(x, ei, W1a, b1a, W1b, b1b)
    h = jax.nn.relu(_bn_eval(h, g1, be1))
    # dropout is identity in eval mode
    h = _gin_conv(h, ei, W2a, b2a, W2b, b2b)
    h = jax.nn.relu(_bn_eval(h, g2, be2))
    # global_mean_pool over graph ids
    sums = jax.ops.segment_sum(h, batch, num_segments=G)
    counts = jax.ops.segment_sum(jnp.ones((h.shape[0],), dtype=h.dtype), batch, num_segments=G)
    counts = jnp.clip(counts, 1.0, None)
    return sums / counts[:, None]

if __name__ == "__main__":
    import jax
    _d = setup_inputs()
    print(jax.jit(kernel)(*tuple(_d.values())))

</pallas_src>

<mosaic_0001>
#map = affine_map<(d0, d1) -> (0, 0)>
#map1 = affine_map<(d0, d1) -> (0, 0, 0)>
module attributes {stable_mosaic.version = 14 : i64} {
  func.func @_seg_body(%arg0: i32, %arg1: i32, %arg2: memref<10000x64xf32, #tpu.memory_space<hbm>>, %arg3: memref<2560x128xi32, #tpu.memory_space<hbm>>, %arg4: memref<2560x128xi32, #tpu.memory_space<hbm>>, %arg5: memref<2x10240x64xf32, #tpu.memory_space<hbm>>, %arg6: memref<160x128xi32, #tpu.memory_space<vmem>>, %arg7: memref<160x128xi32, #tpu.memory_space<vmem>>, %arg8: memref<4x128x64xf32, #tpu.memory_space<vmem>>, %arg9: memref<80x64xf32, #tpu.memory_space<vmem>>, %arg10: memref<10240x64xf32, #tpu.memory_space<vmem_shared>>, %arg11: memref<4x!tpu.dma_semaphore, #tpu.memory_space<semaphore_mem>>, %arg12: memref<4x!tpu.dma_semaphore, #tpu.memory_space<semaphore_mem>>) attributes {dimension_semantics = [#tpu.dimension_semantics<core_parallel>, #tpu.dimension_semantics<subcore_parallel>], iteration_bounds = array<i64: 2, 16>, scalar_prefetch = 0 : i64, scratch_operands = 7 : i64, tpu.core_type = #tpu.core_type<sc_vector_subcore>, window_params = [{transform_indices = #map}, {transform_indices = #map}, {transform_indices = #map}, {transform_indices = #map1}]} {
    %mul3A = arith.constant 16 : i32
    %mul3A_0 = arith.muli %arg0, %mul3A : i32
    %add3A = arith.addi %mul3A_0, %arg1 : i32
    %scan3A = arith.constant 0 : i32
    %scan3A_1 = arith.constant 0 : i32
    %scan3A_2 = arith.constant 80 : i32
    %scan3A_3 = arith.addi %scan3A_1, %scan3A_2 : i32
    %scan3A_4 = arith.constant 1 : i32
    scf.for %scan3A_23 = %scan3A_1 to %scan3A_3 step %scan3A_4  : i32 {
      %broadcast_in_dim3A = arith.constant 0.000000e+00 : f32
      %broadcast_in_dim3A_24 = vector.broadcast %broadcast_in_dim3A : f32 to vector<16xf32>
      %swap3A = arith.index_cast %scan3A_23 : i32 to index
      %swap3A_25 = arith.constant 0 : index
      %swap3A_26 = tpu.vector_load %arg9[%swap3A, %swap3A_25] {strides = array<i32>} : memref<80x64xf32, #tpu.memory_space<vmem>>, vector<1x16xf32>,
      %swap3A_27 = vector.shape_cast %swap3A_26 : vector<1x16xf32> to vector<16xf32>
      %swap3A_28 = vector.shape_cast %broadcast_in_dim3A_24 : vector<16xf32> to vector<1x16xf32>
      tpu.vector_store %arg9[%swap3A, %swap3A_25], %swap3A_28 {strides = array<i32>} : memref<80x64xf32, #tpu.memory_space<vmem>>, vector<1x16xf32>,
      %broadcast_in_dim3A_29 = arith.constant 0.000000e+00 : f32
      %broadcast_in_dim3A_30 = vector.broadcast %broadcast_in_dim3A_29 : f32 to vector<16xf32>
      %swap3A_31 = arith.index_cast %scan3A_23 : i32 to index
      %swap3A_32 = arith.constant 16 : index
      %swap3A_33 = tpu.vector_load %arg9[%swap3A_31, %swap3A_32] {strides = array<i32>} : memref<80x64xf32, #tpu.memory_space<vmem>>, vector<1x16xf32>,
      %swap3A_34 = vector.shape_cast %swap3A_33 : vector<1x16xf32> to vector<16xf32>
      %swap3A_35 = vector.shape_cast %broadcast_in_dim3A_30 : vector<16xf32> to vector<1x16xf32>
      tpu.vector_store %arg9[%swap3A_31, %swap3A_32], %swap3A_35 {strides = array<i32>} : memref<80x64xf32, #tpu.memory_space<vmem>>, vector<1x16xf32>,
      %broadcast_in_dim3A_36 = arith.constant 0.000000e+00 : f32
      %broadcast_in_dim3A_37 = vector.broadcast %broadcast_in_dim3A_36 : f32 to vector<16xf32>
      %swap3A_38 = arith.index_cast %scan3A_23 : i32 to index
      %swap3A_39 = arith.constant 32 : index
      %swap3A_40 = tpu.vector_load %arg9[%swap3A_38, %swap3A_39] {strides = array<i32>} : memref<80x64xf32, #tpu.memory_space<vmem>>, vector<1x16xf32>,
      %swap3A_41 = vector.shape_cast %swap3A_40 : vector<1x16xf32> to vector<16xf32>
      %swap3A_42 = vector.shape_cast %broadcast_in_dim3A_37 : vector<16xf32> to vector<1x16xf32>
      tpu.vector_store %arg9[%swap3A_38, %swap3A_39], %swap3A_42 {strides = array<i32>} : memref<80x64xf32, #tpu.memory_space<vmem>>, vector<1x16xf32>,
      %broadcast_in_dim3A_43 = arith.constant 0.000000e+00 : f32
      %broadcast_in_dim3A_44 = vector.broadcast %broadcast_in_dim3A_43 : f32 to vector<16xf32>
      %swap3A_45 = arith.index_cast %scan3A_23 : i32 to index
      %swap3A_46 = arith.constant 48 : index
      %swap3A_47 = tpu.vector_load %arg9[%swap3A_45, %swap3A_46] {strides = array<i32>} : memref<80x64xf32, #tpu.memory_space<vmem>>, vector<1x16xf32>,
      %swap3A_48 = vector.shape_cast %swap3A_47 : vector<1x16xf32> to vector<16xf32>
      %swap3A_49 = vector.shape_cast %broadcast_in_dim3A_44 : vector<16xf32> to vector<1x16xf32>
      tpu.vector_store %arg9[%swap3A_45, %swap3A_46], %swap3A_49 {strides = array<i32>} : memref<80x64xf32, #tpu.memory_space<vmem>>, vector<1x16xf32>,
    }
    %scan3A_5 = arith.constant 80 : i32
    %scan3A_6 = arith.constant 0 : i32
    %scan3A_7 = arith.constant 0 : i32
    %scan3A_8 = arith.constant 8 : i32
    %scan3A_9 = arith.addi %scan3A_7, %scan3A_8 : i32
    %scan3A_10 = arith.constant 1 : i32
    scf.for %scan3A_23 = %scan3A_7 to %scan3A_9 step %scan3A_10  : i32 {
      %mul3A_24 = arith.constant 640 : i32
      %mul3A_25 = arith.muli %arg1, %mul3A_24 : i32
      %mul3A_26 = arith.constant 80 : i32
      %mul3A_27 = arith.muli %scan3A_23, %mul3A_26 : i32
      %add3A_28 = arith.addi %mul3A_25, %mul3A_27 : i32
      "tpu.region"() ({
        %run_scoped3A = tpu.sem_alloc : memref<!tpu.dma_semaphore, #tpu.memory_space<semaphore_mem>>
        %dma_start3A = arith.constant 0 : i32
        %dma_start3A_29 = tpu.memref_slice %arg10[%add3A_28, %dma_start3A] : memref<10240x64xf32, #tpu.memory_space<vmem_shared>> -> memref<80x64xf32, #tpu.memory_space<vmem_shared>>
        %dma_start3A_30 = arith.constant 0 : i32
        %dma_start3A_31 = tpu.memref_slice %arg10[%add3A_28, %dma_start3A_30] : memref<10240x64xf32, #tpu.memory_space<vmem_shared>> -> memref<80x64xf32, #tpu.memory_space<vmem_shared>>
        tpu.enqueue_dma source(%arg9 : memref<80x64xf32, #tpu.memory_space<vmem>>) target(%dma_start3A_31 : memref<80x64xf32, #tpu.memory_space<vmem_shared>>) target_semaphore(%run_scoped3A : memref<!tpu.dma_semaphore, #tpu.memory_space<semaphore_mem>>)
        %dma_wait3A = arith.constant 0 : i32
        %dma_wait3A_32 = tpu.memref_slice %arg10[%add3A_28, %dma_wait3A] : memref<10240x64xf32, #tpu.memory_space<vmem_shared>> -> memref<80x64xf32, #tpu.memory_space<vmem_shared>>
        %dma_wait3A_33 = arith.constant 0 : i32
        %dma_wait3A_34 = tpu.memref_slice %arg10[%add3A_28, %dma_wait3A_33] : memref<10240x64xf32, #tpu.memory_space<vmem_shared>> -> memref<80x64xf32, #tpu.memory_space<vmem_shared>>
        tpu.wait_dma2 semaphore(%run_scoped3A : memref<!tpu.dma_semaphore, #tpu.memory_space<semaphore_mem>>) src(%arg9 : memref<80x64xf32, #tpu.memory_space<vmem>>) dst(%dma_wait3A_34 : memref<80x64xf32, #tpu.memory_space<vmem_shared>>)
        tpu.yield
      }) : () -> ()
    }
    %scan3A_11 = arith.constant 8 : i32
    %barrier3A = arith.constant 0 : index
    tpu.barrier barrier_id(%barrier3A)
    %eq3A = arith.constant 0 : i32
    %eq3A_12 = arith.cmpi eq, %arg0, %eq3A : i32
    %convert_element_type3A = arith.extui %eq3A_12 : i1 to i32
    %cond3A = arith.constant 0 : i32
    %cond3A_13 = arith.constant 1 : i32
    %cond3A_14 = arith.constant 2 : i32
    %cond3A_15 = arith.constant 3 : i32
    %cond3A_16 = arith.constant 0 : i32
    %cond3A_17 = arith.cmpi ne, %convert_element_type3A, %cond3A_16 : i32
    scf.if %cond3A_17 {
      %mul3A_23 = arith.constant 160 : i32
      %mul3A_24 = arith.muli %arg1, %mul3A_23 : i32
      "tpu.region"() ({
        %run_scoped3A = tpu.sem_alloc : memref<!tpu.dma_semaphore, #tpu.memory_space<semaphore_mem>>
        %dma_start3A_144 = arith.constant 0 : i32
        %dma_start3A_145 = arith.constant 0 : i32
        %dma_start3A_146 = tpu.memref_slice %arg6[%dma_start3A_144, %dma_start3A_145] : memref<160x128xi32, #tpu.memory_space<vmem>> -> memref<160x128xi32, #tpu.memory_space<vmem>>
        %dma_start3A_147 = arith.constant 0 : i32
        %dma_start3A_148 = tpu.memref_slice %arg3[%mul3A_24, %dma_start3A_147] : memref<2560x128xi32, #tpu.memory_space<hbm>> -> memref<160x128xi32, #tpu.memory_space<hbm>>
        %dma_start3A_149 = arith.constant 0 : i32
        %dma_start3A_150 = arith.constant 0 : i32
        %dma_start3A_151 = tpu.memref_slice %arg6[%dma_start3A_149, %dma_start3A_150] : memref<160x128xi32, #tpu.memory_space<vmem>> -> memref<160x128xi32, #tpu.memory_space<vmem>>
        %dma_start3A_152 = arith.constant 0 : i32
        %dma_start3A_153 = tpu.memref_slice %arg3[%mul3A_24, %dma_start3A_152] : memref<2560x128xi32, #tpu.memory_space<hbm>> -> memref<160x128xi32, #tpu.memory_space<hbm>>
        tpu.enqueue_dma source(%dma_start3A_153 : memref<160x128xi32, #tpu.memory_space<hbm>>) target(%dma_start3A_151 : memref<160x128xi32, #tpu.memory_space<vmem>>) target_semaphore(%run_scoped3A : memref<!tpu.dma_semaphore, #tpu.memory_space<semaphore_mem>>)
        %dma_wait3A_154 = arith.constant 0 : i32
        %dma_wait3A_155 = arith.constant 0 : i32
        %dma_wait3A_156 = tpu.memref_slice %arg6[%dma_wait3A_154, %dma_wait3A_155] : memref<160x128xi32, #tpu.memory_space<vmem>> -> memref<160x128xi32, #tpu.memory_space<vmem>>
        %dma_wait3A_157 = arith.constant 0 : i32
        %dma_wait3A_158 = tpu.memref_slice %arg3[%mul3A_24, %dma_wait3A_157] : memref<2560x128xi32, #tpu.memory_space<hbm>> -> memref<160x128xi32, #tpu.memory_space<hbm>>
        %dma_wait3A_159 = arith.constant 0 : i32
        %dma_wait3A_160 = arith.constant 0 : i32
        %dma_wait3A_161 = tpu.memref_slice %arg6[%dma_wait3A_159, %dma_wait3A_160] : memref<160x128xi32, #tpu.memory_space<vmem>> -> memref<160x128xi32, #tpu.memory_space<vmem>>
        %dma_wait3A_162 = arith.constant 0 : i32
        %dma_wait3A_163 = tpu.memref_slice %arg3[%mul3A_24, %dma_wait3A_162] : memref<2560x128xi32, #tpu.memory_space<hbm>> -> memref<160x128xi32, #tpu.memory_space<hbm>>
        tpu.wait_dma2 semaphore(%run_scoped3A : memref<!tpu.dma_semaphore, #tpu.memory_space<semaphore_mem>>) src(%dma_wait3A_163 : memref<160x128xi32, #tpu.memory_space<hbm>>) dst(%dma_wait3A_161 : memref<160x128xi32, #tpu.memory_space<vmem>>)
        tpu.yield
      }) : () -> ()
      "tpu.region"() ({
        %run_scoped3A = tpu.sem_alloc : memref<!tpu.dma_semaphore, #tpu.memory_space<semaphore_mem>>
        %dma_start3A_144 = arith.constant 0 : i32
        %dma_start3A_145 = arith.constant 0 : i32
        %dma_start3A_146 = tpu.memref_slice %arg7[%dma_start3A_144, %dma_start3A_145] : memref<160x128xi32, #tpu.memory_space<vmem>> -> memref<160x128xi32, #tpu.memory_space<vmem>>
        %dma_start3A_147 = arith.constant 0 : i32
        %dma_start3A_148 = tpu.memref_slice %arg4[%mul3A_24, %dma_start3A_147] : memref<2560x128xi32, #tpu.memory_space<hbm>> -> memref<160x128xi32, #tpu.memory_space<hbm>>
        %dma_start3A_149 = arith.constant 0 : i32
        %dma_start3A_150 = arith.constant 0 : i32
        %dma_start3A_151 = tpu.memref_slice %arg7[%dma_start3A_149, %dma_start3A_150] : memref<160x128xi32, #tpu.memory_space<vmem>> -> memref<160x128xi32, #tpu.memory_space<vmem>>
        %dma_start3A_152 = arith.constant 0 : i32
        %dma_start3A_153 = tpu.memref_slice %arg4[%mul3A_24, %dma_start3A_152] : memref<2560x128xi32, #tpu.memory_space<hbm>> -> memref<160x128xi32, #tpu.memory_space<hbm>>
        tpu.enqueue_dma source(%dma_start3A_153 : memref<160x128xi32, #tpu.memory_space<hbm>>) target(%dma_start3A_151 : memref<160x128xi32, #tpu.memory_space<vmem>>) target_semaphore(%run_scoped3A : memref<!tpu.dma_semaphore, #tpu.memory_space<semaphore_mem>>)
        %dma_wait3A_154 = arith.constant 0 : i32
        %dma_wait3A_155 = arith.constant 0 : i32
        %dma_wait3A_156 = tpu.memref_slice %arg7[%dma_wait3A_154, %dma_wait3A_155] : memref<160x128xi32, #tpu.memory_space<vmem>> -> memref<160x128xi32, #tpu.memory_space<vmem>>
        %dma_wait3A_157 = arith.constant 0 : i32
        %dma_wait3A_158 = tpu.memref_slice %arg4[%mul3A_24, %dma_wait3A_157] : memref<2560x128xi32, #tpu.memory_space<hbm>> -> memref<160x128xi32, #tpu.memory_space<hbm>>
        %dma_wait3A_159 = arith.constant 0 : i32
        %dma_wait3A_160 = arith.constant 0 : i32
        %dma_wait3A_161 = tpu.memref_slice %arg7[%dma_wait3A_159, %dma_wait3A_160] : memref<160x128xi32, #tpu.memory_space<vmem>> -> memref<160x128xi32, #tpu.memory_space<vmem>>
        %dma_wait3A_162 = arith.constant 0 : i32
        %dma_wait3A_163 = tpu.memref_slice %arg4[%mul3A_24, %dma_wait3A_162] : memref<2560x128xi32, #tpu.memory_space<hbm>> -> memref<160x128xi32, #tpu.memory_space<hbm>>
        tpu.wait_dma2 semaphore(%run_scoped3A : memref<!tpu.dma_semaphore, #tpu.memory_space<semaphore_mem>>) src(%dma_wait3A_163 : memref<160x128xi32, #tpu.memory_space<hbm>>) dst(%dma_wait3A_161 : memref<160x128xi32, #tpu.memory_space<vmem>>)
        tpu.yield
      }) : () -> ()
      %dma_start3A = arith.constant 0 : i32
      %dma_start3A_25 = arith.constant 0 : i32
      %dma_start3A_26 = arith.constant 0 : i32
      %dma_start3A_27 = arith.constant 0 : i32
      %dma_start3A_28 = tpu.memref_slice %arg8[%cond3A, %dma_start3A_26, %dma_start3A_27] : memref<4x128x64xf32, #tpu.memory_space<vmem>> -> memref<1x128x64xf32, #tpu.memory_space<vmem>>
      %dma_start3A_29 = tpu.memref_squeeze %dma_start3A_28 : memref<1x128x64xf32, #tpu.memory_space<vmem>> -> memref<128x64xf32, #tpu.memory_space<vmem>>
      %dma_start3A_30 = arith.constant 0 : i32
      %dma_start3A_31 = tpu.memref_slice %arg6[%dma_start3A, %dma_start3A_30] : memref<160x128xi32, #tpu.memory_space<vmem>> -> memref<1x128xi32, #tpu.memory_space<vmem>>
      %dma_start3A_32 = tpu.memref_squeeze %dma_start3A_31 : memref<1x128xi32, #tpu.memory_space<vmem>> -> memref<128xi32, #tpu.memory_space<vmem>>
      %dma_start3A_33 = arith.constant 0 : i32
      %dma_start3A_34 = arith.constant 0 : i32
      %dma_start3A_35 = tpu.memref_slice %arg2[%dma_start3A_33, %dma_start3A_34] : memref<10000x64xf32, #tpu.memory_space<hbm>> -> memref<10000x64xf32, #tpu.memory_space<hbm>>
      %dma_start3A_36 = tpu.memref_slice %arg11[%dma_start3A_25] : memref<4x!tpu.dma_semaphore, #tpu.memory_space<semaphore_mem>> -> memref<1x!tpu.dma_semaphore, #tpu.memory_space<semaphore_mem>>
      %dma_start3A_37 = tpu.memref_squeeze %dma_start3A_36 : memref<1x!tpu.dma_semaphore, #tpu.memory_space<semaphore_mem>> -> memref<!tpu.dma_semaphore, #tpu.memory_space<semaphore_mem>>
      tpu.enqueue_indirect_dma source(%dma_start3A_35 : memref<10000x64xf32, #tpu.memory_space<hbm>>) target(%dma_start3A_29 : memref<128x64xf32, #tpu.memory_space<vmem>>) offsets(%dma_start3A_32 : memref<128xi32, #tpu.memory_space<vmem>>) semaphore(%dma_start3A_37 : memref<!tpu.dma_semaphore, #tpu.memory_space<semaphore_mem>>)
      %dma_start3A_38 = arith.constant 1 : i32
      %dma_start3A_39 = arith.constant 1 : i32
      %dma_start3A_40 = arith.constant 0 : i32
      %dma_start3A_41 = arith.constant 0 : i32
      %dma_start3A_42 = tpu.memref_slice %arg8[%cond3A_13, %dma_start3A_40, %dma_start3A_41] : memref<4x128x64xf32, #tpu.memory_space<vmem>> -> memref<1x128x64xf32, #tpu.memory_space<vmem>>
      %dma_start3A_43 = tpu.memref_squeeze %dma_start3A_42 : memref<1x128x64xf32, #tpu.memory_space<vmem>> -> memref<128x64xf32, #tpu.memory_space<vmem>>
      %dma_start3A_44 = arith.constant 0 : i32
      %dma_start3A_45 = tpu.memref_slice %arg6[%dma_start3A_38, %dma_start3A_44] : memref<160x128xi32, #tpu.memory_space<vmem>> -> memref<1x128xi32, #tpu.memory_space<vmem>>
      %dma_start3A_46 = tpu.memref_squeeze %dma_start3A_45 : memref<1x128xi32, #tpu.memory_space<vmem>> -> memref<128xi32, #tpu.memory_space<vmem>>
      %dma_start3A_47 = arith.constant 0 : i32
      %dma_start3A_48 = arith.constant 0 : i32
      %dma_start3A_49 = tpu.memref_slice %arg2[%dma_start3A_47, %dma_start3A_48] : memref<10000x64xf32, #tpu.memory_space<hbm>> -> memref<10000x64xf32, #tpu.memory_space<hbm>>
      %dma_start3A_50 = tpu.memref_slice %arg11[%dma_start3A_39] : memref<4x!tpu.dma_semaphore, #tpu.memory_space<semaphore_mem>> -> memref<1x!tpu.dma_semaphore, #tpu.memory_space<semaphore_mem>>
      %dma_start3A_51 = tpu.memref_squeeze %dma_start3A_50 : memref<1x!tpu.dma_semaphore, #tpu.memory_space<semaphore_mem>> -> memref<!tpu.dma_semaphore, #tpu.memory_space<semaphore_mem>>
      tpu.enqueue_indirect_dma source(%dma_start3A_49 : memref<10000x64xf32, #tpu.memory_space<hbm>>) target(%dma_start3A_43 : memref<128x64xf32, #tpu.memory_space<vmem>>) offsets(%dma_start3A_46 : memref<128xi32, #tpu.memory_space<vmem>>) semaphore(%dma_start3A_51 : memref<!tpu.dma_semaphore, #tpu.memory_space<semaphore_mem>>)
      %dma_start3A_52 = arith.constant 2 : i32
      %dma_start3A_53 = arith.constant 2 : i32
      %dma_start3A_54 = arith.constant 0 : i32
      %dma_start3A_55 = arith.constant 0 : i32
      %dma_start3A_56 = tpu.memref_slice %arg8[%cond3A_14, %dma_start3A_54, %dma_start3A_55] : memref<4x128x64xf32, #tpu.memory_space<vmem>> -> memref<1x128x64xf32, #tpu.memory_space<vmem>>
      %dma_start3A_57 = tpu.memref_squeeze %dma_start3A_56 : memref<1x128x64xf32, #tpu.memory_space<vmem>> -> memref<128x64xf32, #tpu.memory_space<vmem>>
      %dma_start3A_58 = arith.constant 0 : i32
      %dma_start3A_59 = tpu.memref_slice %arg6[%dma_start3A_52, %dma_start3A_58] : memref<160x128xi32, #tpu.memory_space<vmem>> -> memref<1x128xi32, #tpu.memory_space<vmem>>
      %dma_start3A_60 = tpu.memref_squeeze %dma_start3A_59 : memref<1x128xi32, #tpu.memory_space<vmem>> -> memref<128xi32, #tpu.memory_space<vmem>>
      %dma_start3A_61 = arith.constant 0 : i32
      %dma_start3A_62 = arith.constant 0 : i32
      %dma_start3A_63 = tpu.memref_slice %arg2[%dma_start3A_61, %dma_start3A_62] : memref<10000x64xf32, #tpu.memory_space<hbm>> -> memref<10000x64xf32, #tpu.memory_space<hbm>>
      %dma_start3A_64 = tpu.memref_slice %arg11[%dma_start3A_53] : memref<4x!tpu.dma_semaphore, #tpu.memory_space<semaphore_mem>> -> memref<1x!tpu.dma_semaphore, #tpu.memory_space<semaphore_mem>>
      %dma_start3A_65 = tpu.memref_squeeze %dma_start3A_64 : memref<1x!tpu.dma_semaphore, #tpu.memory_space<semaphore_mem>> -> memref<!tpu.dma_semaphore, #tpu.memory_space<semaphore_mem>>
      tpu.enqueue_indirect_dma source(%dma_start3A_63 : memref<10000x64xf32, #tpu.memory_space<hbm>>) target(%dma_start3A_57 : memref<128x64xf32, #tpu.memory_space<vmem>>) offsets(%dma_start3A_60 : memref<128xi32, #tpu.memory_space<vmem>>) semaphore(%dma_start3A_65 : memref<!tpu.dma_semaphore, #tpu.memory_space<semaphore_mem>>)
      %dma_start3A_66 = arith.constant 3 : i32
      %dma_start3A_67 = arith.constant 0 : i32
      %dma_start3A_68 = arith.constant 0 : i32
      %dma_start3A_69 = tpu.memref_slice %arg8[%cond3A_15, %dma_start3A_67, %dma_start3A_68] : memref<4x128x64xf32, #tpu.memory_space<vmem>> -> memref<1x128x64xf32, #tpu.memory_space<vmem>>
      %dma_start3A_70 = tpu.memref_squeeze %dma_start3A_69 : memref<1x128x64xf32, #tpu.memory_space<vmem>> -> memref<128x64xf32, #tpu.memory_space<vmem>>
      %dma_start3A_71 = arith.constant 10000 : i32
      %dma_start3A_72 = arith.constant 0 : i32
      %dma_start3A_73 = tpu.memref_slice %arg10[%dma_start3A_71, %dma_start3A_72] : memref<10240x64xf32, #tpu.memory_space<vmem_shared>> -> memref<128x64xf32, #tpu.memory_space<vmem_shared>>
      %dma_start3A_74 = tpu.memref_slice %arg12[%dma_start3A_66] : memref<4x!tpu.dma_semaphore, #tpu.memory_space<semaphore_mem>> -> memref<1x!tpu.dma_semaphore, #tpu.memory_space<semaphore_mem>>
      %dma_start3A_75 = tpu.memref_squeeze %dma_start3A_74 : memref<1x!tpu.dma_semaphore, #tpu.memory_space<semaphore_mem>> -> memref<!tpu.dma_semaphore, #tpu.memory_space<semaphore_mem>>
      %dma_start3A_76 = arith.constant 10000 : i32
      %dma_start3A_77 = arith.constant 0 : i32
      %dma_start3A_78 = tpu.memref_slice %arg10[%dma_start3A_76, %dma_start3A_77] : memref<10240x64xf32, #tpu.memory_space<vmem_shared>> -> memref<128x64xf32, #tpu.memory_space<vmem_shared>>
      %dma_start3A_79 = arith.constant 0 : i32
      %dma_start3A_80 = arith.constant 0 : i32
      %dma_start3A_81 = tpu.memref_slice %arg8[%cond3A_15, %dma_start3A_79, %dma_start3A_80] : memref<4x128x64xf32, #tpu.memory_space<vmem>> -> memref<1x128x64xf32, #tpu.memory_space<vmem>>
      %dma_start3A_82 = tpu.memref_squeeze %dma_start3A_81 : memref<1x128x64xf32, #tpu.memory_space<vmem>> -> memref<128x64xf32, #tpu.memory_space<vmem>>
      tpu.enqueue_dma source(%dma_start3A_82 : memref<128x64xf32, #tpu.memory_space<vmem>>) target(%dma_start3A_78 : memref<128x64xf32, #tpu.memory_space<vmem_shared>>) target_semaphore(%dma_start3A_75 : memref<!tpu.dma_semaphore, #tpu.memory_space<semaphore_mem>>)
      %scan3A_83 = arith.constant 0 : i32
      %scan3A_84 = arith.constant 0 : i32
      %scan3A_85 = arith.constant 40 : i32
      %scan3A_86 = arith.addi %scan3A_84, %scan3A_85 : i32
      %scan3A_87 = arith.constant 1 : i32
      scf.for %scan3A_144 = %scan3A_84 to %scan3A_86 step %scan3A_87  : i32 {
        %mul3A_145 = arith.constant 4 : i32
        %mul3A_146 = arith.muli %mul3A_145, %scan3A_144 : i32
        %add3A_147 = arith.constant 0 : i32
        %add3A_148 = arith.addi %mul3A_146, %add3A_147 : i32
        %dma_wait3A_149 = arith.constant 0 : i32
        %dma_wait3A_150 = arith.constant 0 : i32
        %dma_wait3A_151 = arith.constant 0 : i32
        %dma_wait3A_152 = arith.constant 0 : i32
        %dma_wait3A_153 = tpu.memref_slice %arg8[%cond3A, %dma_wait3A_151, %dma_wait3A_152] : memref<4x128x64xf32, #tpu.memory_space<vmem>> -> memref<1x128x64xf32, #tpu.memory_space<vmem>>
        %dma_wait3A_154 = tpu.memref_squeeze %dma_wait3A_153 : memref<1x128x64xf32, #tpu.memory_space<vmem>> -> memref<128x64xf32, #tpu.memory_space<vmem>>
        %dma_wait3A_155 = arith.constant 0 : i32
        %dma_wait3A_156 = tpu.memref_slice %arg6[%dma_wait3A_149, %dma_wait3A_155] : memref<160x128xi32, #tpu.memory_space<vmem>> -> memref<1x128xi32, #tpu.memory_space<vmem>>
        %dma_wait3A_157 = tpu.memref_squeeze %dma_wait3A_156 : memref<1x128xi32, #tpu.memory_space<vmem>> -> memref<128xi32, #tpu.memory_space<vmem>>
        %dma_wait3A_158 = arith.constant 0 : i32
        %dma_wait3A_159 = arith.constant 0 : i32
        %dma_wait3A_160 = tpu.memref_slice %arg2[%dma_wait3A_158, %dma_wait3A_159] : memref<10000x64xf32, #tpu.memory_space<hbm>> -> memref<10000x64xf32, #tpu.memory_space<hbm>>
        %dma_wait3A_161 = tpu.memref_slice %arg11[%dma_wait3A_150] : memref<4x!tpu.dma_semaphore, #tpu.memory_space<semaphore_mem>> -> memref<1x!tpu.dma_semaphore, #tpu.memory_space<semaphore_mem>>
        %dma_wait3A_162 = tpu.memref_squeeze %dma_wait3A_161 : memref<1x!tpu.dma_semaphore, #tpu.memory_space<semaphore_mem>> -> memref<!tpu.dma_semaphore, #tpu.memory_space<semaphore_mem>>
        tpu.wait_indirect_dma semaphore(%dma_wait3A_162 : memref<!tpu.dma_semaphore, #tpu.memory_space<semaphore_mem>>) src(%dma_wait3A_160 : memref<10000x64xf32, #tpu.memory_space<hbm>>) dst(%dma_wait3A_154 : memref<128x64xf32, #tpu.memory_space<vmem>>)
        %dma_start3A_163 = arith.constant 0 : i32
        %dma_start3A_164 = arith.constant 0 : i32
        %dma_start3A_165 = arith.constant 0 : i32
        %dma_start3A_166 = tpu.memref_slice %arg8[%cond3A, %dma_start3A_164, %dma_start3A_165] : memref<4x128x64xf32, #tpu.memory_space<vmem>> -> memref<1x128x64xf32, #tpu.memory_space<vmem>>
        %dma_start3A_167 = tpu.memref_squeeze %dma_start3A_166 : memref<1x128x64xf32, #tpu.memory_space<vmem>> -> memref<128x64xf32, #tpu.memory_space<vmem>>
        %dma_start3A_168 = arith.constant 0 : i32
        %dma_start3A_169 = tpu.memref_slice %arg7[%add3A_148, %dma_start3A_168] : memref<160x128xi32, #tpu.memory_space<vmem>> -> memref<1x128xi32, #tpu.memory_space<vmem>>
        %dma_start3A_170 = tpu.memref_squeeze %dma_start3A_169 : memref<1x128xi32, #tpu.memory_space<vmem>> -> memref<128xi32, #tpu.memory_space<vmem>>
        %dma_start3A_171 = arith.constant 0 : i32
        %dma_start3A_172 = arith.constant 0 : i32
        %dma_start3A_173 = tpu.memref_slice %arg10[%dma_start3A_171, %dma_start3A_172] : memref<10240x64xf32, #tpu.memory_space<vmem_shared>> -> memref<10240x64xf32, #tpu.memory_space<vmem_shared>>
        %dma_start3A_174 = tpu.memref_slice %arg12[%dma_start3A_163] : memref<4x!tpu.dma_semaphore, #tpu.memory_space<semaphore_mem>> -> memref<1x!tpu.dma_semaphore, #tpu.memory_space<semaphore_mem>>
        %dma_start3A_175 = tpu.memref_squeeze %dma_start3A_174 : memref<1x!tpu.dma_semaphore, #tpu.memory_space<semaphore_mem>> -> memref<!tpu.dma_semaphore, #tpu.memory_space<semaphore_mem>>
        tpu.enqueue_indirect_dma source(%dma_start3A_167 : memref<128x64xf32, #tpu.memory_space<vmem>>) target(%dma_start3A_173 : memref<10240x64xf32, #tpu.memory_space<vmem_shared>>) offsets(%dma_start3A_170 : memref<128xi32, #tpu.memory_space<vmem>>) semaphore(%dma_start3A_175 : memref<!tpu.dma_semaphore, #tpu.memory_space<semaphore_mem>>) {add = true}
        %add3A_176 = arith.constant 4 : i32
        %add3A_177 = arith.addi %add3A_148, %add3A_176 : i32
        %sub3A = arith.constant 1 : i32
        %sub3A_178 = arith.subi %add3A_177, %sub3A : i32
        %lt3A = arith.constant 160 : i32
        %lt3A_179 = arith.cmpi slt, %sub3A_178, %lt3A : i32
        %convert_element_type3A_180 = arith.extui %lt3A_179 : i1 to i32
        %cond3A_181 = arith.constant 0 : i32
        %cond3A_182 = arith.cmpi ne, %convert_element_type3A_180, %cond3A_181 : i32
        scf.if %cond3A_182 {
          %dma_wait3A_303 = arith.constant 0 : i32
          %dma_wait3A_304 = arith.constant 3 : i32
          %dma_wait3A_305 = arith.constant 0 : i32
          %dma_wait3A_306 = arith.constant 0 : i32
          %dma_wait3A_307 = tpu.memref_slice %arg8[%cond3A_15, %dma_wait3A_305, %dma_wait3A_306] : memref<4x128x64xf32, #tpu.memory_space<vmem>> -> memref<1x128x64xf32, #tpu.memory_space<vmem>>
          %dma_wait3A_308 = tpu.memref_squeeze %dma_wait3A_307 : memref<1x128x64xf32, #tpu.memory_space<vmem>> -> memref<128x64xf32, #tpu.memory_space<vmem>>
          %dma_wait3A_309 = arith.constant 0 : i32
          %dma_wait3A_310 = tpu.memref_slice %arg7[%dma_wait3A_303, %dma_wait3A_309] : memref<160x128xi32, #tpu.memory_space<vmem>> -> memref<1x128xi32, #tpu.memory_space<vmem>>
          %dma_wait3A_311 = tpu.memref_squeeze %dma_wait3A_310 : memref<1x128xi32, #tpu.memory_space<vmem>> -> memref<128xi32, #tpu.memory_space<vmem>>
          %dma_wait3A_312 = arith.constant 0 : i32
          %dma_wait3A_313 = arith.constant 0 : i32
          %dma_wait3A_314 = tpu.memref_slice %arg10[%dma_wait3A_312, %dma_wait3A_313] : memref<10240x64xf32, #tpu.memory_space<vmem_shared>> -> memref<10240x64xf32, #tpu.memory_space<vmem_shared>>
          %dma_wait3A_315 = tpu.memref_slice %arg12[%dma_wait3A_304] : memref<4x!tpu.dma_semaphore, #tpu.memory_space<semaphore_mem>> -> memref<1x!tpu.dma_semaphore, #tpu.memory_space<semaphore_mem>>
          %dma_wait3A_316 = tpu.memref_squeeze %dma_wait3A_315 : memref<1x!tpu.dma_semaphore, #tpu.memory_space<semaphore_mem>> -> memref<!tpu.dma_semaphore, #tpu.memory_space<semaphore_mem>>
          tpu.wait_indirect_dma semaphore(%dma_wait3A_316 : memref<!tpu.dma_semaphore, #tpu.memory_space<semaphore_mem>>) src(%dma_wait3A_308 : memref<128x64xf32, #tpu.memory_space<vmem>>) dst(%dma_wait3A_314 : memref<10240x64xf32, #tpu.memory_space<vmem_shared>>)
          %dma_start3A_317 = arith.constant 3 : i32
          %dma_start3A_318 = arith.constant 0 : i32
          %dma_start3A_319 = arith.constant 0 : i32
          %dma_start3A_320 = tpu.memref_slice %arg8[%cond3A_15, %dma_start3A_318, %dma_start3A_319] : memref<4x128x64xf32, #tpu.memory_space<vmem>> -> memref<1x128x64xf32, #tpu.memory_space<vmem>>
          %dma_start3A_321 = tpu.memref_squeeze %dma_start3A_320 : memref<1x128x64xf32, #tpu.memory_space<vmem>> -> memref<128x64xf32, #tpu.memory_space<vmem>>
          %dma_start3A_322 = arith.constant 0 : i32
          %dma_start3A_323 = tpu.memref_slice %arg6[%sub3A_178, %dma_start3A_322] : memref<160x128xi32, #tpu.memory_space<vmem>> -> memref<1x128xi32, #tpu.memory_space<vmem>>
          %dma_start3A_324 = tpu.memref_squeeze %dma_start3A_323 : memref<1x128xi32, #tpu.memory_space<vmem>> -> memref<128xi32, #tpu.memory_space<vmem>>
          %dma_start3A_325 = arith.constant 0 : i32
          %dma_start3A_326 = arith.constant 0 : i32
          %dma_start3A_327 = tpu.memref_slice %arg2[%dma_start3A_325, %dma_start3A_326] : memref<10000x64xf32, #tpu.memory_space<hbm>> -> memref<10000x64xf32, #tpu.memory_space<hbm>>
          %dma_start3A_328 = tpu.memref_slice %arg11[%dma_start3A_317] : memref<4x!tpu.dma_semaphore, #tpu.memory_space<semaphore_mem>> -> memref<1x!tpu.dma_semaphore, #tpu.memory_space<semaphore_mem>>
          %dma_start3A_329 = tpu.memref_squeeze %dma_start3A_328 : memref<1x!tpu.dma_semaphore, #tpu.memory_space<semaphore_mem>> -> memref<!tpu.dma_semaphore, #tpu.memory_space<semaphore_mem>>
          tpu.enqueue_indirect_dma source(%dma_start3A_327 : memref<10000x64xf32, #tpu.memory_space<hbm>>) target(%dma_start3A_321 : memref<128x64xf32, #tpu.memory_space<vmem>>) offsets(%dma_start3A_324 : memref<128xi32, #tpu.memory_space<vmem>>) semaphore(%dma_start3A_329 : memref<!tpu.dma_semaphore, #tpu.memory_space<semaphore_mem>>)
        } else {
        }
        %mul3A_183 = arith.constant 4 : i32
        %mul3A_184 = arith.muli %mul3A_183, %scan3A_144 : i32
        %add3A_185 = arith.constant 1 : i32
        %add3A_186 = arith.addi %mul3A_184, %add3A_185 : i32
        %dma_wait3A_187 = arith.constant 0 : i32
        %dma_wait3A_188 = arith.constant 1 : i32
        %dma_wait3A_189 = arith.constant 0 : i32
        %dma_wait3A_190 = arith.constant 0 : i32
        %dma_wait3A_191 = tpu.memref_slice %arg8[%cond3A_13, %dma_wait3A_189, %dma_wait3A_190] : memref<4x128x64xf32, #tpu.memory_space<vmem>> -> memref<1x128x64xf32, #tpu.memory_space<vmem>>
        %dma_wait3A_192 = tpu.memref_squeeze %dma_wait3A_191 : memref<1x128x64xf32, #tpu.memory_space<vmem>> -> memref<128x64xf32, #tpu.memory_space<vmem>>
        %dma_wait3A_193 = arith.constant 0 : i32
        %dma_wait3A_194 = tpu.memref_slice %arg6[%dma_wait3A_187, %dma_wait3A_193] : memref<160x128xi32, #tpu.memory_space<vmem>> -> memref<1x128xi32, #tpu.memory_space<vmem>>
        %dma_wait3A_195 = tpu.memref_squeeze %dma_wait3A_194 : memref<1x128xi32, #tpu.memory_space<vmem>> -> memref<128xi32, #tpu.memory_space<vmem>>
        %dma_wait3A_196 = arith.constant 0 : i32
        %dma_wait3A_197 = arith.constant 0 : i32
        %dma_wait3A_198 = tpu.memref_slice %arg2[%dma_wait3A_196, %dma_wait3A_197] : memref<10000x64xf32, #tpu.memory_space<hbm>> -> memref<10000x64xf32, #tpu.memory_space<hbm>>
        %dma_wait3A_199 = tpu.memref_slice %arg11[%dma_wait3A_188] : memref<4x!tpu.dma_semaphore, #tpu.memory_space<semaphore_mem>> -> memref<1x!tpu.dma_semaphore, #tpu.memory_space<semaphore_mem>>
        %dma_wait3A_200 = tpu.memref_squeeze %dma_wait3A_199 : memref<1x!tpu.dma_semaphore, #tpu.memory_space<semaphore_mem>> -> memref<!tpu.dma_semaphore, #tpu.memory_space<semaphore_mem>>
        tpu.wait_indirect_dma semaphore(%dma_wait3A_200 : memref<!tpu.dma_semaphore, #tpu.memory_space<semaphore_mem>>) src(%dma_wait3A_198 : memref<10000x64xf32, #tpu.memory_space<hbm>>) dst(%dma_wait3A_192 : memref<128x64xf32, #tpu.memory_space<vmem>>)
        %dma_start3A_201 = arith.constant 1 : i32
        %dma_start3A_202 = arith.constant 0 : i32
        %dma_start3A_203 = arith.constant 0 : i32
        %dma_start3A_204 = tpu.memref_slice %arg8[%cond3A_13, %dma_start3A_202, %dma_start3A_203] : memref<4x128x64xf32, #tpu.memory_space<vmem>> -> memref<1x128x64xf32, #tpu.memory_space<vmem>>
        %dma_start3A_205 = tpu.memref_squeeze %dma_start3A_204 : memref<1x128x64xf32, #tpu.memory_space<vmem>> -> memref<128x64xf32, #tpu.memory_space<vmem>>
        %dma_start3A_206 = arith.constant 0 : i32
        %dma_start3A_207 = tpu.memref_slice %arg7[%add3A_186, %dma_start3A_206] : memref<160x128xi32, #tpu.memory_space<vmem>> -> memref<1x128xi32, #tpu.memory_space<vmem>>
        %dma_start3A_208 = tpu.memref_squeeze %dma_start3A_207 : memref<1x128xi32, #tpu.memory_space<vmem>> -> memref<128xi32, #tpu.memory_space<vmem>>
        %dma_start3A_209 = arith.constant 0 : i32
        %dma_start3A_210 = arith.constant 0 : i32
        %dma_start3A_211 = tpu.memref_slice %arg10[%dma_start3A_209, %dma_start3A_210] : memref<10240x64xf32, #tpu.memory_space<vmem_shared>> -> memref<10240x64xf32, #tpu.memory_space<vmem_shared>>
        %dma_start3A_212 = tpu.memref_slice %arg12[%dma_start3A_201] : memref<4x!tpu.dma_semaphore, #tpu.memory_space<semaphore_mem>> -> memref<1x!tpu.dma_semaphore, #tpu.memory_space<semaphore_mem>>
        %dma_start3A_213 = tpu.memref_squeeze %dma_start3A_212 : memref<1x!tpu.dma_semaphore, #tpu.memory_space<semaphore_mem>> -> memref<!tpu.dma_semaphore, #tpu.memory_space<semaphore_mem>>
        tpu.enqueue_indirect_dma source(%dma_start3A_205 : memref<128x64xf32, #tpu.memory_space<vmem>>) target(%dma_start3A_211 : memref<10240x64xf32, #tpu.memory_space<vmem_shared>>) offsets(%dma_start3A_208 : memref<128xi32, #tpu.memory_space<vmem>>) semaphore(%dma_start3A_213 : memref<!tpu.dma_semaphore, #tpu.memory_space<semaphore_mem>>) {add = true}
        %add3A_214 = arith.constant 4 : i32
        %add3A_215 = arith.addi %add3A_186, %add3A_214 : i32
        %sub3A_216 = arith.constant 1 : i32
        %sub3A_217 = arith.subi %add3A_215, %sub3A_216 : i32
        %lt3A_218 = arith.constant 160 : i32
        %lt3A_219 = arith.cmpi slt, %sub3A_217, %lt3A_218 : i32
        %convert_element_type3A_220 = arith.extui %lt3A_219 : i1 to i32
        %cond3A_221 = arith.constant 0 : i32
        %cond3A_222 = arith.cmpi ne, %convert_element_type3A_220, %cond3A_221 : i32
        scf.if %cond3A_222 {
          %dma_wait3A_303 = arith.constant 0 : i32
          %dma_wait3A_304 = arith.constant 0 : i32
          %dma_wait3A_305 = arith.constant 0 : i32
          %dma_wait3A_306 = arith.constant 0 : i32
          %dma_wait3A_307 = tpu.memref_slice %arg8[%cond3A, %dma_wait3A_305, %dma_wait3A_306] : memref<4x128x64xf32, #tpu.memory_space<vmem>> -> memref<1x128x64xf32, #tpu.memory_space<vmem>>
          %dma_wait3A_308 = tpu.memref_squeeze %dma_wait3A_307 : memref<1x128x64xf32, #tpu.memory_space<vmem>> -> memref<128x64xf32, #tpu.memory_space<vmem>>
          %dma_wait3A_309 = arith.constant 0 : i32
          %dma_wait3A_310 = tpu.memref_slice %arg7[%dma_wait3A_303, %dma_wait3A_309] : memref<160x128xi32, #tpu.memory_space<vmem>> -> memref<1x128xi32, #tpu.memory_space<vmem>>
          %dma_wait3A_311 = tpu.memref_squeeze %dma_wait3A_310 : memref<1x128xi32, #tpu.memory_space<vmem>> -> memref<128xi32, #tpu.memory_space<vmem>>
          %dma_wait3A_312 = arith.constant 0 : i32
          %dma_wait3A_313 = arith.constant 0 : i32
          %dma_wait3A_314 = tpu.memref_slice %arg10[%dma_wait3A_312, %dma_wait3A_313] : memref<10240x64xf32, #tpu.memory_space<vmem_shared>> -> memref<10240x64xf32, #tpu.memory_space<vmem_shared>>
          %dma_wait3A_315 = tpu.memref_slice %arg12[%dma_wait3A_304] : memref<4x!tpu.dma_semaphore, #tpu.memory_space<semaphore_mem>> -> memref<1x!tpu.dma_semaphore, #tpu.memory_space<semaphore_mem>>
          %dma_wait3A_316 = tpu.memref_squeeze %dma_wait3A_315 : memref<1x!tpu.dma_semaphore, #tpu.memory_space<semaphore_mem>> -> memref<!tpu.dma_semaphore, #tpu.memory_space<semaphore_mem>>
          tpu.wait_indirect_dma semaphore(%dma_wait3A_316 : memref<!tpu.dma_semaphore, #tpu.memory_space<semaphore_mem>>) src(%dma_wait3A_308 : memref<128x64xf32, #tpu.memory_space<vmem>>) dst(%dma_wait3A_314 : memref<10240x64xf32, #tpu.memory_space<vmem_shared>>)
          %dma_start3A_317 = arith.constant 0 : i32
          %dma_start3A_318 = arith.constant 0 : i32
          %dma_start3A_319 = arith.constant 0 : i32
          %dma_start3A_320 = tpu.memref_slice %arg8[%cond3A, %dma_start3A_318, %dma_start3A_319] : memref<4x128x64xf32, #tpu.memory_space<vmem>> -> memref<1x128x64xf32, #tpu.memory_space<vmem>>
          %dma_start3A_321 = tpu.memref_squeeze %dma_start3A_320 : memref<1x128x64xf32, #tpu.memory_space<vmem>> -> memref<128x64xf32, #tpu.memory_space<vmem>>
          %dma_start3A_322 = arith.constant 0 : i32
          %dma_start3A_323 = tpu.memref_slice %arg6[%sub3A_217, %dma_start3A_322] : memref<160x128xi32, #tpu.memory_space<vmem>> -> memref<1x128xi32, #tpu.memory_space<vmem>>
          %dma_start3A_324 = tpu.memref_squeeze %dma_start3A_323 : memref<1x128xi32, #tpu.memory_space<vmem>> -> memref<128xi32, #tpu.memory_space<vmem>>
          %dma_start3A_325 = arith.constant 0 : i32
          %dma_start3A_326 = arith.constant 0 : i32
          %dma_start3A_327 = tpu.memref_slice %arg2[%dma_start3A_325, %dma_start3A_326] : memref<10000x64xf32, #tpu.memory_space<hbm>> -> memref<10000x64xf32, #tpu.memory_space<hbm>>
          %dma_start3A_328 = tpu.memref_slice %arg11[%dma_start3A_317] : memref<4x!tpu.dma_semaphore, #tpu.memory_space<semaphore_mem>> -> memref<1x!tpu.dma_semaphore, #tpu.memory_space<semaphore_mem>>
          %dma_start3A_329 = tpu.memref_squeeze %dma_start3A_328 : memref<1x!tpu.dma_semaphore, #tpu.memory_space<semaphore_mem>> -> memref<!tpu.dma_semaphore, #tpu.memory_space<semaphore_mem>>
          tpu.enqueue_indirect_dma source(%dma_start3A_327 : memref<10000x64xf32, #tpu.memory_space<hbm>>) target(%dma_start3A_321 : memref<128x64xf32, #tpu.memory_space<vmem>>) offsets(%dma_start3A_324 : memref<128xi32, #tpu.memory_space<vmem>>) semaphore(%dma_start3A_329 : memref<!tpu.dma_semaphore, #tpu.memory_space<semaphore_mem>>)
        } else {
        }
        %mul3A_223 = arith.constant 4 : i32
        %mul3A_224 = arith.muli %mul3A_223, %scan3A_144 : i32
        %add3A_225 = arith.constant 2 : i32
        %add3A_226 = arith.addi %mul3A_224, %add3A_225 : i32
        %dma_wait3A_227 = arith.constant 0 : i32
        %dma_wait3A_228 = arith.constant 2 : i32
        %dma_wait3A_229 = arith.constant 0 : i32
        %dma_wait3A_230 = arith.constant 0 : i32
        %dma_wait3A_231 = tpu.memref_slice %arg8[%cond3A_14, %dma_wait3A_229, %dma_wait3A_230] : memref<4x128x64xf32, #tpu.memory_space<vmem>> -> memref<1x128x64xf32, #tpu.memory_space<vmem>>
        %dma_wait3A_232 = tpu.memref_squeeze %dma_wait3A_231 : memref<1x128x64xf32, #tpu.memory_space<vmem>> -> memref<128x64xf32, #tpu.memory_space<vmem>>
        %dma_wait3A_233 = arith.constant 0 : i32
        %dma_wait3A_234 = tpu.memref_slice %arg6[%dma_wait3A_227, %dma_wait3A_233] : memref<160x128xi32, #tpu.memory_space<vmem>> -> memref<1x128xi32, #tpu.memory_space<vmem>>
        %dma_wait3A_235 = tpu.memref_squeeze %dma_wait3A_234 : memref<1x128xi32, #tpu.memory_space<vmem>> -> memref<128xi32, #tpu.memory_space<vmem>>
        %dma_wait3A_236 = arith.constant 0 : i32
        %dma_wait3A_237 = arith.constant 0 : i32
        %dma_wait3A_238 = tpu.memref_slice %arg2[%dma_wait3A_236, %dma_wait3A_237] : memref<10000x64xf32, #tpu.memory_space<hbm>> -> memref<10000x64xf32, #tpu.memory_space<hbm>>
        %dma_wait3A_239 = tpu.memref_slice %arg11[%dma_wait3A_228] : memref<4x!tpu.dma_semaphore, #tpu.memory_space<semaphore_mem>> -> memref<1x!tpu.dma_semaphore, #tpu.memory_space<semaphore_mem>>
        %dma_wait3A_240 = tpu.memref_squeeze %dma_wait3A_239 : memref<1x!tpu.dma_semaphore, #tpu.memory_space<semaphore_mem>> -> memref<!tpu.dma_semaphore, #tpu.memory_space<semaphore_mem>>
        tpu.wait_indirect_dma semaphore(%dma_wait3A_240 : memref<!tpu.dma_semaphore, #tpu.memory_space<semaphore_mem>>) src(%dma_wait3A_238 : memref<10000x64xf32, #tpu.memory_space<hbm>>) dst(%dma_wait3A_232 : memref<128x64xf32, #tpu.memory_space<vmem>>)
        %dma_start3A_241 = arith.constant 2 : i32
        %dma_start3A_242 = arith.constant 0 : i32
        %dma_start3A_243 = arith.constant 0 : i32
        %dma_start3A_244 = tpu.memref_slice %arg8[%cond3A_14, %dma_start3A_242, %dma_start3A_243] : memref<4x128x64xf32, #tpu.memory_space<vmem>> -> memref<1x128x64xf32, #tpu.memory_space<vmem>>
        %dma_start3A_245 = tpu.memref_squeeze %dma_start3A_244 : memref<1x128x64xf32, #tpu.memory_space<vmem>> -> memref<128x64xf32, #tpu.memory_space<vmem>>
        %dma_start3A_246 = arith.constant 0 : i32
        %dma_start3A_247 = tpu.memref_slice %arg7[%add3A_226, %dma_start3A_246] : memref<160x128xi32, #tpu.memory_space<vmem>> -> memref<1x128xi32, #tpu.memory_space<vmem>>
        %dma_start3A_248 = tpu.memref_squeeze %dma_start3A_247 : memref<1x128xi32, #tpu.memory_space<vmem>> -> memref<128xi32, #tpu.memory_space<vmem>>
        %dma_start3A_249 = arith.constant 0 : i32
        %dma_start3A_250 = arith.constant 0 : i32
        %dma_start3A_251 = tpu.memref_slice %arg10[%dma_start3A_249, %dma_start3A_250] : memref<10240x64xf32, #tpu.memory_space<vmem_shared>> -> memref<10240x64xf32, #tpu.memory_space<vmem_shared>>
        %dma_start3A_252 = tpu.memref_slice %arg12[%dma_start3A_241] : memref<4x!tpu.dma_semaphore, #tpu.memory_space<semaphore_mem>> -> memref<1x!tpu.dma_semaphore, #tpu.memory_space<semaphore_mem>>
        %dma_start3A_253 = tpu.memref_squeeze %dma_start3A_252 : memref<1x!tpu.dma_semaphore, #tpu.memory_space<semaphore_mem>> -> memref<!tpu.dma_semaphore, #tpu.memory_space<semaphore_mem>>
        tpu.enqueue_indirect_dma source(%dma_start3A_245 : memref<128x64xf32, #tpu.memory_space<vmem>>) target(%dma_start3A_251 : memref<10240x64xf32, #tpu.memory_space<vmem_shared>>) offsets(%dma_start3A_248 : memref<128xi32, #tpu.memory_space<vmem>>) semaphore(%dma_start3A_253 : memref<!tpu.dma_semaphore, #tpu.memory_space<semaphore_mem>>) {add = true}
        %add3A_254 = arith.constant 4 : i32
        %add3A_255 = arith.addi %add3A_226, %add3A_254 : i32
        %sub3A_256 = arith.constant 1 : i32
        %sub3A_257 = arith.subi %add3A_255, %sub3A_256 : i32
        %lt3A_258 = arith.constant 160 : i32
        %lt3A_259 = arith.cmpi slt, %sub3A_257, %lt3A_258 : i32
        %convert_element_type3A_260 = arith.extui %lt3A_259 : i1 to i32
        %cond3A_261 = arith.constant 0 : i32
        %cond3A_262 = arith.cmpi ne, %convert_element_type3A_260, %cond3A_261 : i32
        scf.if %cond3A_262 {
          %dma_wait3A_303 = arith.constant 0 : i32
          %dma_wait3A_304 = arith.constant 1 : i32
          %dma_wait3A_305 = arith.constant 0 : i32
          %dma_wait3A_306 = arith.constant 0 : i32
          %dma_wait3A_307 = tpu.memref_slice %arg8[%cond3A_13, %dma_wait3A_305, %dma_wait3A_306] : memref<4x128x64xf32, #tpu.memory_space<vmem>> -> memref<1x128x64xf32, #tpu.memory_space<vmem>>
          %dma_wait3A_308 = tpu.memref_squeeze %dma_wait3A_307 : memref<1x128x64xf32, #tpu.memory_space<vmem>> -> memref<128x64xf32, #tpu.memory_space<vmem>>
          %dma_wait3A_309 = arith.constant 0 : i32
          %dma_wait3A_310 = tpu.memref_slice %arg7[%dma_wait3A_303, %dma_wait3A_309] : memref<160x128xi32, #tpu.memory_space<vmem>> -> memref<1x128xi32, #tpu.memory_space<vmem>>
          %dma_wait3A_311 = tpu.memref_squeeze %dma_wait3A_310 : memref<1x128xi32, #tpu.memory_space<vmem>> -> memref<128xi32, #tpu.memory_space<vmem>>
          %dma_wait3A_312 = arith.constant 0 : i32
          %dma_wait3A_313 = arith.constant 0 : i32
          %dma_wait3A_314 = tpu.memref_slice %arg10[%dma_wait3A_312, %dma_wait3A_313] : memref<10240x64xf32, #tpu.memory_space<vmem_shared>> -> memref<10240x64xf32, #tpu.memory_space<vmem_shared>>
          %dma_wait3A_315 = tpu.memref_slice %arg12[%dma_wait3A_304] : memref<4x!tpu.dma_semaphore, #tpu.memory_space<semaphore_mem>> -> memref<1x!tpu.dma_semaphore, #tpu.memory_space<semaphore_mem>>
          %dma_wait3A_316 = tpu.memref_squeeze %dma_wait3A_315 : memref<1x!tpu.dma_semaphore, #tpu.memory_space<semaphore_mem>> -> memref<!tpu.dma_semaphore, #tpu.memory_space<semaphore_mem>>
          tpu.wait_indirect_dma semaphore(%dma_wait3A_316 : memref<!tpu.dma_semaphore, #tpu.memory_space<semaphore_mem>>) src(%dma_wait3A_308 : memref<128x64xf32, #tpu.memory_space<vmem>>) dst(%dma_wait3A_314 : memref<10240x64xf32, #tpu.memory_space<vmem_shared>>)
          %dma_start3A_317 = arith.constant 1 : i32
          %dma_start3A_318 = arith.constant 0 : i32
          %dma_start3A_319 = arith.constant 0 : i32
          %dma_start3A_320 = tpu.memref_slice %arg8[%cond3A_13, %dma_start3A_318, %dma_start3A_319] : memref<4x128x64xf32, #tpu.memory_space<vmem>> -> memref<1x128x64xf32, #tpu.memory_space<vmem>>
          %dma_start3A_321 = tpu.memref_squeeze %dma_start3A_320 : memref<1x128x64xf32, #tpu.memory_space<vmem>> -> memref<128x64xf32, #tpu.memory_space<vmem>>
          %dma_start3A_322 = arith.constant 0 : i32
          %dma_start3A_323 = tpu.memref_slice %arg6[%sub3A_257, %dma_start3A_322] : memref<160x128xi32, #tpu.memory_space<vmem>> -> memref<1x128xi32, #tpu.memory_space<vmem>>
          %dma_start3A_324 = tpu.memref_squeeze %dma_start3A_323 : memref<1x128xi32, #tpu.memory_space<vmem>> -> memref<128xi32, #tpu.memory_space<vmem>>
          %dma_start3A_325 = arith.constant 0 : i32
          %dma_start3A_326 = arith.constant 0 : i32
          %dma_start3A_327 = tpu.memref_slice %arg2[%dma_start3A_325, %dma_start3A_326] : memref<10000x64xf32, #tpu.memory_space<hbm>> -> memref<10000x64xf32, #tpu.memory_space<hbm>>
          %dma_start3A_328 = tpu.memref_slice %arg11[%dma_start3A_317] : memref<4x!tpu.dma_semaphore, #tpu.memory_space<semaphore_mem>> -> memref<1x!tpu.dma_semaphore, #tpu.memory_space<semaphore_mem>>
          %dma_start3A_329 = tpu.memref_squeeze %dma_start3A_328 : memref<1x!tpu.dma_semaphore, #tpu.memory_space<semaphore_mem>> -> memref<!tpu.dma_semaphore, #tpu.memory_space<semaphore_mem>>
          tpu.enqueue_indirect_dma source(%dma_start3A_327 : memref<10000x64xf32, #tpu.memory_space<hbm>>) target(%dma_start3A_321 : memref<128x64xf32, #tpu.memory_space<vmem>>) offsets(%dma_start3A_324 : memref<128xi32, #tpu.memory_space<vmem>>) semaphore(%dma_start3A_329 : memref<!tpu.dma_semaphore, #tpu.memory_space<semaphore_mem>>)
        } else {
        }
        %mul3A_263 = arith.constant 4 : i32
        %mul3A_264 = arith.muli %mul3A_263, %scan3A_144 : i32
        %add3A_265 = arith.constant 3 : i32
        %add3A_266 = arith.addi %mul3A_264, %add3A_265 : i32
        %dma_wait3A_267 = arith.constant 0 : i32
        %dma_wait3A_268 = arith.constant 3 : i32
        %dma_wait3A_269 = arith.constant 0 : i32
        %dma_wait3A_270 = arith.constant 0 : i32
        %dma_wait3A_271 = tpu.memref_slice %arg8[%cond3A_15, %dma_wait3A_269, %dma_wait3A_270] : memref<4x128x64xf32, #tpu.memory_space<vmem>> -> memref<1x128x64xf32, #tpu.memory_space<vmem>>
        %dma_wait3A_272 = tpu.memref_squeeze %dma_wait3A_271 : memref<1x128x64xf32, #tpu.memory_space<vmem>> -> memref<128x64xf32, #tpu.memory_space<vmem>>
        %dma_wait3A_273 = arith.constant 0 : i32
        %dma_wait3A_274 = tpu.memref_slice %arg6[%dma_wait3A_267, %dma_wait3A_273] : memref<160x128xi32, #tpu.memory_space<vmem>> -> memref<1x128xi32, #tpu.memory_space<vmem>>
        %dma_wait3A_275 = tpu.memref_squeeze %dma_wait3A_274 : memref<1x128xi32, #tpu.memory_space<vmem>> -> memref<128xi32, #tpu.memory_space<vmem>>
        %dma_wait3A_276 = arith.constant 0 : i32
        %dma_wait3A_277 = arith.constant 0 : i32
        %dma_wait3A_278 = tpu.memref_slice %arg2[%dma_wait3A_276, %dma_wait3A_277] : memref<10000x64xf32, #tpu.memory_space<hbm>> -> memref<10000x64xf32, #tpu.memory_space<hbm>>
        %dma_wait3A_279 = tpu.memref_slice %arg11[%dma_wait3A_268] : memref<4x!tpu.dma_semaphore, #tpu.memory_space<semaphore_mem>> -> memref<1x!tpu.dma_semaphore, #tpu.memory_space<semaphore_mem>>
        %dma_wait3A_280 = tpu.memref_squeeze %dma_wait3A_279 : memref<1x!tpu.dma_semaphore, #tpu.memory_space<semaphore_mem>> -> memref<!tpu.dma_semaphore, #tpu.memory_space<semaphore_mem>>
        tpu.wait_indirect_dma semaphore(%dma_wait3A_280 : memref<!tpu.dma_semaphore, #tpu.memory_space<semaphore_mem>>) src(%dma_wait3A_278 : memref<10000x64xf32, #tpu.memory_space<hbm>>) dst(%dma_wait3A_272 : memref<128x64xf32, #tpu.memory_space<vmem>>)
        %dma_start3A_281 = arith.constant 3 : i32
        %dma_start3A_282 = arith.constant 0 : i32
        %dma_start3A_283 = arith.constant 0 : i32
        %dma_start3A_284 = tpu.memref_slice %arg8[%cond3A_15, %dma_start3A_282, %dma_start3A_283] : memref<4x128x64xf32, #tpu.memory_space<vmem>> -> memref<1x128x64xf32, #tpu.memory_space<vmem>>
        %dma_start3A_285 = tpu.memref_squeeze %dma_start3A_284 : memref<1x128x64xf32, #tpu.memory_space<vmem>> -> memref<128x64xf32, #tpu.memory_space<vmem>>
        %dma_start3A_286 = arith.constant 0 : i32
        %dma_start3A_287 = tpu.memref_slice %arg7[%add3A_266, %dma_start3A_286] : memref<160x128xi32, #tpu.memory_space<vmem>> -> memref<1x128xi32, #tpu.memory_space<vmem>>
        %dma_start3A_288 = tpu.memref_squeeze %dma_start3A_287 : memref<1x128xi32, #tpu.memory_space<vmem>> -> memref<128xi32, #tpu.memory_space<vmem>>
        %dma_start3A_289 = arith.constant 0 : i32
        %dma_start3A_290 = arith.constant 0 : i32
        %dma_start3A_291 = tpu.memref_slice %arg10[%dma_start3A_289, %dma_start3A_290] : memref<10240x64xf32, #tpu.memory_space<vmem_shared>> -> memref<10240x64xf32, #tpu.memory_space<vmem_shared>>
        %dma_start3A_292 = tpu.memref_slice %arg12[%dma_start3A_281] : memref<4x!tpu.dma_semaphore, #tpu.memory_space<semaphore_mem>> -> memref<1x!tpu.dma_semaphore, #tpu.memory_space<semaphore_mem>>
        %dma_start3A_293 = tpu.memref_squeeze %dma_start3A_292 : memref<1x!tpu.dma_semaphore, #tpu.memory_space<semaphore_mem>> -> memref<!tpu.dma_semaphore, #tpu.memory_space<semaphore_mem>>
        tpu.enqueue_indirect_dma source(%dma_start3A_285 : memref<128x64xf32, #tpu.memory_space<vmem>>) target(%dma_start3A_291 : memref<10240x64xf32, #tpu.memory_space<vmem_shared>>) offsets(%dma_start3A_288 : memref<128xi32, #tpu.memory_space<vmem>>) semaphore(%dma_start3A_293 : memref<!tpu.dma_semaphore, #tpu.memory_space<semaphore_mem>>) {add = true}
        %add3A_294 = arith.constant 4 : i32
        %add3A_295 = arith.addi %add3A_266, %add3A_294 : i32
        %sub3A_296 = arith.constant 1 : i32
        %sub3A_297 = arith.subi %add3A_295, %sub3A_296 : i32
        %lt3A_298 = arith.constant 160 : i32
        %lt3A_299 = arith.cmpi slt, %sub3A_297, %lt3A_298 : i32
        %convert_element_type3A_300 = arith.extui %lt3A_299 : i1 to i32
        %cond3A_301 = arith.constant 0 : i32
        %cond3A_302 = arith.cmpi ne, %convert_element_type3A_300, %cond3A_301 : i32
        scf.if %cond3A_302 {
          %dma_wait3A_303 = arith.constant 0 : i32
          %dma_wait3A_304 = arith.constant 2 : i32
          %dma_wait3A_305 = arith.constant 0 : i32
          %dma_wait3A_306 = arith.constant 0 : i32
          %dma_wait3A_307 = tpu.memref_slice %arg8[%cond3A_14, %dma_wait3A_305, %dma_wait3A_306] : memref<4x128x64xf32, #tpu.memory_space<vmem>> -> memref<1x128x64xf32, #tpu.memory_space<vmem>>
          %dma_wait3A_308 = tpu.memref_squeeze %dma_wait3A_307 : memref<1x128x64xf32, #tpu.memory_space<vmem>> -> memref<128x64xf32, #tpu.memory_space<vmem>>
          %dma_wait3A_309 = arith.constant 0 : i32
          %dma_wait3A_310 = tpu.memref_slice %arg7[%dma_wait3A_303, %dma_wait3A_309] : memref<160x128xi32, #tpu.memory_space<vmem>> -> memref<1x128xi32, #tpu.memory_space<vmem>>
          %dma_wait3A_311 = tpu.memref_squeeze %dma_wait3A_310 : memref<1x128xi32, #tpu.memory_space<vmem>> -> memref<128xi32, #tpu.memory_space<vmem>>
          %dma_wait3A_312 = arith.constant 0 : i32
          %dma_wait3A_313 = arith.constant 0 : i32
          %dma_wait3A_314 = tpu.memref_slice %arg10[%dma_wait3A_312, %dma_wait3A_313] : memref<10240x64xf32, #tpu.memory_space<vmem_shared>> -> memref<10240x64xf32, #tpu.memory_space<vmem_shared>>
          %dma_wait3A_315 = tpu.memref_slice %arg12[%dma_wait3A_304] : memref<4x!tpu.dma_semaphore, #tpu.memory_space<semaphore_mem>> -> memref<1x!tpu.dma_semaphore, #tpu.memory_space<semaphore_mem>>
          %dma_wait3A_316 = tpu.memref_squeeze %dma_wait3A_315 : memref<1x!tpu.dma_semaphore, #tpu.memory_space<semaphore_mem>> -> memref<!tpu.dma_semaphore, #tpu.memory_space<semaphore_mem>>
          tpu.wait_indirect_dma semaphore(%dma_wait3A_316 : memref<!tpu.dma_semaphore, #tpu.memory_space<semaphore_mem>>) src(%dma_wait3A_308 : memref<128x64xf32, #tpu.memory_space<vmem>>) dst(%dma_wait3A_314 : memref<10240x64xf32, #tpu.memory_space<vmem_shared>>)
          %dma_start3A_317 = arith.constant 2 : i32
          %dma_start3A_318 = arith.constant 0 : i32
          %dma_start3A_319 = arith.constant 0 : i32
          %dma_start3A_320 = tpu.memref_slice %arg8[%cond3A_14, %dma_start3A_318, %dma_start3A_319] : memref<4x128x64xf32, #tpu.memory_space<vmem>> -> memref<1x128x64xf32, #tpu.memory_space<vmem>>
          %dma_start3A_321 = tpu.memref_squeeze %dma_start3A_320 : memref<1x128x64xf32, #tpu.memory_space<vmem>> -> memref<128x64xf32, #tpu.memory_space<vmem>>
          %dma_start3A_322 = arith.constant 0 : i32
          %dma_start3A_323 = tpu.memref_slice %arg6[%sub3A_297, %dma_start3A_322] : memref<160x128xi32, #tpu.memory_space<vmem>> -> memref<1x128xi32, #tpu.memory_space<vmem>>
          %dma_start3A_324 = tpu.memref_squeeze %dma_start3A_323 : memref<1x128xi32, #tpu.memory_space<vmem>> -> memref<128xi32, #tpu.memory_space<vmem>>
          %dma_start3A_325 = arith.constant 0 : i32
          %dma_start3A_326 = arith.constant 0 : i32
          %dma_start3A_327 = tpu.memref_slice %arg2[%dma_start3A_325, %dma_start3A_326] : memref<10000x64xf32, #tpu.memory_space<hbm>> -> memref<10000x64xf32, #tpu.memory_space<hbm>>
          %dma_start3A_328 = tpu.memref_slice %arg11[%dma_start3A_317] : memref<4x!tpu.dma_semaphore, #tpu.memory_space<semaphore_mem>> -> memref<1x!tpu.dma_semaphore, #tpu.memory_space<semaphore_mem>>
          %dma_start3A_329 = tpu.memref_squeeze %dma_start3A_328 : memref<1x!tpu.dma_semaphore, #tpu.memory_space<semaphore_mem>> -> memref<!tpu.dma_semaphore, #tpu.memory_space<semaphore_mem>>
          tpu.enqueue_indirect_dma source(%dma_start3A_327 : memref<10000x64xf32, #tpu.memory_space<hbm>>) target(%dma_start3A_321 : memref<128x64xf32, #tpu.memory_space<vmem>>) offsets(%dma_start3A_324 : memref<128xi32, #tpu.memory_space<vmem>>) semaphore(%dma_start3A_329 : memref<!tpu.dma_semaphore, #tpu.memory_space<semaphore_mem>>)
        } else {
        }
      }
      %scan3A_88 = arith.constant 40 : i32
      %dma_wait3A = arith.constant 0 : i32
      %dma_wait3A_89 = arith.constant 0 : i32
      %dma_wait3A_90 = arith.constant 0 : i32
      %dma_wait3A_91 = arith.constant 0 : i32
      %dma_wait3A_92 = tpu.memref_slice %arg8[%cond3A, %dma_wait3A_90, %dma_wait3A_91] : memref<4x128x64xf32, #tpu.memory_space<vmem>> -> memref<1x128x64xf32, #tpu.memory_space<vmem>>
      %dma_wait3A_93 = tpu.memref_squeeze %dma_wait3A_92 : memref<1x128x64xf32, #tpu.memory_space<vmem>> -> memref<128x64xf32, #tpu.memory_space<vmem>>
      %dma_wait3A_94 = arith.constant 0 : i32
      %dma_wait3A_95 = tpu.memref_slice %arg7[%dma_wait3A, %dma_wait3A_94] : memref<160x128xi32, #tpu.memory_space<vmem>> -> memref<1x128xi32, #tpu.memory_space<vmem>>
      %dma_wait3A_96 = tpu.memref_squeeze %dma_wait3A_95 : memref<1x128xi32, #tpu.memory_space<vmem>> -> memref<128xi32, #tpu.memory_space<vmem>>
      %dma_wait3A_97 = arith.constant 0 : i32
      %dma_wait3A_98 = arith.constant 0 : i32
      %dma_wait3A_99 = tpu.memref_slice %arg10[%dma_wait3A_97, %dma_wait3A_98] : memref<10240x64xf32, #tpu.memory_space<vmem_shared>> -> memref<10240x64xf32, #tpu.memory_space<vmem_shared>>
      %dma_wait3A_100 = tpu.memref_slice %arg12[%dma_wait3A_89] : memref<4x!tpu.dma_semaphore, #tpu.memory_space<semaphore_mem>> -> memref<1x!tpu.dma_semaphore, #tpu.memory_space<semaphore_mem>>
      %dma_wait3A_101 = tpu.memref_squeeze %dma_wait3A_100 : memref<1x!tpu.dma_semaphore, #tpu.memory_space<semaphore_mem>> -> memref<!tpu.dma_semaphore, #tpu.memory_space<semaphore_mem>>
      tpu.wait_indirect_dma semaphore(%dma_wait3A_101 : memref<!tpu.dma_semaphore, #tpu.memory_space<semaphore_mem>>) src(%dma_wait3A_93 : memref<128x64xf32, #tpu.memory_space<vmem>>) dst(%dma_wait3A_99 : memref<10240x64xf32, #tpu.memory_space<vmem_shared>>)
      %dma_wait3A_102 = arith.constant 0 : i32
      %dma_wait3A_103 = arith.constant 1 : i32
      %dma_wait3A_104 = arith.constant 0 : i32
      %dma_wait3A_105 = arith.constant 0 : i32
      %dma_wait3A_106 = tpu.memref_slice %arg8[%cond3A_13, %dma_wait3A_104, %dma_wait3A_105] : memref<4x128x64xf32, #tpu.memory_space<vmem>> -> memref<1x128x64xf32, #tpu.memory_space<vmem>>
      %dma_wait3A_107 = tpu.memref_squeeze %dma_wait3A_106 : memref<1x128x64xf32, #tpu.memory_space<vmem>> -> memref<128x64xf32, #tpu.memory_space<vmem>>
      %dma_wait3A_108 = arith.constant 0 : i32
      %dma_wait3A_109 = tpu.memref_slice %arg7[%dma_wait3A_102, %dma_wait3A_108] : memref<160x128xi32, #tpu.memory_space<vmem>> -> memref<1x128xi32, #tpu.memory_space<vmem>>
      %dma_wait3A_110 = tpu.memref_squeeze %dma_wait3A_109 : memref<1x128xi32, #tpu.memory_space<vmem>> -> memref<128xi32, #tpu.memory_space<vmem>>
      %dma_wait3A_111 = arith.constant 0 : i32
      %dma_wait3A_112 = arith.constant 0 : i32
      %dma_wait3A_113 = tpu.memref_slice %arg10[%dma_wait3A_111, %dma_wait3A_112] : memref<10240x64xf32, #tpu.memory_space<vmem_shared>> -> memref<10240x64xf32, #tpu.memory_space<vmem_shared>>
      %dma_wait3A_114 = tpu.memref_slice %arg12[%dma_wait3A_103] : memref<4x!tpu.dma_semaphore, #tpu.memory_space<semaphore_mem>> -> memref<1x!tpu.dma_semaphore, #tpu.memory_space<semaphore_mem>>
      %dma_wait3A_115 = tpu.memref_squeeze %dma_wait3A_114 : memref<1x!tpu.dma_semaphore, #tpu.memory_space<semaphore_mem>> -> memref<!tpu.dma_semaphore, #tpu.memory_space<semaphore_mem>>
      tpu.wait_indirect_dma semaphore(%dma_wait3A_115 : memref<!tpu.dma_semaphore, #tpu.memory_space<semaphore_mem>>) src(%dma_wait3A_107 : memref<128x64xf32, #tpu.memory_space<vmem>>) dst(%dma_wait3A_113 : memref<10240x64xf32, #tpu.memory_space<vmem_shared>>)
      %dma_wait3A_116 = arith.constant 0 : i32
      %dma_wait3A_117 = arith.constant 2 : i32
      %dma_wait3A_118 = arith.constant 0 : i32
      %dma_wait3A_119 = arith.constant 0 : i32
      %dma_wait3A_120 = tpu.memref_slice %arg8[%cond3A_14, %dma_wait3A_118, %dma_wait3A_119] : memref<4x128x64xf32, #tpu.memory_space<vmem>> -> memref<1x128x64xf32, #tpu.memory_space<vmem>>
      %dma_wait3A_121 = tpu.memref_squeeze %dma_wait3A_120 : memref<1x128x64xf32, #tpu.memory_space<vmem>> -> memref<128x64xf32, #tpu.memory_space<vmem>>
      %dma_wait3A_122 = arith.constant 0 : i32
      %dma_wait3A_123 = tpu.memref_slice %arg7[%dma_wait3A_116, %dma_wait3A_122] : memref<160x128xi32, #tpu.memory_space<vmem>> -> memref<1x128xi32, #tpu.memory_space<vmem>>
      %dma_wait3A_124 = tpu.memref_squeeze %dma_wait3A_123 : memref<1x128xi32, #tpu.memory_space<vmem>> -> memref<128xi32, #tpu.memory_space<vmem>>
      %dma_wait3A_125 = arith.constant 0 : i32
      %dma_wait3A_126 = arith.constant 0 : i32
      %dma_wait3A_127 = tpu.memref_slice %arg10[%dma_wait3A_125, %dma_wait3A_126] : memref<10240x64xf32, #tpu.memory_space<vmem_shared>> -> memref<10240x64xf32, #tpu.memory_space<vmem_shared>>
      %dma_wait3A_128 = tpu.memref_slice %arg12[%dma_wait3A_117] : memref<4x!tpu.dma_semaphore, #tpu.memory_space<semaphore_mem>> -> memref<1x!tpu.dma_semaphore, #tpu.memory_space<semaphore_mem>>
      %dma_wait3A_129 = tpu.memref_squeeze %dma_wait3A_128 : memref<1x!tpu.dma_semaphore, #tpu.memory_space<semaphore_mem>> -> memref<!tpu.dma_semaphore, #tpu.memory_space<semaphore_mem>>
      tpu.wait_indirect_dma semaphore(%dma_wait3A_129 : memref<!tpu.dma_semaphore, #tpu.memory_space<semaphore_mem>>) src(%dma_wait3A_121 : memref<128x64xf32, #tpu.memory_space<vmem>>) dst(%dma_wait3A_127 : memref<10240x64xf32, #tpu.memory_space<vmem_shared>>)
      %dma_wait3A_130 = arith.constant 0 : i32
      %dma_wait3A_131 = arith.constant 3 : i32
      %dma_wait3A_132 = arith.constant 0 : i32
      %dma_wait3A_133 = arith.constant 0 : i32
      %dma_wait3A_134 = tpu.memref_slice %arg8[%cond3A_15, %dma_wait3A_132, %dma_wait3A_133] : memref<4x128x64xf32, #tpu.memory_space<vmem>> -> memref<1x128x64xf32, #tpu.memory_space<vmem>>
      %dma_wait3A_135 = tpu.memref_squeeze %dma_wait3A_134 : memref<1x128x64xf32, #tpu.memory_space<vmem>> -> memref<128x64xf32, #tpu.memory_space<vmem>>
      %dma_wait3A_136 = arith.constant 0 : i32
      %dma_wait3A_137 = tpu.memref_slice %arg7[%dma_wait3A_130, %dma_wait3A_136] : memref<160x128xi32, #tpu.memory_space<vmem>> -> memref<1x128xi32, #tpu.memory_space<vmem>>
      %dma_wait3A_138 = tpu.memref_squeeze %dma_wait3A_137 : memref<1x128xi32, #tpu.memory_space<vmem>> -> memref<128xi32, #tpu.memory_space<vmem>>
      %dma_wait3A_139 = arith.constant 0 : i32
      %dma_wait3A_140 = arith.constant 0 : i32
      %dma_wait3A_141 = tpu.memref_slice %arg10[%dma_wait3A_139, %dma_wait3A_140] : memref<10240x64xf32, #tpu.memory_space<vmem_shared>> -> memref<10240x64xf32, #tpu.memory_space<vmem_shared>>
      %dma_wait3A_142 = tpu.memref_slice %arg12[%dma_wait3A_131] : memref<4x!tpu.dma_semaphore, #tpu.memory_space<semaphore_mem>> -> memref<1x!tpu.dma_semaphore, #tpu.memory_space<semaphore_mem>>
      %dma_wait3A_143 = tpu.memref_squeeze %dma_wait3A_142 : memref<1x!tpu.dma_semaphore, #tpu.memory_space<semaphore_mem>> -> memref<!tpu.dma_semaphore, #tpu.memory_space<semaphore_mem>>
      tpu.wait_indirect_dma semaphore(%dma_wait3A_143 : memref<!tpu.dma_semaphore, #tpu.memory_space<semaphore_mem>>) src(%dma_wait3A_135 : memref<128x64xf32, #tpu.memory_space<vmem>>) dst(%dma_wait3A_141 : memref<10240x64xf32, #tpu.memory_space<vmem_shared>>)
    } else {
    }
    %barrier3A_18 = arith.constant 0 : index
    tpu.barrier barrier_id(%barrier3A_18)
    %mul3A_19 = arith.constant 640 : i32
    %mul3A_20 = arith.muli %arg1, %mul3A_19 : i32
    %mul3A_21 = arith.constant 640 : i32
    %mul3A_22 = arith.muli %arg1, %mul3A_21 : i32
    "tpu.region"() ({
      %run_scoped3A = tpu.sem_alloc : memref<!tpu.dma_semaphore, #tpu.memory_space<semaphore_mem>>
      %dma_start3A = arith.constant 0 : i32
      %dma_start3A_23 = arith.constant 0 : i32
      %dma_start3A_24 = tpu.memref_slice %arg5[%arg0, %dma_start3A, %dma_start3A_23] : memref<2x10240x64xf32, #tpu.memory_space<hbm>> -> memref<1x10240x64xf32, #tpu.memory_space<hbm>>
      %dma_start3A_25 = tpu.memref_squeeze %dma_start3A_24 : memref<1x10240x64xf32, #tpu.memory_space<hbm>> -> memref<10240x64xf32, #tpu.memory_space<hbm>>
      %dma_start3A_26 = arith.constant 0 : i32
      %dma_start3A_27 = tpu.memref_slice %dma_start3A_25[%mul3A_22, %dma_start3A_26] : memref<10240x64xf32, #tpu.memory_space<hbm>> -> memref<640x64xf32, #tpu.memory_space<hbm>>
      %dma_start3A_28 = arith.constant 0 : i32
      %dma_start3A_29 = tpu.memref_slice %arg10[%mul3A_20, %dma_start3A_28] : memref<10240x64xf32, #tpu.memory_space<vmem_shared>> -> memref<640x64xf32, #tpu.memory_space<vmem_shared>>
      tpu.enqueue_dma source(%dma_start3A_29 : memref<640x64xf32, #tpu.memory_space<vmem_shared>>) target(%dma_start3A_27 : memref<640x64xf32, #tpu.memory_space<hbm>>) target_semaphore(%run_scoped3A : memref<!tpu.dma_semaphore, #tpu.memory_space<semaphore_mem>>)
      %dma_wait3A = arith.constant 0 : i32
      %dma_wait3A_30 = arith.constant 0 : i32
      %dma_wait3A_31 = tpu.memref_slice %arg5[%arg0, %dma_wait3A, %dma_wait3A_30] : memref<2x10240x64xf32, #tpu.memory_space<hbm>> -> memref<1x10240x64xf32, #tpu.memory_space<hbm>>
      %dma_wait3A_32 = tpu.memref_squeeze %dma_wait3A_31 : memref<1x10240x64xf32, #tpu.memory_space<hbm>> -> memref<10240x64xf32, #tpu.memory_space<hbm>>
      %dma_wait3A_33 = arith.constant 0 : i32
      %dma_wait3A_34 = tpu.memref_slice %dma_wait3A_32[%mul3A_22, %dma_wait3A_33] : memref<10240x64xf32, #tpu.memory_space<hbm>> -> memref<640x64xf32, #tpu.memory_space<hbm>>
      %dma_wait3A_35 = arith.constant 0 : i32
      %dma_wait3A_36 = tpu.memref_slice %arg10[%mul3A_20, %dma_wait3A_35] : memref<10240x64xf32, #tpu.memory_space<vmem_shared>> -> memref<640x64xf32, #tpu.memory_space<vmem_shared>>
      tpu.wait_dma2 semaphore(%run_scoped3A : memref<!tpu.dma_semaphore, #tpu.memory_space<semaphore_mem>>) src(%dma_wait3A_36 : memref<640x64xf32, #tpu.memory_space<vmem_shared>>) dst(%dma_wait3A_34 : memref<640x64xf32, #tpu.memory_space<hbm>>)
      tpu.yield
    }) : () -> ()
    return
  }
}

#map = affine_map<(d0, d1) -> (0, 0)>
#map1 = affine_map<(d0, d1) -> (0, 0, 0)>
module attributes {stable_mosaic.version = 14 : i64} {
  func.func @_seg_body(%arg0: i32, %arg1: i32, %arg2: memref<10000x64xf32, #tpu.memory_space<hbm>>, %arg3: memref<2560x128xi32, #tpu.memory_space<hbm>>, %arg4: memref<2560x128xi32, #tpu.memory_space<hbm>>, %arg5: memref<2x10240x64xf32, #tpu.memory_space<hbm>>, %arg6: memref<160x128xi32, #tpu.memory_space<vmem>>, %arg7: memref<160x128xi32, #tpu.memory_space<vmem>>, %arg8: memref<4x128x64xf32, #tpu.memory_space<vmem>>, %arg9: memref<80x64xf32, #tpu.memory_space<vmem>>, %arg10: memref<10240x64xf32, #tpu.memory_space<vmem_shared>>, %arg11: memref<4x!tpu.dma_semaphore, #tpu.memory_space<semaphore_mem>>, %arg12: memref<4x!tpu.dma_semaphore, #tpu.memory_space<semaphore_mem>>) attributes {dimension_semantics = [#tpu.dimension_semantics<core_parallel>, #tpu.dimension_semantics<subcore_parallel>], iteration_bounds = array<i64: 2, 16>, scalar_prefetch = 0 : i64, scratch_operands = 7 : i64, tpu.core_type = #tpu.core_type<sc_vector_subcore>, window_params = [{transform_indices = #map}, {transform_indices = #map}, {transform_indices = #map}, {transform_indices = #map1}]} {
    %mul3A = arith.constant 16 : i32
    %mul3A_0 = arith.muli %arg0, %mul3A : i32
    %add3A = arith.addi %mul3A_0, %arg1 : i32
    %scan3A = arith.constant 0 : i32
    %scan3A_1 = arith.constant 0 : i32
    %scan3A_2 = arith.constant 80 : i32
    %scan3A_3 = arith.addi %scan3A_1, %scan3A_2 : i32
    %scan3A_4 = arith.constant 1 : i32
    scf.for %scan3A_23 = %scan3A_1 to %scan3A_3 step %scan3A_4  : i32 {
      %broadcast_in_dim3A = arith.constant 0.000000e+00 : f32
      %broadcast_in_dim3A_24 = vector.broadcast %broadcast_in_dim3A : f32 to vector<16xf32>
      %swap3A = arith.index_cast %scan3A_23 : i32 to index
      %swap3A_25 = arith.constant 0 : index
      %swap3A_26 = tpu.vector_load %arg9[%swap3A, %swap3A_25] {strides = array<i32>} : memref<80x64xf32, #tpu.memory_space<vmem>>, vector<1x16xf32>,
      %swap3A_27 = vector.shape_cast %swap3A_26 : vector<1x16xf32> to vector<16xf32>
      %swap3A_28 = vector.shape_cast %broadcast_in_dim3A_24 : vector<16xf32> to vector<1x16xf32>
      tpu.vector_store %arg9[%swap3A, %swap3A_25], %swap3A_28 {strides = array<i32>} : memref<80x64xf32, #tpu.memory_space<vmem>>, vector<1x16xf32>,
      %broadcast_in_dim3A_29 = arith.constant 0.000000e+00 : f32
      %broadcast_in_dim3A_30 = vector.broadcast %broadcast_in_dim3A_29 : f32 to vector<16xf32>
      %swap3A_31 = arith.index_cast %scan3A_23 : i32 to index
      %swap3A_32 = arith.constant 16 : index
      %swap3A_33 = tpu.vector_load %arg9[%swap3A_31, %swap3A_32] {strides = array<i32>} : memref<80x64xf32, #tpu.memory_space<vmem>>, vector<1x16xf32>,
      %swap3A_34 = vector.shape_cast %swap3A_33 : vector<1x16xf32> to vector<16xf32>
      %swap3A_35 = vector.shape_cast %broadcast_in_dim3A_30 : vector<16xf32> to vector<1x16xf32>
      tpu.vector_store %arg9[%swap3A_31, %swap3A_32], %swap3A_35 {strides = array<i32>} : memref<80x64xf32, #tpu.memory_space<vmem>>, vector<1x16xf32>,
      %broadcast_in_dim3A_36 = arith.constant 0.000000e+00 : f32
      %broadcast_in_dim3A_37 = vector.broadcast %broadcast_in_dim3A_36 : f32 to vector<16xf32>
      %swap3A_38 = arith.index_cast %scan3A_23 : i32 to index
      %swap3A_39 = arith.constant 32 : index
      %swap3A_40 = tpu.vector_load %arg9[%swap3A_38, %swap3A_39] {strides = array<i32>} : memref<80x64xf32, #tpu.memory_space<vmem>>, vector<1x16xf32>,
      %swap3A_41 = vector.shape_cast %swap3A_40 : vector<1x16xf32> to vector<16xf32>
      %swap3A_42 = vector.shape_cast %broadcast_in_dim3A_37 : vector<16xf32> to vector<1x16xf32>
      tpu.vector_store %arg9[%swap3A_38, %swap3A_39], %swap3A_42 {strides = array<i32>} : memref<80x64xf32, #tpu.memory_space<vmem>>, vector<1x16xf32>,
      %broadcast_in_dim3A_43 = arith.constant 0.000000e+00 : f32
      %broadcast_in_dim3A_44 = vector.broadcast %broadcast_in_dim3A_43 : f32 to vector<16xf32>
      %swap3A_45 = arith.index_cast %scan3A_23 : i32 to index
      %swap3A_46 = arith.constant 48 : index
      %swap3A_47 = tpu.vector_load %arg9[%swap3A_45, %swap3A_46] {strides = array<i32>} : memref<80x64xf32, #tpu.memory_space<vmem>>, vector<1x16xf32>,
      %swap3A_48 = vector.shape_cast %swap3A_47 : vector<1x16xf32> to vector<16xf32>
      %swap3A_49 = vector.shape_cast %broadcast_in_dim3A_44 : vector<16xf32> to vector<1x16xf32>
      tpu.vector_store %arg9[%swap3A_45, %swap3A_46], %swap3A_49 {strides = array<i32>} : memref<80x64xf32, #tpu.memory_space<vmem>>, vector<1x16xf32>,
    }
    %scan3A_5 = arith.constant 80 : i32
    %scan3A_6 = arith.constant 0 : i32
    %scan3A_7 = arith.constant 0 : i32
    %scan3A_8 = arith.constant 8 : i32
    %scan3A_9 = arith.addi %scan3A_7, %scan3A_8 : i32
    %scan3A_10 = arith.constant 1 : i32
    scf.for %scan3A_23 = %scan3A_7 to %scan3A_9 step %scan3A_10  : i32 {
      %mul3A_24 = arith.constant 640 : i32
      %mul3A_25 = arith.muli %arg1, %mul3A_24 : i32
      %mul3A_26 = arith.constant 80 : i32
      %mul3A_27 = arith.muli %scan3A_23, %mul3A_26 : i32
      %add3A_28 = arith.addi %mul3A_25, %mul3A_27 : i32
      "tpu.region"() ({
        %run_scoped3A = tpu.sem_alloc : memref<!tpu.dma_semaphore, #tpu.memory_space<semaphore_mem>>
        %dma_start3A = arith.constant 0 : i32
        %dma_start3A_29 = tpu.memref_slice %arg10[%add3A_28, %dma_start3A] : memref<10240x64xf32, #tpu.memory_space<vmem_shared>> -> memref<80x64xf32, #tpu.memory_space<vmem_shared>>
        %dma_start3A_30 = arith.constant 0 : i32
        %dma_start3A_31 = tpu.memref_slice %arg10[%add3A_28, %dma_start3A_30] : memref<10240x64xf32, #tpu.memory_space<vmem_shared>> -> memref<80x64xf32, #tpu.memory_space<vmem_shared>>
        tpu.enqueue_dma source(%arg9 : memref<80x64xf32, #tpu.memory_space<vmem>>) target(%dma_start3A_31 : memref<80x64xf32, #tpu.memory_space<vmem_shared>>) target_semaphore(%run_scoped3A : memref<!tpu.dma_semaphore, #tpu.memory_space<semaphore_mem>>)
        %dma_wait3A = arith.constant 0 : i32
        %dma_wait3A_32 = tpu.memref_slice %arg10[%add3A_28, %dma_wait3A] : memref<10240x64xf32, #tpu.memory_space<vmem_shared>> -> memref<80x64xf32, #tpu.memory_space<vmem_shared>>
        %dma_wait3A_33 = arith.constant 0 : i32
        %dma_wait3A_34 = tpu.memref_slice %arg10[%add3A_28, %dma_wait3A_33] : memref<10240x64xf32, #tpu.memory_space<vmem_shared>> -> memref<80x64xf32, #tpu.memory_space<vmem_shared>>
        tpu.wait_dma2 semaphore(%run_scoped3A : memref<!tpu.dma_semaphore, #tpu.memory_space<semaphore_mem>>) src(%arg9 : memref<80x64xf32, #tpu.memory_space<vmem>>) dst(%dma_wait3A_34 : memref<80x64xf32, #tpu.memory_space<vmem_shared>>)
        tpu.yield
      }) : () -> ()
    }
    %scan3A_11 = arith.constant 8 : i32
    %barrier3A = arith.constant 0 : index
    tpu.barrier barrier_id(%barrier3A)
    %eq3A = arith.constant 0 : i32
    %eq3A_12 = arith.cmpi eq, %arg0, %eq3A : i32
    %convert_element_type3A = arith.extui %eq3A_12 : i1 to i32
    %cond3A = arith.constant 0 : i32
    %cond3A_13 = arith.constant 1 : i32
    %cond3A_14 = arith.constant 2 : i32
    %cond3A_15 = arith.constant 3 : i32
    %cond3A_16 = arith.constant 0 : i32
    %cond3A_17 = arith.cmpi ne, %convert_element_type3A, %cond3A_16 : i32
    scf.if %cond3A_17 {
      %mul3A_23 = arith.constant 160 : i32
      %mul3A_24 = arith.muli %arg1, %mul3A_23 : i32
      "tpu.region"() ({
        %run_scoped3A = tpu.sem_alloc : memref<!tpu.dma_semaphore, #tpu.memory_space<semaphore_mem>>
        %dma_start3A_144 = arith.constant 0 : i32
        %dma_start3A_145 = arith.constant 0 : i32
        %dma_start3A_146 = tpu.memref_slice %arg6[%dma_start3A_144, %dma_start3A_145] : memref<160x128xi32, #tpu.memory_space<vmem>> -> memref<160x128xi32, #tpu.memory_space<vmem>>
        %dma_start3A_147 = arith.constant 0 : i32
        %dma_start3A_148 = tpu.memref_slice %arg3[%mul3A_24, %dma_start3A_147] : memref<2560x128xi32, #tpu.memory_space<hbm>> -> memref<160x128xi32, #tpu.memory_space<hbm>>
        %dma_start3A_149 = arith.constant 0 : i32
        %dma_start3A_150 = arith.constant 0 : i32
        %dma_start3A_151 = tpu.memref_slice %arg6[%dma_start3A_149, %dma_start3A_150] : memref<160x128xi32, #tpu.memory_space<vmem>> -> memref<160x128xi32, #tpu.memory_space<vmem>>
        %dma_start3A_152 = arith.constant 0 : i32
        %dma_start3A_153 = tpu.memref_slice %arg3[%mul3A_24, %dma_start3A_152] : memref<2560x128xi32, #tpu.memory_space<hbm>> -> memref<160x128xi32, #tpu.memory_space<hbm>>
        tpu.enqueue_dma source(%dma_start3A_153 : memref<160x128xi32, #tpu.memory_space<hbm>>) target(%dma_start3A_151 : memref<160x128xi32, #tpu.memory_space<vmem>>) target_semaphore(%run_scoped3A : memref<!tpu.dma_semaphore, #tpu.memory_space<semaphore_mem>>)
        %dma_wait3A_154 = arith.constant 0 : i32
        %dma_wait3A_155 = arith.constant 0 : i32
        %dma_wait3A_156 = tpu.memref_slice %arg6[%dma_wait3A_154, %dma_wait3A_155] : memref<160x128xi32, #tpu.memory_space<vmem>> -> memref<160x128xi32, #tpu.memory_space<vmem>>
        %dma_wait3A_157 = arith.constant 0 : i32
        %dma_wait3A_158 = tpu.memref_slice %arg3[%mul3A_24, %dma_wait3A_157] : memref<2560x128xi32, #tpu.memory_space<hbm>> -> memref<160x128xi32, #tpu.memory_space<hbm>>
        %dma_wait3A_159 = arith.constant 0 : i32
        %dma_wait3A_160 = arith.constant 0 : i32
        %dma_wait3A_161 = tpu.memref_slice %arg6[%dma_wait3A_159, %dma_wait3A_160] : memref<160x128xi32, #tpu.memory_space<vmem>> -> memref<160x128xi32, #tpu.memory_space<vmem>>
        %dma_wait3A_162 = arith.constant 0 : i32
        %dma_wait3A_163 = tpu.memref_slice %arg3[%mul3A_24, %dma_wait3A_162] : memref<2560x128xi32, #tpu.memory_space<hbm>> -> memref<160x128xi32, #tpu.memory_space<hbm>>
        tpu.wait_dma2 semaphore(%run_scoped3A : memref<!tpu.dma_semaphore, #tpu.memory_space<semaphore_mem>>) src(%dma_wait3A_163 : memref<160x128xi32, #tpu.memory_space<hbm>>) dst(%dma_wait3A_161 : memref<160x128xi32, #tpu.memory_space<vmem>>)
        tpu.yield
      }) : () -> ()
      "tpu.region"() ({
        %run_scoped3A = tpu.sem_alloc : memref<!tpu.dma_semaphore, #tpu.memory_space<semaphore_mem>>
        %dma_start3A_144 = arith.constant 0 : i32
        %dma_start3A_145 = arith.constant 0 : i32
        %dma_start3A_146 = tpu.memref_slice %arg7[%dma_start3A_144, %dma_start3A_145] : memref<160x128xi32, #tpu.memory_space<vmem>> -> memref<160x128xi32, #tpu.memory_space<vmem>>
        %dma_start3A_147 = arith.constant 0 : i32
        %dma_start3A_148 = tpu.memref_slice %arg4[%mul3A_24, %dma_start3A_147] : memref<2560x128xi32, #tpu.memory_space<hbm>> -> memref<160x128xi32, #tpu.memory_space<hbm>>
        %dma_start3A_149 = arith.constant 0 : i32
        %dma_start3A_150 = arith.constant 0 : i32
        %dma_start3A_151 = tpu.memref_slice %arg7[%dma_start3A_149, %dma_start3A_150] : memref<160x128xi32, #tpu.memory_space<vmem>> -> memref<160x128xi32, #tpu.memory_space<vmem>>
        %dma_start3A_152 = arith.constant 0 : i32
        %dma_start3A_153 = tpu.memref_slice %arg4[%mul3A_24, %dma_start3A_152] : memref<2560x128xi32, #tpu.memory_space<hbm>> -> memref<160x128xi32, #tpu.memory_space<hbm>>
        tpu.enqueue_dma source(%dma_start3A_153 : memref<160x128xi32, #tpu.memory_space<hbm>>) target(%dma_start3A_151 : memref<160x128xi32, #tpu.memory_space<vmem>>) target_semaphore(%run_scoped3A : memref<!tpu.dma_semaphore, #tpu.memory_space<semaphore_mem>>)
        %dma_wait3A_154 = arith.constant 0 : i32
        %dma_wait3A_155 = arith.constant 0 : i32
        %dma_wait3A_156 = tpu.memref_slice %arg7[%dma_wait3A_154, %dma_wait3A_155] : memref<160x128xi32, #tpu.memory_space<vmem>> -> memref<160x128xi32, #tpu.memory_space<vmem>>
        %dma_wait3A_157 = arith.constant 0 : i32
        %dma_wait3A_158 = tpu.memref_slice %arg4[%mul3A_24, %dma_wait3A_157] : memref<2560x128xi32, #tpu.memory_space<hbm>> -> memref<160x128xi32, #tpu.memory_space<hbm>>
        %dma_wait3A_159 = arith.constant 0 : i32
        %dma_wait3A_160 = arith.constant 0 : i32
        %dma_wait3A_161 = tpu.memref_slice %arg7[%dma_wait3A_159, %dma_wait3A_160] : memref<160x128xi32, #tpu.memory_space<vmem>> -> memref<160x128xi32, #tpu.memory_space<vmem>>
        %dma_wait3A_162 = arith.constant 0 : i32
        %dma_wait3A_163 = tpu.memref_slice %arg4[%mul3A_24, %dma_wait3A_162] : memref<2560x128xi32, #tpu.memory_space<hbm>> -> memref<160x128xi32, #tpu.memory_space<hbm>>
        tpu.wait_dma2 semaphore(%run_scoped3A : memref<!tpu.dma_semaphore, #tpu.memory_space<semaphore_mem>>) src(%dma_wait3A_163 : memref<160x128xi32, #tpu.memory_space<hbm>>) dst(%dma_wait3A_161 : memref<160x128xi32, #tpu.memory_space<vmem>>)
        tpu.yield
      }) : () -> ()
      %dma_start3A = arith.constant 0 : i32
      %dma_start3A_25 = arith.constant 0 : i32
      %dma_start3A_26 = arith.constant 0 : i32
      %dma_start3A_27 = arith.constant 0 : i32
      %dma_start3A_28 = tpu.memref_slice %arg8[%cond3A, %dma_start3A_26, %dma_start3A_27] : memref<4x128x64xf32, #tpu.memory_space<vmem>> -> memref<1x128x64xf32, #tpu.memory_space<vmem>>
      %dma_start3A_29 = tpu.memref_squeeze %dma_start3A_28 : memref<1x128x64xf32, #tpu.memory_space<vmem>> -> memref<128x64xf32, #tpu.memory_space<vmem>>
      %dma_start3A_30 = arith.constant 0 : i32
      %dma_start3A_31 = tpu.memref_slice %arg6[%dma_start3A, %dma_start3A_30] : memref<160x128xi32, #tpu.memory_space<vmem>> -> memref<1x128xi32, #tpu.memory_space<vmem>>
      %dma_start3A_32 = tpu.memref_squeeze %dma_start3A_31 : memref<1x128xi32, #tpu.memory_space<vmem>> -> memref<128xi32, #tpu.memory_space<vmem>>
      %dma_start3A_33 = arith.constant 0 : i32
      %dma_start3A_34 = arith.constant 0 : i32
      %dma_start3A_35 = tpu.memref_slice %arg2[%dma_start3A_33, %dma_start3A_34] : memref<10000x64xf32, #tpu.memory_space<hbm>> -> memref<10000x64xf32, #tpu.memory_space<hbm>>
      %dma_start3A_36 = tpu.memref_slice %arg11[%dma_start3A_25] : memref<4x!tpu.dma_semaphore, #tpu.memory_space<semaphore_mem>> -> memref<1x!tpu.dma_semaphore, #tpu.memory_space<semaphore_mem>>
      %dma_start3A_37 = tpu.memref_squeeze %dma_start3A_36 : memref<1x!tpu.dma_semaphore, #tpu.memory_space<semaphore_mem>> -> memref<!tpu.dma_semaphore, #tpu.memory_space<semaphore_mem>>
      tpu.enqueue_indirect_dma source(%dma_start3A_35 : memref<10000x64xf32, #tpu.memory_space<hbm>>) target(%dma_start3A_29 : memref<128x64xf32, #tpu.memory_space<vmem>>) offsets(%dma_start3A_32 : memref<128xi32, #tpu.memory_space<vmem>>) semaphore(%dma_start3A_37 : memref<!tpu.dma_semaphore, #tpu.memory_space<semaphore_mem>>)
      %dma_start3A_38 = arith.constant 1 : i32
      %dma_start3A_39 = arith.constant 1 : i32
      %dma_start3A_40 = arith.constant 0 : i32
      %dma_start3A_41 = arith.constant 0 : i32
      %dma_start3A_42 = tpu.memref_slice %arg8[%cond3A_13, %dma_start3A_40, %dma_start3A_41] : memref<4x128x64xf32, #tpu.memory_space<vmem>> -> memref<1x128x64xf32, #tpu.memory_space<vmem>>
      %dma_start3A_43 = tpu.memref_squeeze %dma_start3A_42 : memref<1x128x64xf32, #tpu.memory_space<vmem>> -> memref<128x64xf32, #tpu.memory_space<vmem>>
      %dma_start3A_44 = arith.constant 0 : i32
      %dma_start3A_45 = tpu.memref_slice %arg6[%dma_start3A_38, %dma_start3A_44] : memref<160x128xi32, #tpu.memory_space<vmem>> -> memref<1x128xi32, #tpu.memory_space<vmem>>
      %dma_start3A_46 = tpu.memref_squeeze %dma_start3A_45 : memref<1x128xi32, #tpu.memory_space<vmem>> -> memref<128xi32, #tpu.memory_space<vmem>>
      %dma_start3A_47 = arith.constant 0 : i32
      %dma_start3A_48 = arith.constant 0 : i32
      %dma_start3A_49 = tpu.memref_slice %arg2[%dma_start3A_47, %dma_start3A_48] : memref<10000x64xf32, #tpu.memory_space<hbm>> -> memref<10000x64xf32, #tpu.memory_space<hbm>>
      %dma_start3A_50 = tpu.memref_slice %arg11[%dma_start3A_39] : memref<4x!tpu.dma_semaphore, #tpu.memory_space<semaphore_mem>> -> memref<1x!tpu.dma_semaphore, #tpu.memory_space<semaphore_mem>>
      %dma_start3A_51 = tpu.memref_squeeze %dma_start3A_50 : memref<1x!tpu.dma_semaphore, #tpu.memory_space<semaphore_mem>> -> memref<!tpu.dma_semaphore, #tpu.memory_space<semaphore_mem>>
      tpu.enqueue_indirect_dma source(%dma_start3A_49 : memref<10000x64xf32, #tpu.memory_space<hbm>>) target(%dma_start3A_43 : memref<128x64xf32, #tpu.memory_space<vmem>>) offsets(%dma_start3A_46 : memref<128xi32, #tpu.memory_space<vmem>>) semaphore(%dma_start3A_51 : memref<!tpu.dma_semaphore, #tpu.memory_space<semaphore_mem>>)
      %dma_start3A_52 = arith.constant 2 : i32
      %dma_start3A_53 = arith.constant 2 : i32
      %dma_start3A_54 = arith.constant 0 : i32
      %dma_start3A_55 = arith.constant 0 : i32
      %dma_start3A_56 = tpu.memref_slice %arg8[%cond3A_14, %dma_start3A_54, %dma_start3A_55] : memref<4x128x64xf32, #tpu.memory_space<vmem>> -> memref<1x128x64xf32, #tpu.memory_space<vmem>>
      %dma_start3A_57 = tpu.memref_squeeze %dma_start3A_56 : memref<1x128x64xf32, #tpu.memory_space<vmem>> -> memref<128x64xf32, #tpu.memory_space<vmem>>
      %dma_start3A_58 = arith.constant 0 : i32
      %dma_start3A_59 = tpu.memref_slice %arg6[%dma_start3A_52, %dma_start3A_58] : memref<160x128xi32, #tpu.memory_space<vmem>> -> memref<1x128xi32, #tpu.memory_space<vmem>>
      %dma_start3A_60 = tpu.memref_squeeze %dma_start3A_59 : memref<1x128xi32, #tpu.memory_space<vmem>> -> memref<128xi32, #tpu.memory_space<vmem>>
      %dma_start3A_61 = arith.constant 0 : i32
      %dma_start3A_62 = arith.constant 0 : i32
      %dma_start3A_63 = tpu.memref_slice %arg2[%dma_start3A_61, %dma_start3A_62] : memref<10000x64xf32, #tpu.memory_space<hbm>> -> memref<10000x64xf32, #tpu.memory_space<hbm>>
      %dma_start3A_64 = tpu.memref_slice %arg11[%dma_start3A_53] : memref<4x!tpu.dma_semaphore, #tpu.memory_space<semaphore_mem>> -> memref<1x!tpu.dma_semaphore, #tpu.memory_space<semaphore_mem>>
      %dma_start3A_65 = tpu.memref_squeeze %dma_start3A_64 : memref<1x!tpu.dma_semaphore, #tpu.memory_space<semaphore_mem>> -> memref<!tpu.dma_semaphore, #tpu.memory_space<semaphore_mem>>
      tpu.enqueue_indirect_dma source(%dma_start3A_63 : memref<10000x64xf32, #tpu.memory_space<hbm>>) target(%dma_start3A_57 : memref<128x64xf32, #tpu.memory_space<vmem>>) offsets(%dma_start3A_60 : memref<128xi32, #tpu.memory_space<vmem>>) semaphore(%dma_start3A_65 : memref<!tpu.dma_semaphore, #tpu.memory_space<semaphore_mem>>)
      %dma_start3A_66 = arith.constant 3 : i32
      %dma_start3A_67 = arith.constant 0 : i32
      %dma_start3A_68 = arith.constant 0 : i32
      %dma_start3A_69 = tpu.memref_slice %arg8[%cond3A_15, %dma_start3A_67, %dma_start3A_68] : memref<4x128x64xf32, #tpu.memory_space<vmem>> -> memref<1x128x64xf32, #tpu.memory_space<vmem>>
      %dma_start3A_70 = tpu.memref_squeeze %dma_start3A_69 : memref<1x128x64xf32, #tpu.memory_space<vmem>> -> memref<128x64xf32, #tpu.memory_space<vmem>>
      %dma_start3A_71 = arith.constant 10000 : i32
      %dma_start3A_72 = arith.constant 0 : i32
      %dma_start3A_73 = tpu.memref_slice %arg10[%dma_start3A_71, %dma_start3A_72] : memref<10240x64xf32, #tpu.memory_space<vmem_shared>> -> memref<128x64xf32, #tpu.memory_space<vmem_shared>>
      %dma_start3A_74 = tpu.memref_slice %arg12[%dma_start3A_66] : memref<4x!tpu.dma_semaphore, #tpu.memory_space<semaphore_mem>> -> memref<1x!tpu.dma_semaphore, #tpu.memory_space<semaphore_mem>>
      %dma_start3A_75 = tpu.memref_squeeze %dma_start3A_74 : memref<1x!tpu.dma_semaphore, #tpu.memory_space<semaphore_mem>> -> memref<!tpu.dma_semaphore, #tpu.memory_space<semaphore_mem>>
      %dma_start3A_76 = arith.constant 10000 : i32
      %dma_start3A_77 = arith.constant 0 : i32
      %dma_start3A_78 = tpu.memref_slice %arg10[%dma_start3A_76, %dma_start3A_77] : memref<10240x64xf32, #tpu.memory_space<vmem_shared>> -> memref<128x64xf32, #tpu.memory_space<vmem_shared>>
      %dma_start3A_79 = arith.constant 0 : i32
      %dma_start3A_80 = arith.constant 0 : i32
      %dma_start3A_81 = tpu.memref_slice %arg8[%cond3A_15, %dma_start3A_79, %dma_start3A_80] : memref<4x128x64xf32, #tpu.memory_space<vmem>> -> memref<1x128x64xf32, #tpu.memory_space<vmem>>
      %dma_start3A_82 = tpu.memref_squeeze %dma_start3A_81 : memref<1x128x64xf32, #tpu.memory_space<vmem>> -> memref<128x64xf32, #tpu.memory_space<vmem>>
      tpu.enqueue_dma source(%dma_start3A_82 : memref<128x64xf32, #tpu.memory_space<vmem>>) target(%dma_start3A_78 : memref<128x64xf32, #tpu.memory_space<vmem_shared>>) target_semaphore(%dma_start3A_75 : memref<!tpu.dma_semaphore, #tpu.memory_space<semaphore_mem>>)
      %scan3A_83 = arith.constant 0 : i32
      %scan3A_84 = arith.constant 0 : i32
      %scan3A_85 = arith.constant 40 : i32
      %scan3A_86 = arith.addi %scan3A_84, %scan3A_85 : i32
      %scan3A_87 = arith.constant 1 : i32
      scf.for %scan3A_144 = %scan3A_84 to %scan3A_86 step %scan3A_87  : i32 {
        %mul3A_145 = arith.constant 4 : i32
        %mul3A_146 = arith.muli %mul3A_145, %scan3A_144 : i32
        %add3A_147 = arith.constant 0 : i32
        %add3A_148 = arith.addi %mul3A_146, %add3A_147 : i32
        %dma_wait3A_149 = arith.constant 0 : i32
        %dma_wait3A_150 = arith.constant 0 : i32
        %dma_wait3A_151 = arith.constant 0 : i32
        %dma_wait3A_152 = arith.constant 0 : i32
        %dma_wait3A_153 = tpu.memref_slice %arg8[%cond3A, %dma_wait3A_151, %dma_wait3A_152] : memref<4x128x64xf32, #tpu.memory_space<vmem>> -> memref<1x128x64xf32, #tpu.memory_space<vmem>>
        %dma_wait3A_154 = tpu.memref_squeeze %dma_wait3A_153 : memref<1x128x64xf32, #tpu.memory_space<vmem>> -> memref<128x64xf32, #tpu.memory_space<vmem>>
        %dma_wait3A_155 = arith.constant 0 : i32
        %dma_wait3A_156 = tpu.memref_slice %arg6[%dma_wait3A_149, %dma_wait3A_155] : memref<160x128xi32, #tpu.memory_space<vmem>> -> memref<1x128xi32, #tpu.memory_space<vmem>>
        %dma_wait3A_157 = tpu.memref_squeeze %dma_wait3A_156 : memref<1x128xi32, #tpu.memory_space<vmem>> -> memref<128xi32, #tpu.memory_space<vmem>>
        %dma_wait3A_158 = arith.constant 0 : i32
        %dma_wait3A_159 = arith.constant 0 : i32
        %dma_wait3A_160 = tpu.memref_slice %arg2[%dma_wait3A_158, %dma_wait3A_159] : memref<10000x64xf32, #tpu.memory_space<hbm>> -> memref<10000x64xf32, #tpu.memory_space<hbm>>
        %dma_wait3A_161 = tpu.memref_slice %arg11[%dma_wait3A_150] : memref<4x!tpu.dma_semaphore, #tpu.memory_space<semaphore_mem>> -> memref<1x!tpu.dma_semaphore, #tpu.memory_space<semaphore_mem>>
        %dma_wait3A_162 = tpu.memref_squeeze %dma_wait3A_161 : memref<1x!tpu.dma_semaphore, #tpu.memory_space<semaphore_mem>> -> memref<!tpu.dma_semaphore, #tpu.memory_space<semaphore_mem>>
        tpu.wait_indirect_dma semaphore(%dma_wait3A_162 : memref<!tpu.dma_semaphore, #tpu.memory_space<semaphore_mem>>) src(%dma_wait3A_160 : memref<10000x64xf32, #tpu.memory_space<hbm>>) dst(%dma_wait3A_154 : memref<128x64xf32, #tpu.memory_space<vmem>>)
        %dma_start3A_163 = arith.constant 0 : i32
        %dma_start3A_164 = arith.constant 0 : i32
        %dma_start3A_165 = arith.constant 0 : i32
        %dma_start3A_166 = tpu.memref_slice %arg8[%cond3A, %dma_start3A_164, %dma_start3A_165] : memref<4x128x64xf32, #tpu.memory_space<vmem>> -> memref<1x128x64xf32, #tpu.memory_space<vmem>>
        %dma_start3A_167 = tpu.memref_squeeze %dma_start3A_166 : memref<1x128x64xf32, #tpu.memory_space<vmem>> -> memref<128x64xf32, #tpu.memory_space<vmem>>
        %dma_start3A_168 = arith.constant 0 : i32
        %dma_start3A_169 = tpu.memref_slice %arg7[%add3A_148, %dma_start3A_168] : memref<160x128xi32, #tpu.memory_space<vmem>> -> memref<1x128xi32, #tpu.memory_space<vmem>>
        %dma_start3A_170 = tpu.memref_squeeze %dma_start3A_169 : memref<1x128xi32, #tpu.memory_space<vmem>> -> memref<128xi32, #tpu.memory_space<vmem>>
        %dma_start3A_171 = arith.constant 0 : i32
        %dma_start3A_172 = arith.constant 0 : i32
        %dma_start3A_173 = tpu.memref_slice %arg10[%dma_start3A_171, %dma_start3A_172] : memref<10240x64xf32, #tpu.memory_space<vmem_shared>> -> memref<10240x64xf32, #tpu.memory_space<vmem_shared>>
        %dma_start3A_174 = tpu.memref_slice %arg12[%dma_start3A_163] : memref<4x!tpu.dma_semaphore, #tpu.memory_space<semaphore_mem>> -> memref<1x!tpu.dma_semaphore, #tpu.memory_space<semaphore_mem>>
        %dma_start3A_175 = tpu.memref_squeeze %dma_start3A_174 : memref<1x!tpu.dma_semaphore, #tpu.memory_space<semaphore_mem>> -> memref<!tpu.dma_semaphore, #tpu.memory_space<semaphore_mem>>
        tpu.enqueue_indirect_dma source(%dma_start3A_167 : memref<128x64xf32, #tpu.memory_space<vmem>>) target(%dma_start3A_173 : memref<10240x64xf32, #tpu.memory_space<vmem_shared>>) offsets(%dma_start3A_170 : memref<128xi32, #tpu.memory_space<vmem>>) semaphore(%dma_start3A_175 : memref<!tpu.dma_semaphore, #tpu.memory_space<semaphore_mem>>) {add = true}
        %add3A_176 = arith.constant 4 : i32
        %add3A_177 = arith.addi %add3A_148, %add3A_176 : i32
        %sub3A = arith.constant 1 : i32
        %sub3A_178 = arith.subi %add3A_177, %sub3A : i32
        %lt3A = arith.constant 160 : i32
        %lt3A_179 = arith.cmpi slt, %sub3A_178, %lt3A : i32
        %convert_element_type3A_180 = arith.extui %lt3A_179 : i1 to i32
        %cond3A_181 = arith.constant 0 : i32
        %cond3A_182 = arith.cmpi ne, %convert_element_type3A_180, %cond3A_181 : i32
        scf.if %cond3A_182 {
          %dma_wait3A_303 = arith.constant 0 : i32
          %dma_wait3A_304 = arith.constant 3 : i32
          %dma_wait3A_305 = arith.constant 0 : i32
          %dma_wait3A_306 = arith.constant 0 : i32
          %dma_wait3A_307 = tpu.memref_slice %arg8[%cond3A_15, %dma_wait3A_305, %dma_wait3A_306] : memref<4x128x64xf32, #tpu.memory_space<vmem>> -> memref<1x128x64xf32, #tpu.memory_space<vmem>>
          %dma_wait3A_308 = tpu.memref_squeeze %dma_wait3A_307 : memref<1x128x64xf32, #tpu.memory_space<vmem>> -> memref<128x64xf32, #tpu.memory_space<vmem>>
          %dma_wait3A_309 = arith.constant 0 : i32
          %dma_wait3A_310 = tpu.memref_slice %arg7[%dma_wait3A_303, %dma_wait3A_309] : memref<160x128xi32, #tpu.memory_space<vmem>> -> memref<1x128xi32, #tpu.memory_space<vmem>>
          %dma_wait3A_311 = tpu.memref_squeeze %dma_wait3A_310 : memref<1x128xi32, #tpu.memory_space<vmem>> -> memref<128xi32, #tpu.memory_space<vmem>>
          %dma_wait3A_312 = arith.constant 0 : i32
          %dma_wait3A_313 = arith.constant 0 : i32
          %dma_wait3A_314 = tpu.memref_slice %arg10[%dma_wait3A_312, %dma_wait3A_313] : memref<10240x64xf32, #tpu.memory_space<vmem_shared>> -> memref<10240x64xf32, #tpu.memory_space<vmem_shared>>
          %dma_wait3A_315 = tpu.memref_slice %arg12[%dma_wait3A_304] : memref<4x!tpu.dma_semaphore, #tpu.memory_space<semaphore_mem>> -> memref<1x!tpu.dma_semaphore, #tpu.memory_space<semaphore_mem>>
          %dma_wait3A_316 = tpu.memref_squeeze %dma_wait3A_315 : memref<1x!tpu.dma_semaphore, #tpu.memory_space<semaphore_mem>> -> memref<!tpu.dma_semaphore, #tpu.memory_space<semaphore_mem>>
          tpu.wait_indirect_dma semaphore(%dma_wait3A_316 : memref<!tpu.dma_semaphore, #tpu.memory_space<semaphore_mem>>) src(%dma_wait3A_308 : memref<128x64xf32, #tpu.memory_space<vmem>>) dst(%dma_wait3A_314 : memref<10240x64xf32, #tpu.memory_space<vmem_shared>>)
          %dma_start3A_317 = arith.constant 3 : i32
          %dma_start3A_318 = arith.constant 0 : i32
          %dma_start3A_319 = arith.constant 0 : i32
          %dma_start3A_320 = tpu.memref_slice %arg8[%cond3A_15, %dma_start3A_318, %dma_start3A_319] : memref<4x128x64xf32, #tpu.memory_space<vmem>> -> memref<1x128x64xf32, #tpu.memory_space<vmem>>
          %dma_start3A_321 = tpu.memref_squeeze %dma_start3A_320 : memref<1x128x64xf32, #tpu.memory_space<vmem>> -> memref<128x64xf32, #tpu.memory_space<vmem>>
          %dma_start3A_322 = arith.constant 0 : i32
          %dma_start3A_323 = tpu.memref_slice %arg6[%sub3A_178, %dma_start3A_322] : memref<160x128xi32, #tpu.memory_space<vmem>> -> memref<1x128xi32, #tpu.memory_space<vmem>>
          %dma_start3A_324 = tpu.memref_squeeze %dma_start3A_323 : memref<1x128xi32, #tpu.memory_space<vmem>> -> memref<128xi32, #tpu.memory_space<vmem>>
          %dma_start3A_325 = arith.constant 0 : i32
          %dma_start3A_326 = arith.constant 0 : i32
          %dma_start3A_327 = tpu.memref_slice %arg2[%dma_start3A_325, %dma_start3A_326] : memref<10000x64xf32, #tpu.memory_space<hbm>> -> memref<10000x64xf32, #tpu.memory_space<hbm>>
          %dma_start3A_328 = tpu.memref_slice %arg11[%dma_start3A_317] : memref<4x!tpu.dma_semaphore, #tpu.memory_space<semaphore_mem>> -> memref<1x!tpu.dma_semaphore, #tpu.memory_space<semaphore_mem>>
          %dma_start3A_329 = tpu.memref_squeeze %dma_start3A_328 : memref<1x!tpu.dma_semaphore, #tpu.memory_space<semaphore_mem>> -> memref<!tpu.dma_semaphore, #tpu.memory_space<semaphore_mem>>
          tpu.enqueue_indirect_dma source(%dma_start3A_327 : memref<10000x64xf32, #tpu.memory_space<hbm>>) target(%dma_start3A_321 : memref<128x64xf32, #tpu.memory_space<vmem>>) offsets(%dma_start3A_324 : memref<128xi32, #tpu.memory_space<vmem>>) semaphore(%dma_start3A_329 : memref<!tpu.dma_semaphore, #tpu.memory_space<semaphore_mem>>)
        } else {
        }
        %mul3A_183 = arith.constant 4 : i32
        %mul3A_184 = arith.muli %mul3A_183, %scan3A_144 : i32
        %add3A_185 = arith.constant 1 : i32
        %add3A_186 = arith.addi %mul3A_184, %add3A_185 : i32
        %dma_wait3A_187 = arith.constant 0 : i32
        %dma_wait3A_188 = arith.constant 1 : i32
        %dma_wait3A_189 = arith.constant 0 : i32
        %dma_wait3A_190 = arith.constant 0 : i32
        %dma_wait3A_191 = tpu.memref_slice %arg8[%cond3A_13, %dma_wait3A_189, %dma_wait3A_190] : memref<4x128x64xf32, #tpu.memory_space<vmem>> -> memref<1x128x64xf32, #tpu.memory_space<vmem>>
        %dma_wait3A_192 = tpu.memref_squeeze %dma_wait3A_191 : memref<1x128x64xf32, #tpu.memory_space<vmem>> -> memref<128x64xf32, #tpu.memory_space<vmem>>
        %dma_wait3A_193 = arith.constant 0 : i32
        %dma_wait3A_194 = tpu.memref_slice %arg6[%dma_wait3A_187, %dma_wait3A_193] : memref<160x128xi32, #tpu.memory_space<vmem>> -> memref<1x128xi32, #tpu.memory_space<vmem>>
        %dma_wait3A_195 = tpu.memref_squeeze %dma_wait3A_194 : memref<1x128xi32, #tpu.memory_space<vmem>> -> memref<128xi32, #tpu.memory_space<vmem>>
        %dma_wait3A_196 = arith.constant 0 : i32
        %dma_wait3A_197 = arith.constant 0 : i32
        %dma_wait3A_198 = tpu.memref_slice %arg2[%dma_wait3A_196, %dma_wait3A_197] : memref<10000x64xf32, #tpu.memory_space<hbm>> -> memref<10000x64xf32, #tpu.memory_space<hbm>>
        %dma_wait3A_199 = tpu.memref_slice %arg11[%dma_wait3A_188] : memref<4x!tpu.dma_semaphore, #tpu.memory_space<semaphore_mem>> -> memref<1x!tpu.dma_semaphore, #tpu.memory_space<semaphore_mem>>
        %dma_wait3A_200 = tpu.memref_squeeze %dma_wait3A_199 : memref<1x!tpu.dma_semaphore, #tpu.memory_space<semaphore_mem>> -> memref<!tpu.dma_semaphore, #tpu.memory_space<semaphore_mem>>
        tpu.wait_indirect_dma semaphore(%dma_wait3A_200 : memref<!tpu.dma_semaphore, #tpu.memory_space<semaphore_mem>>) src(%dma_wait3A_198 : memref<10000x64xf32, #tpu.memory_space<hbm>>) dst(%dma_wait3A_192 : memref<128x64xf32, #tpu.memory_space<vmem>>)
        %dma_start3A_201 = arith.constant 1 : i32
        %dma_start3A_202 = arith.constant 0 : i32
        %dma_start3A_203 = arith.constant 0 : i32
        %dma_start3A_204 = tpu.memref_slice %arg8[%cond3A_13, %dma_start3A_202, %dma_start3A_203] : memref<4x128x64xf32, #tpu.memory_space<vmem>> -> memref<1x128x64xf32, #tpu.memory_space<vmem>>
        %dma_start3A_205 = tpu.memref_squeeze %dma_start3A_204 : memref<1x128x64xf32, #tpu.memory_space<vmem>> -> memref<128x64xf32, #tpu.memory_space<vmem>>
        %dma_start3A_206 = arith.constant 0 : i32
        %dma_start3A_207 = tpu.memref_slice %arg7[%add3A_186, %dma_start3A_206] : memref<160x128xi32, #tpu.memory_space<vmem>> -> memref<1x128xi32, #tpu.memory_space<vmem>>
        %dma_start3A_208 = tpu.memref_squeeze %dma_start3A_207 : memref<1x128xi32, #tpu.memory_space<vmem>> -> memref<128xi32, #tpu.memory_space<vmem>>
        %dma_start3A_209 = arith.constant 0 : i32
        %dma_start3A_210 = arith.constant 0 : i32
        %dma_start3A_211 = tpu.memref_slice %arg10[%dma_start3A_209, %dma_start3A_210] : memref<10240x64xf32, #tpu.memory_space<vmem_shared>> -> memref<10240x64xf32, #tpu.memory_space<vmem_shared>>
        %dma_start3A_212 = tpu.memref_slice %arg12[%dma_start3A_201] : memref<4x!tpu.dma_semaphore, #tpu.memory_space<semaphore_mem>> -> memref<1x!tpu.dma_semaphore, #tpu.memory_space<semaphore_mem>>
        %dma_start3A_213 = tpu.memref_squeeze %dma_start3A_212 : memref<1x!tpu.dma_semaphore, #tpu.memory_space<semaphore_mem>> -> memref<!tpu.dma_semaphore, #tpu.memory_space<semaphore_mem>>
        tpu.enqueue_indirect_dma source(%dma_start3A_205 : memref<128x64xf32, #tpu.memory_space<vmem>>) target(%dma_start3A_211 : memref<10240x64xf32, #tpu.memory_space<vmem_shared>>) offsets(%dma_start3A_208 : memref<128xi32, #tpu.memory_space<vmem>>) semaphore(%dma_start3A_213 : memref<!tpu.dma_semaphore, #tpu.memory_space<semaphore_mem>>) {add = true}
        %add3A_214 = arith.constant 4 : i32
        %add3A_215 = arith.addi %add3A_186, %add3A_214 : i32
        %sub3A_216 = arith.constant 1 : i32
        %sub3A_217 = arith.subi %add3A_215, %sub3A_216 : i32
        %lt3A_218 = arith.constant 160 : i32
        %lt3A_219 = arith.cmpi slt, %sub3A_217, %lt3A_218 : i32
        %convert_element_type3A_220 = arith.extui %lt3A_219 : i1 to i32
        %cond3A_221 = arith.constant 0 : i32
        %cond3A_222 = arith.cmpi ne, %convert_element_type3A_220, %cond3A_221 : i32
        scf.if %cond3A_222 {
          %dma_wait3A_303 = arith.constant 0 : i32
          %dma_wait3A_304 = arith.constant 0 : i32
          %dma_wait3A_305 = arith.constant 0 : i32
          %dma_wait3A_306 = arith.constant 0 : i32
          %dma_wait3A_307 = tpu.memref_slice %arg8[%cond3A, %dma_wait3A_305, %dma_wait3A_306] : memref<4x128x64xf32, #tpu.memory_space<vmem>> -> memref<1x128x64xf32, #tpu.memory_space<vmem>>
          %dma_wait3A_308 = tpu.memref_squeeze %dma_wait3A_307 : memref<1x128x64xf32, #tpu.memory_space<vmem>> -> memref<128x64xf32, #tpu.memory_space<vmem>>
          %dma_wait3A_309 = arith.constant 0 : i32
          %dma_wait3A_310 = tpu.memref_slice %arg7[%dma_wait3A_303, %dma_wait3A_309] : memref<160x128xi32, #tpu.memory_space<vmem>> -> memref<1x128xi32, #tpu.memory_space<vmem>>
          %dma_wait3A_311 = tpu.memref_squeeze %dma_wait3A_310 : memref<1x128xi32, #tpu.memory_space<vmem>> -> memref<128xi32, #tpu.memory_space<vmem>>
          %dma_wait3A_312 = arith.constant 0 : i32
          %dma_wait3A_313 = arith.constant 0 : i32
          %dma_wait3A_314 = tpu.memref_slice %arg10[%dma_wait3A_312, %dma_wait3A_313] : memref<10240x64xf32, #tpu.memory_space<vmem_shared>> -> memref<10240x64xf32, #tpu.memory_space<vmem_shared>>
          %dma_wait3A_315 = tpu.memref_slice %arg12[%dma_wait3A_304] : memref<4x!tpu.dma_semaphore, #tpu.memory_space<semaphore_mem>> -> memref<1x!tpu.dma_semaphore, #tpu.memory_space<semaphore_mem>>
          %dma_wait3A_316 = tpu.memref_squeeze %dma_wait3A_315 : memref<1x!tpu.dma_semaphore, #tpu.memory_space<semaphore_mem>> -> memref<!tpu.dma_semaphore, #tpu.memory_space<semaphore_mem>>
          tpu.wait_indirect_dma semaphore(%dma_wait3A_316 : memref<!tpu.dma_semaphore, #tpu.memory_space<semaphore_mem>>) src(%dma_wait3A_308 : memref<128x64xf32, #tpu.memory_space<vmem>>) dst(%dma_wait3A_314 : memref<10240x64xf32, #tpu.memory_space<vmem_shared>>)
          %dma_start3A_317 = arith.constant 0 : i32
          %dma_start3A_318 = arith.constant 0 : i32
          %dma_start3A_319 = arith.constant 0 : i32
          %dma_start3A_320 = tpu.memref_slice %arg8[%cond3A, %dma_start3A_318, %dma_start3A_319] : memref<4x128x64xf32, #tpu.memory_space<vmem>> -> memref<1x128x64xf32, #tpu.memory_space<vmem>>
          %dma_start3A_321 = tpu.memref_squeeze %dma_start3A_320 : memref<1x128x64xf32, #tpu.memory_space<vmem>> -> memref<128x64xf32, #tpu.memory_space<vmem>>
          %dma_start3A_322 = arith.constant 0 : i32
          %dma_start3A_323 = tpu.memref_slice %arg6[%sub3A_217, %dma_start3A_322] : memref<160x128xi32, #tpu.memory_space<vmem>> -> memref<1x128xi32, #tpu.memory_space<vmem>>
          %dma_start3A_324 = tpu.memref_squeeze %dma_start3A_323 : memref<1x128xi32, #tpu.memory_space<vmem>> -> memref<128xi32, #tpu.memory_space<vmem>>
          %dma_start3A_325 = arith.constant 0 : i32
          %dma_start3A_326 = arith.constant 0 : i32
          %dma_start3A_327 = tpu.memref_slice %arg2[%dma_start3A_325, %dma_start3A_326] : memref<10000x64xf32, #tpu.memory_space<hbm>> -> memref<10000x64xf32, #tpu.memory_space<hbm>>
          %dma_start3A_328 = tpu.memref_slice %arg11[%dma_start3A_317] : memref<4x!tpu.dma_semaphore, #tpu.memory_space<semaphore_mem>> -> memref<1x!tpu.dma_semaphore, #tpu.memory_space<semaphore_mem>>
          %dma_start3A_329 = tpu.memref_squeeze %dma_start3A_328 : memref<1x!tpu.dma_semaphore, #tpu.memory_space<semaphore_mem>> -> memref<!tpu.dma_semaphore, #tpu.memory_space<semaphore_mem>>
          tpu.enqueue_indirect_dma source(%dma_start3A_327 : memref<10000x64xf32, #tpu.memory_space<hbm>>) target(%dma_start3A_321 : memref<128x64xf32, #tpu.memory_space<vmem>>) offsets(%dma_start3A_324 : memref<128xi32, #tpu.memory_space<vmem>>) semaphore(%dma_start3A_329 : memref<!tpu.dma_semaphore, #tpu.memory_space<semaphore_mem>>)
        } else {
        }
        %mul3A_223 = arith.constant 4 : i32
        %mul3A_224 = arith.muli %mul3A_223, %scan3A_144 : i32
        %add3A_225 = arith.constant 2 : i32
        %add3A_226 = arith.addi %mul3A_224, %add3A_225 : i32
        %dma_wait3A_227 = arith.constant 0 : i32
        %dma_wait3A_228 = arith.constant 2 : i32
        %dma_wait3A_229 = arith.constant 0 : i32
        %dma_wait3A_230 = arith.constant 0 : i32
        %dma_wait3A_231 = tpu.memref_slice %arg8[%cond3A_14, %dma_wait3A_229, %dma_wait3A_230] : memref<4x128x64xf32, #tpu.memory_space<vmem>> -> memref<1x128x64xf32, #tpu.memory_space<vmem>>
        %dma_wait3A_232 = tpu.memref_squeeze %dma_wait3A_231 : memref<1x128x64xf32, #tpu.memory_space<vmem>> -> memref<128x64xf32, #tpu.memory_space<vmem>>
        %dma_wait3A_233 = arith.constant 0 : i32
        %dma_wait3A_234 = tpu.memref_slice %arg6[%dma_wait3A_227, %dma_wait3A_233] : memref<160x128xi32, #tpu.memory_space<vmem>> -> memref<1x128xi32, #tpu.memory_space<vmem>>
        %dma_wait3A_235 = tpu.memref_squeeze %dma_wait3A_234 : memref<1x128xi32, #tpu.memory_space<vmem>> -> memref<128xi32, #tpu.memory_space<vmem>>
        %dma_wait3A_236 = arith.constant 0 : i32
        %dma_wait3A_237 = arith.constant 0 : i32
        %dma_wait3A_238 = tpu.memref_slice %arg2[%dma_wait3A_236, %dma_wait3A_237] : memref<10000x64xf32, #tpu.memory_space<hbm>> -> memref<10000x64xf32, #tpu.memory_space<hbm>>
        %dma_wait3A_239 = tpu.memref_slice %arg11[%dma_wait3A_228] : memref<4x!tpu.dma_semaphore, #tpu.memory_space<semaphore_mem>> -> memref<1x!tpu.dma_semaphore, #tpu.memory_space<semaphore_mem>>
        %dma_wait3A_240 = tpu.memref_squeeze %dma_wait3A_239 : memref<1x!tpu.dma_semaphore, #tpu.memory_space<semaphore_mem>> -> memref<!tpu.dma_semaphore, #tpu.memory_space<semaphore_mem>>
        tpu.wait_indirect_dma semaphore(%dma_wait3A_240 : memref<!tpu.dma_semaphore, #tpu.memory_space<semaphore_mem>>) src(%dma_wait3A_238 : memref<10000x64xf32, #tpu.memory_space<hbm>>) dst(%dma_wait3A_232 : memref<128x64xf32, #tpu.memory_space<vmem>>)
        %dma_start3A_241 = arith.constant 2 : i32
        %dma_start3A_242 = arith.constant 0 : i32
        %dma_start3A_243 = arith.constant 0 : i32
        %dma_start3A_244 = tpu.memref_slice %arg8[%cond3A_14, %dma_start3A_242, %dma_start3A_243] : memref<4x128x64xf32, #tpu.memory_space<vmem>> -> memref<1x128x64xf32, #tpu.memory_space<vmem>>
        %dma_start3A_245 = tpu.memref_squeeze %dma_start3A_244 : memref<1x128x64xf32, #tpu.memory_space<vmem>> -> memref<128x64xf32, #tpu.memory_space<vmem>>
        %dma_start3A_246 = arith.constant 0 : i32
        %dma_start3A_247 = tpu.memref_slice %arg7[%add3A_226, %dma_start3A_246] : memref<160x128xi32, #tpu.memory_space<vmem>> -> memref<1x128xi32, #tpu.memory_space<vmem>>
        %dma_start3A_248 = tpu.memref_squeeze %dma_start3A_247 : memref<1x128xi32, #tpu.memory_space<vmem>> -> memref<128xi32, #tpu.memory_space<vmem>>
        %dma_start3A_249 = arith.constant 0 : i32
        %dma_start3A_250 = arith.constant 0 : i32
        %dma_start3A_251 = tpu.memref_slice %arg10[%dma_start3A_249, %dma_start3A_250] : memref<10240x64xf32, #tpu.memory_space<vmem_shared>> -> memref<10240x64xf32, #tpu.memory_space<vmem_shared>>
        %dma_start3A_252 = tpu.memref_slice %arg12[%dma_start3A_241] : memref<4x!tpu.dma_semaphore, #tpu.memory_space<semaphore_mem>> -> memref<1x!tpu.dma_semaphore, #tpu.memory_space<semaphore_mem>>
        %dma_start3A_253 = tpu.memref_squeeze %dma_start3A_252 : memref<1x!tpu.dma_semaphore, #tpu.memory_space<semaphore_mem>> -> memref<!tpu.dma_semaphore, #tpu.memory_space<semaphore_mem>>
        tpu.enqueue_indirect_dma source(%dma_start3A_245 : memref<128x64xf32, #tpu.memory_space<vmem>>) target(%dma_start3A_251 : memref<10240x64xf32, #tpu.memory_space<vmem_shared>>) offsets(%dma_start3A_248 : memref<128xi32, #tpu.memory_space<vmem>>) semaphore(%dma_start3A_253 : memref<!tpu.dma_semaphore, #tpu.memory_space<semaphore_mem>>) {add = true}
        %add3A_254 = arith.constant 4 : i32
        %add3A_255 = arith.addi %add3A_226, %add3A_254 : i32
        %sub3A_256 = arith.constant 1 : i32
        %sub3A_257 = arith.subi %add3A_255, %sub3A_256 : i32
        %lt3A_258 = arith.constant 160 : i32
        %lt3A_259 = arith.cmpi slt, %sub3A_257, %lt3A_258 : i32
        %convert_element_type3A_260 = arith.extui %lt3A_259 : i1 to i32
        %cond3A_261 = arith.constant 0 : i32
        %cond3A_262 = arith.cmpi ne, %convert_element_type3A_260, %cond3A_261 : i32
        scf.if %cond3A_262 {
          %dma_wait3A_303 = arith.constant 0 : i32
          %dma_wait3A_304 = arith.constant 1 : i32
          %dma_wait3A_305 = arith.constant 0 : i32
          %dma_wait3A_306 = arith.constant 0 : i32
          %dma_wait3A_307 = tpu.memref_slice %arg8[%cond3A_13, %dma_wait3A_305, %dma_wait3A_306] : memref<4x128x64xf32, #tpu.memory_space<vmem>> -> memref<1x128x64xf32, #tpu.memory_space<vmem>>
          %dma_wait3A_308 = tpu.memref_squeeze %dma_wait3A_307 : memref<1x128x64xf32, #tpu.memory_space<vmem>> -> memref<128x64xf32, #tpu.memory_space<vmem>>
          %dma_wait3A_309 = arith.constant 0 : i32
          %dma_wait3A_310 = tpu.memref_slice %arg7[%dma_wait3A_303, %dma_wait3A_309] : memref<160x128xi32, #tpu.memory_space<vmem>> -> memref<1x128xi32, #tpu.memory_space<vmem>>
          %dma_wait3A_311 = tpu.memref_squeeze %dma_wait3A_310 : memref<1x128xi32, #tpu.memory_space<vmem>> -> memref<128xi32, #tpu.memory_space<vmem>>
          %dma_wait3A_312 = arith.constant 0 : i32
          %dma_wait3A_313 = arith.constant 0 : i32
          %dma_wait3A_314 = tpu.memref_slice %arg10[%dma_wait3A_312, %dma_wait3A_313] : memref<10240x64xf32, #tpu.memory_space<vmem_shared>> -> memref<10240x64xf32, #tpu.memory_space<vmem_shared>>
          %dma_wait3A_315 = tpu.memref_slice %arg12[%dma_wait3A_304] : memref<4x!tpu.dma_semaphore, #tpu.memory_space<semaphore_mem>> -> memref<1x!tpu.dma_semaphore, #tpu.memory_space<semaphore_mem>>
          %dma_wait3A_316 = tpu.memref_squeeze %dma_wait3A_315 : memref<1x!tpu.dma_semaphore, #tpu.memory_space<semaphore_mem>> -> memref<!tpu.dma_semaphore, #tpu.memory_space<semaphore_mem>>
          tpu.wait_indirect_dma semaphore(%dma_wait3A_316 : memref<!tpu.dma_semaphore, #tpu.memory_space<semaphore_mem>>) src(%dma_wait3A_308 : memref<128x64xf32, #tpu.memory_space<vmem>>) dst(%dma_wait3A_314 : memref<10240x64xf32, #tpu.memory_space<vmem_shared>>)
          %dma_start3A_317 = arith.constant 1 : i32
          %dma_start3A_318 = arith.constant 0 : i32
          %dma_start3A_319 = arith.constant 0 : i32
          %dma_start3A_320 = tpu.memref_slice %arg8[%cond3A_13, %dma_start3A_318, %dma_start3A_319] : memref<4x128x64xf32, #tpu.memory_space<vmem>> -> memref<1x128x64xf32, #tpu.memory_space<vmem>>
          %dma_start3A_321 = tpu.memref_squeeze %dma_start3A_320 : memref<1x128x64xf32, #tpu.memory_space<vmem>> -> memref<128x64xf32, #tpu.memory_space<vmem>>
          %dma_start3A_322 = arith.constant 0 : i32
          %dma_start3A_323 = tpu.memref_slice %arg6[%sub3A_257, %dma_start3A_322] : memref<160x128xi32, #tpu.memory_space<vmem>> -> memref<1x128xi32, #tpu.memory_space<vmem>>
          %dma_start3A_324 = tpu.memref_squeeze %dma_start3A_323 : memref<1x128xi32, #tpu.memory_space<vmem>> -> memref<128xi32, #tpu.memory_space<vmem>>
          %dma_start3A_325 = arith.constant 0 : i32
          %dma_start3A_326 = arith.constant 0 : i32
          %dma_start3A_327 = tpu.memref_slice %arg2[%dma_start3A_325, %dma_start3A_326] : memref<10000x64xf32, #tpu.memory_space<hbm>> -> memref<10000x64xf32, #tpu.memory_space<hbm>>
          %dma_start3A_328 = tpu.memref_slice %arg11[%dma_start3A_317] : memref<4x!tpu.dma_semaphore, #tpu.memory_space<semaphore_mem>> -> memref<1x!tpu.dma_semaphore, #tpu.memory_space<semaphore_mem>>
          %dma_start3A_329 = tpu.memref_squeeze %dma_start3A_328 : memref<1x!tpu.dma_semaphore, #tpu.memory_space<semaphore_mem>> -> memref<!tpu.dma_semaphore, #tpu.memory_space<semaphore_mem>>
          tpu.enqueue_indirect_dma source(%dma_start3A_327 : memref<10000x64xf32, #tpu.memory_space<hbm>>) target(%dma_start3A_321 : memref<128x64xf32, #tpu.memory_space<vmem>>) offsets(%dma_start3A_324 : memref<128xi32, #tpu.memory_space<vmem>>) semaphore(%dma_start3A_329 : memref<!tpu.dma_semaphore, #tpu.memory_space<semaphore_mem>>)
        } else {
        }
        %mul3A_263 = arith.constant 4 : i32
        %mul3A_264 = arith.muli %mul3A_263, %scan3A_144 : i32
        %add3A_265 = arith.constant 3 : i32
        %add3A_266 = arith.addi %mul3A_264, %add3A_265 : i32
        %dma_wait3A_267 = arith.constant 0 : i32
        %dma_wait3A_268 = arith.constant 3 : i32
        %dma_wait3A_269 = arith.constant 0 : i32
        %dma_wait3A_270 = arith.constant 0 : i32
        %dma_wait3A_271 = tpu.memref_slice %arg8[%cond3A_15, %dma_wait3A_269, %dma_wait3A_270] : memref<4x128x64xf32, #tpu.memory_space<vmem>> -> memref<1x128x64xf32, #tpu.memory_space<vmem>>
        %dma_wait3A_272 = tpu.memref_squeeze %dma_wait3A_271 : memref<1x128x64xf32, #tpu.memory_space<vmem>> -> memref<128x64xf32, #tpu.memory_space<vmem>>
        %dma_wait3A_273 = arith.constant 0 : i32
        %dma_wait3A_274 = tpu.memref_slice %arg6[%dma_wait3A_267, %dma_wait3A_273] : memref<160x128xi32, #tpu.memory_space<vmem>> -> memref<1x128xi32, #tpu.memory_space<vmem>>
        %dma_wait3A_275 = tpu.memref_squeeze %dma_wait3A_274 : memref<1x128xi32, #tpu.memory_space<vmem>> -> memref<128xi32, #tpu.memory_space<vmem>>
        %dma_wait3A_276 = arith.constant 0 : i32
        %dma_wait3A_277 = arith.constant 0 : i32
        %dma_wait3A_278 = tpu.memref_slice %arg2[%dma_wait3A_276, %dma_wait3A_277] : memref<10000x64xf32, #tpu.memory_space<hbm>> -> memref<10000x64xf32, #tpu.memory_space<hbm>>
        %dma_wait3A_279 = tpu.memref_slice %arg11[%dma_wait3A_268] : memref<4x!tpu.dma_semaphore, #tpu.memory_space<semaphore_mem>> -> memref<1x!tpu.dma_semaphore, #tpu.memory_space<semaphore_mem>>
        %dma_wait3A_280 = tpu.memref_squeeze %dma_wait3A_279 : memref<1x!tpu.dma_semaphore, #tpu.memory_space<semaphore_mem>> -> memref<!tpu.dma_semaphore, #tpu.memory_space<semaphore_mem>>
        tpu.wait_indirect_dma semaphore(%dma_wait3A_280 : memref<!tpu.dma_semaphore, #tpu.memory_space<semaphore_mem>>) src(%dma_wait3A_278 : memref<10000x64xf32, #tpu.memory_space<hbm>>) dst(%dma_wait3A_272 : memref<128x64xf32, #tpu.memory_space<vmem>>)
        %dma_start3A_281 = arith.constant 3 : i32
        %dma_start3A_282 = arith.constant 0 : i32
        %dma_start3A_283 = arith.constant 0 : i32
        %dma_start3A_284 = tpu.memref_slice %arg8[%cond3A_15, %dma_start3A_282, %dma_start3A_283] : memref<4x128x64xf32, #tpu.memory_space<vmem>> -> memref<1x128x64xf32, #tpu.memory_space<vmem>>
        %dma_start3A_285 = tpu.memref_squeeze %dma_start3A_284 : memref<1x128x64xf32, #tpu.memory_space<vmem>> -> memref<128x64xf32, #tpu.memory_space<vmem>>
        %dma_start3A_286 = arith.constant 0 : i32
        %dma_start3A_287 = tpu.memref_slice %arg7[%add3A_266, %dma_start3A_286] : memref<160x128xi32, #tpu.memory_space<vmem>> -> memref<1x128xi32, #tpu.memory_space<vmem>>
        %dma_start3A_288 = tpu.memref_squeeze %dma_start3A_287 : memref<1x128xi32, #tpu.memory_space<vmem>> -> memref<128xi32, #tpu.memory_space<vmem>>
        %dma_start3A_289 = arith.constant 0 : i32
        %dma_start3A_290 = arith.constant 0 : i32
        %dma_start3A_291 = tpu.memref_slice %arg10[%dma_start3A_289, %dma_start3A_290] : memref<10240x64xf32, #tpu.memory_space<vmem_shared>> -> memref<10240x64xf32, #tpu.memory_space<vmem_shared>>
        %dma_start3A_292 = tpu.memref_slice %arg12[%dma_start3A_281] : memref<4x!tpu.dma_semaphore, #tpu.memory_space<semaphore_mem>> -> memref<1x!tpu.dma_semaphore, #tpu.memory_space<semaphore_mem>>
        %dma_start3A_293 = tpu.memref_squeeze %dma_start3A_292 : memref<1x!tpu.dma_semaphore, #tpu.memory_space<semaphore_mem>> -> memref<!tpu.dma_semaphore, #tpu.memory_space<semaphore_mem>>
        tpu.enqueue_indirect_dma source(%dma_start3A_285 : memref<128x64xf32, #tpu.memory_space<vmem>>) target(%dma_start3A_291 : memref<10240x64xf32, #tpu.memory_space<vmem_shared>>) offsets(%dma_start3A_288 : memref<128xi32, #tpu.memory_space<vmem>>) semaphore(%dma_start3A_293 : memref<!tpu.dma_semaphore, #tpu.memory_space<semaphore_mem>>) {add = true}
        %add3A_294 = arith.constant 4 : i32
        %add3A_295 = arith.addi %add3A_266, %add3A_294 : i32
        %sub3A_296 = arith.constant 1 : i32
        %sub3A_297 = arith.subi %add3A_295, %sub3A_296 : i32
        %lt3A_298 = arith.constant 160 : i32
        %lt3A_299 = arith.cmpi slt, %sub3A_297, %lt3A_298 : i32
        %convert_element_type3A_300 = arith.extui %lt3A_299 : i1 to i32
        %cond3A_301 = arith.constant 0 : i32
        %cond3A_302 = arith.cmpi ne, %convert_element_type3A_300, %cond3A_301 : i32
        scf.if %cond3A_302 {
          %dma_wait3A_303 = arith.constant 0 : i32
          %dma_wait3A_304 = arith.constant 2 : i32
          %dma_wait3A_305 = arith.constant 0 : i32
          %dma_wait3A_306 = arith.constant 0 : i32
          %dma_wait3A_307 = tpu.memref_slice %arg8[%cond3A_14, %dma_wait3A_305, %dma_wait3A_306] : memref<4x128x64xf32, #tpu.memory_space<vmem>> -> memref<1x128x64xf32, #tpu.memory_space<vmem>>
          %dma_wait3A_308 = tpu.memref_squeeze %dma_wait3A_307 : memref<1x128x64xf32, #tpu.memory_space<vmem>> -> memref<128x64xf32, #tpu.memory_space<vmem>>
          %dma_wait3A_309 = arith.constant 0 : i32
          %dma_wait3A_310 = tpu.memref_slice %arg7[%dma_wait3A_303, %dma_wait3A_309] : memref<160x128xi32, #tpu.memory_space<vmem>> -> memref<1x128xi32, #tpu.memory_space<vmem>>
          %dma_wait3A_311 = tpu.memref_squeeze %dma_wait3A_310 : memref<1x128xi32, #tpu.memory_space<vmem>> -> memref<128xi32, #tpu.memory_space<vmem>>
          %dma_wait3A_312 = arith.constant 0 : i32
          %dma_wait3A_313 = arith.constant 0 : i32
          %dma_wait3A_314 = tpu.memref_slice %arg10[%dma_wait3A_312, %dma_wait3A_313] : memref<10240x64xf32, #tpu.memory_space<vmem_shared>> -> memref<10240x64xf32, #tpu.memory_space<vmem_shared>>
          %dma_wait3A_315 = tpu.memref_slice %arg12[%dma_wait3A_304] : memref<4x!tpu.dma_semaphore, #tpu.memory_space<semaphore_mem>> -> memref<1x!tpu.dma_semaphore, #tpu.memory_space<semaphore_mem>>
          %dma_wait3A_316 = tpu.memref_squeeze %dma_wait3A_315 : memref<1x!tpu.dma_semaphore, #tpu.memory_space<semaphore_mem>> -> memref<!tpu.dma_semaphore, #tpu.memory_space<semaphore_mem>>
          tpu.wait_indirect_dma semaphore(%dma_wait3A_316 : memref<!tpu.dma_semaphore, #tpu.memory_space<semaphore_mem>>) src(%dma_wait3A_308 : memref<128x64xf32, #tpu.memory_space<vmem>>) dst(%dma_wait3A_314 : memref<10240x64xf32, #tpu.memory_space<vmem_shared>>)
          %dma_start3A_317 = arith.constant 2 : i32
          %dma_start3A_318 = arith.constant 0 : i32
          %dma_start3A_319 = arith.constant 0 : i32
          %dma_start3A_320 = tpu.memref_slice %arg8[%cond3A_14, %dma_start3A_318, %dma_start3A_319] : memref<4x128x64xf32, #tpu.memory_space<vmem>> -> memref<1x128x64xf32, #tpu.memory_space<vmem>>
          %dma_start3A_321 = tpu.memref_squeeze %dma_start3A_320 : memref<1x128x64xf32, #tpu.memory_space<vmem>> -> memref<128x64xf32, #tpu.memory_space<vmem>>
          %dma_start3A_322 = arith.constant 0 : i32
          %dma_start3A_323 = tpu.memref_slice %arg6[%sub3A_297, %dma_start3A_322] : memref<160x128xi32, #tpu.memory_space<vmem>> -> memref<1x128xi32, #tpu.memory_space<vmem>>
          %dma_start3A_324 = tpu.memref_squeeze %dma_start3A_323 : memref<1x128xi32, #tpu.memory_space<vmem>> -> memref<128xi32, #tpu.memory_space<vmem>>
          %dma_start3A_325 = arith.constant 0 : i32
          %dma_start3A_326 = arith.constant 0 : i32
          %dma_start3A_327 = tpu.memref_slice %arg2[%dma_start3A_325, %dma_start3A_326] : memref<10000x64xf32, #tpu.memory_space<hbm>> -> memref<10000x64xf32, #tpu.memory_space<hbm>>
          %dma_start3A_328 = tpu.memref_slice %arg11[%dma_start3A_317] : memref<4x!tpu.dma_semaphore, #tpu.memory_space<semaphore_mem>> -> memref<1x!tpu.dma_semaphore, #tpu.memory_space<semaphore_mem>>
          %dma_start3A_329 = tpu.memref_squeeze %dma_start3A_328 : memref<1x!tpu.dma_semaphore, #tpu.memory_space<semaphore_mem>> -> memref<!tpu.dma_semaphore, #tpu.memory_space<semaphore_mem>>
          tpu.enqueue_indirect_dma source(%dma_start3A_327 : memref<10000x64xf32, #tpu.memory_space<hbm>>) target(%dma_start3A_321 : memref<128x64xf32, #tpu.memory_space<vmem>>) offsets(%dma_start3A_324 : memref<128xi32, #tpu.memory_space<vmem>>) semaphore(%dma_start3A_329 : memref<!tpu.dma_semaphore, #tpu.memory_space<semaphore_mem>>)
        } else {
        }
      }
      %scan3A_88 = arith.constant 40 : i32
      %dma_wait3A = arith.constant 0 : i32
      %dma_wait3A_89 = arith.constant 0 : i32
      %dma_wait3A_90 = arith.constant 0 : i32
      %dma_wait3A_91 = arith.constant 0 : i32
      %dma_wait3A_92 = tpu.memref_slice %arg8[%cond3A, %dma_wait3A_90, %dma_wait3A_91] : memref<4x128x64xf32, #tpu.memory_space<vmem>> -> memref<1x128x64xf32, #tpu.memory_space<vmem>>
      %dma_wait3A_93 = tpu.memref_squeeze %dma_wait3A_92 : memref<1x128x64xf32, #tpu.memory_space<vmem>> -> memref<128x64xf32, #tpu.memory_space<vmem>>
      %dma_wait3A_94 = arith.constant 0 : i32
      %dma_wait3A_95 = tpu.memref_slice %arg7[%dma_wait3A, %dma_wait3A_94] : memref<160x128xi32, #tpu.memory_space<vmem>> -> memref<1x128xi32, #tpu.memory_space<vmem>>
      %dma_wait3A_96 = tpu.memref_squeeze %dma_wait3A_95 : memref<1x128xi32, #tpu.memory_space<vmem>> -> memref<128xi32, #tpu.memory_space<vmem>>
      %dma_wait3A_97 = arith.constant 0 : i32
      %dma_wait3A_98 = arith.constant 0 : i32
      %dma_wait3A_99 = tpu.memref_slice %arg10[%dma_wait3A_97, %dma_wait3A_98] : memref<10240x64xf32, #tpu.memory_space<vmem_shared>> -> memref<10240x64xf32, #tpu.memory_space<vmem_shared>>
      %dma_wait3A_100 = tpu.memref_slice %arg12[%dma_wait3A_89] : memref<4x!tpu.dma_semaphore, #tpu.memory_space<semaphore_mem>> -> memref<1x!tpu.dma_semaphore, #tpu.memory_space<semaphore_mem>>
      %dma_wait3A_101 = tpu.memref_squeeze %dma_wait3A_100 : memref<1x!tpu.dma_semaphore, #tpu.memory_space<semaphore_mem>> -> memref<!tpu.dma_semaphore, #tpu.memory_space<semaphore_mem>>
      tpu.wait_indirect_dma semaphore(%dma_wait3A_101 : memref<!tpu.dma_semaphore, #tpu.memory_space<semaphore_mem>>) src(%dma_wait3A_93 : memref<128x64xf32, #tpu.memory_space<vmem>>) dst(%dma_wait3A_99 : memref<10240x64xf32, #tpu.memory_space<vmem_shared>>)
      %dma_wait3A_102 = arith.constant 0 : i32
      %dma_wait3A_103 = arith.constant 1 : i32
      %dma_wait3A_104 = arith.constant 0 : i32
      %dma_wait3A_105 = arith.constant 0 : i32
      %dma_wait3A_106 = tpu.memref_slice %arg8[%cond3A_13, %dma_wait3A_104, %dma_wait3A_105] : memref<4x128x64xf32, #tpu.memory_space<vmem>> -> memref<1x128x64xf32, #tpu.memory_space<vmem>>
      %dma_wait3A_107 = tpu.memref_squeeze %dma_wait3A_106 : memref<1x128x64xf32, #tpu.memory_space<vmem>> -> memref<128x64xf32, #tpu.memory_space<vmem>>
      %dma_wait3A_108 = arith.constant 0 : i32
      %dma_wait3A_109 = tpu.memref_slice %arg7[%dma_wait3A_102, %dma_wait3A_108] : memref<160x128xi32, #tpu.memory_space<vmem>> -> memref<1x128xi32, #tpu.memory_space<vmem>>
      %dma_wait3A_110 = tpu.memref_squeeze %dma_wait3A_109 : memref<1x128xi32, #tpu.memory_space<vmem>> -> memref<128xi32, #tpu.memory_space<vmem>>
      %dma_wait3A_111 = arith.constant 0 : i32
      %dma_wait3A_112 = arith.constant 0 : i32
      %dma_wait3A_113 = tpu.memref_slice %arg10[%dma_wait3A_111, %dma_wait3A_112] : memref<10240x64xf32, #tpu.memory_space<vmem_shared>> -> memref<10240x64xf32, #tpu.memory_space<vmem_shared>>
      %dma_wait3A_114 = tpu.memref_slice %arg12[%dma_wait3A_103] : memref<4x!tpu.dma_semaphore, #tpu.memory_space<semaphore_mem>> -> memref<1x!tpu.dma_semaphore, #tpu.memory_space<semaphore_mem>>
      %dma_wait3A_115 = tpu.memref_squeeze %dma_wait3A_114 : memref<1x!tpu.dma_semaphore, #tpu.memory_space<semaphore_mem>> -> memref<!tpu.dma_semaphore, #tpu.memory_space<semaphore_mem>>
      tpu.wait_indirect_dma semaphore(%dma_wait3A_115 : memref<!tpu.dma_semaphore, #tpu.memory_space<semaphore_mem>>) src(%dma_wait3A_107 : memref<128x64xf32, #tpu.memory_space<vmem>>) dst(%dma_wait3A_113 : memref<10240x64xf32, #tpu.memory_space<vmem_shared>>)
      %dma_wait3A_116 = arith.constant 0 : i32
      %dma_wait3A_117 = arith.constant 2 : i32
      %dma_wait3A_118 = arith.constant 0 : i32
      %dma_wait3A_119 = arith.constant 0 : i32
      %dma_wait3A_120 = tpu.memref_slice %arg8[%cond3A_14, %dma_wait3A_118, %dma_wait3A_119] : memref<4x128x64xf32, #tpu.memory_space<vmem>> -> memref<1x128x64xf32, #tpu.memory_space<vmem>>
      %dma_wait3A_121 = tpu.memref_squeeze %dma_wait3A_120 : memref<1x128x64xf32, #tpu.memory_space<vmem>> -> memref<128x64xf32, #tpu.memory_space<vmem>>
      %dma_wait3A_122 = arith.constant 0 : i32
      %dma_wait3A_123 = tpu.memref_slice %arg7[%dma_wait3A_116, %dma_wait3A_122] : memref<160x128xi32, #tpu.memory_space<vmem>> -> memref<1x128xi32, #tpu.memory_space<vmem>>
      %dma_wait3A_124 = tpu.memref_squeeze %dma_wait3A_123 : memref<1x128xi32, #tpu.memory_space<vmem>> -> memref<128xi32, #tpu.memory_space<vmem>>
      %dma_wait3A_125 = arith.constant 0 : i32
      %dma_wait3A_126 = arith.constant 0 : i32
      %dma_wait3A_127 = tpu.memref_slice %arg10[%dma_wait3A_125, %dma_wait3A_126] : memref<10240x64xf32, #tpu.memory_space<vmem_shared>> -> memref<10240x64xf32, #tpu.memory_space<vmem_shared>>
      %dma_wait3A_128 = tpu.memref_slice %arg12[%dma_wait3A_117] : memref<4x!tpu.dma_semaphore, #tpu.memory_space<semaphore_mem>> -> memref<1x!tpu.dma_semaphore, #tpu.memory_space<semaphore_mem>>
      %dma_wait3A_129 = tpu.memref_squeeze %dma_wait3A_128 : memref<1x!tpu.dma_semaphore, #tpu.memory_space<semaphore_mem>> -> memref<!tpu.dma_semaphore, #tpu.memory_space<semaphore_mem>>
      tpu.wait_indirect_dma semaphore(%dma_wait3A_129 : memref<!tpu.dma_semaphore, #tpu.memory_space<semaphore_mem>>) src(%dma_wait3A_121 : memref<128x64xf32, #tpu.memory_space<vmem>>) dst(%dma_wait3A_127 : memref<10240x64xf32, #tpu.memory_space<vmem_shared>>)
      %dma_wait3A_130 = arith.constant 0 : i32
      %dma_wait3A_131 = arith.constant 3 : i32
      %dma_wait3A_132 = arith.constant 0 : i32
      %dma_wait3A_133 = arith.constant 0 : i32
      %dma_wait3A_134 = tpu.memref_slice %arg8[%cond3A_15, %dma_wait3A_132, %dma_wait3A_133] : memref<4x128x64xf32, #tpu.memory_space<vmem>> -> memref<1x128x64xf32, #tpu.memory_space<vmem>>
      %dma_wait3A_135 = tpu.memref_squeeze %dma_wait3A_134 : memref<1x128x64xf32, #tpu.memory_space<vmem>> -> memref<128x64xf32, #tpu.memory_space<vmem>>
      %dma_wait3A_136 = arith.constant 0 : i32
      %dma_wait3A_137 = tpu.memref_slice %arg7[%dma_wait3A_130, %dma_wait3A_136] : memref<160x128xi32, #tpu.memory_space<vmem>> -> memref<1x128xi32, #tpu.memory_space<vmem>>
      %dma_wait3A_138 = tpu.memref_squeeze %dma_wait3A_137 : memref<1x128xi32, #tpu.memory_space<vmem>> -> memref<128xi32, #tpu.memory_space<vmem>>
      %dma_wait3A_139 = arith.constant 0 : i32
      %dma_wait3A_140 = arith.constant 0 : i32
      %dma_wait3A_141 = tpu.memref_slice %arg10[%dma_wait3A_139, %dma_wait3A_140] : memref<10240x64xf32, #tpu.memory_space<vmem_shared>> -> memref<10240x64xf32, #tpu.memory_space<vmem_shared>>
      %dma_wait3A_142 = tpu.memref_slice %arg12[%dma_wait3A_131] : memref<4x!tpu.dma_semaphore, #tpu.memory_space<semaphore_mem>> -> memref<1x!tpu.dma_semaphore, #tpu.memory_space<semaphore_mem>>
      %dma_wait3A_143 = tpu.memref_squeeze %dma_wait3A_142 : memref<1x!tpu.dma_semaphore, #tpu.memory_space<semaphore_mem>> -> memref<!tpu.dma_semaphore, #tpu.memory_space<semaphore_mem>>
      tpu.wait_indirect_dma semaphore(%dma_wait3A_143 : memref<!tpu.dma_semaphore, #tpu.memory_space<semaphore_mem>>) src(%dma_wait3A_135 : memref<128x64xf32, #tpu.memory_space<vmem>>) dst(%dma_wait3A_141 : memref<10240x64xf32, #tpu.memory_space<vmem_shared>>)
    } else {
    }
    %barrier3A_18 = arith.constant 0 : index
    tpu.barrier barrier_id(%barrier3A_18)
    %mul3A_19 = arith.constant 640 : i32
    %mul3A_20 = arith.muli %arg1, %mul3A_19 : i32
    %mul3A_21 = arith.constant 640 : i32
    %mul3A_22 = arith.muli %arg1, %mul3A_21 : i32
    "tpu.region"() ({
      %run_scoped3A = tpu.sem_alloc : memref<!tpu.dma_semaphore, #tpu.memory_space<semaphore_mem>>
      %dma_start3A = arith.constant 0 : i32
      %dma_start3A_23 = arith.constant 0 : i32
      %dma_start3A_24 = tpu.memref_slice %arg5[%arg0, %dma_start3A, %dma_start3A_23] : memref<2x10240x64xf32, #tpu.memory_space<hbm>> -> memref<1x10240x64xf32, #tpu.memory_space<hbm>>
      %dma_start3A_25 = tpu.memref_squeeze %dma_start3A_24 : memref<1x10240x64xf32, #tpu.memory_space<hbm>> -> memref<10240x64xf32, #tpu.memory_space<hbm>>
      %dma_start3A_26 = arith.constant 0 : i32
      %dma_start3A_27 = tpu.memref_slice %dma_start3A_25[%mul3A_22, %dma_start3A_26] : memref<10240x64xf32, #tpu.memory_space<hbm>> -> memref<640x64xf32, #tpu.memory_space<hbm>>
      %dma_start3A_28 = arith.constant 0 : i32
      %dma_start3A_29 = tpu.memref_slice %arg10[%mul3A_20, %dma_start3A_28] : memref<10240x64xf32, #tpu.memory_space<vmem_shared>> -> memref<640x64xf32, #tpu.memory_space<vmem_shared>>
      tpu.enqueue_dma source(%dma_start3A_29 : memref<640x64xf32, #tpu.memory_space<vmem_shared>>) target(%dma_start3A_27 : memref<640x64xf32, #tpu.memory_space<hbm>>) target_semaphore(%run_scoped3A : memref<!tpu.dma_semaphore, #tpu.memory_space<semaphore_mem>>)
      %dma_wait3A = arith.constant 0 : i32
      %dma_wait3A_30 = arith.constant 0 : i32
      %dma_wait3A_31 = tpu.memref_slice %arg5[%arg0, %dma_wait3A, %dma_wait3A_30] : memref<2x10240x64xf32, #tpu.memory_space<hbm>> -> memref<1x10240x64xf32, #tpu.memory_space<hbm>>
      %dma_wait3A_32 = tpu.memref_squeeze %dma_wait3A_31 : memref<1x10240x64xf32, #tpu.memory_space<hbm>> -> memref<10240x64xf32, #tpu.memory_space<hbm>>
      %dma_wait3A_33 = arith.constant 0 : i32
      %dma_wait3A_34 = tpu.memref_slice %dma_wait3A_32[%mul3A_22, %dma_wait3A_33] : memref<10240x64xf32, #tpu.memory_space<hbm>> -> memref<640x64xf32, #tpu.memory_space<hbm>>
      %dma_wait3A_35 = arith.constant 0 : i32
      %dma_wait3A_36 = tpu.memref_slice %arg10[%mul3A_20, %dma_wait3A_35] : memref<10240x64xf32, #tpu.memory_space<vmem_shared>> -> memref<640x64xf32, #tpu.memory_space<vmem_shared>>
      tpu.wait_dma2 semaphore(%run_scoped3A : memref<!tpu.dma_semaphore, #tpu.memory_space<semaphore_mem>>) src(%dma_wait3A_36 : memref<640x64xf32, #tpu.memory_space<vmem_shared>>) dst(%dma_wait3A_34 : memref<640x64xf32, #tpu.memory_space<hbm>>)
      tpu.yield
    }) : () -> ()
    return
  }
}

module attributes {stable_mosaic.version = 14 : i64} {
  func.func @_proj_body(%arg0: i32, %arg1: memref<1000x128xf32, #tpu.memory_space<vmem>>, %arg2: memref<128x64xf32, #tpu.memory_space<vmem>>, %arg3: memref<1000x64xf32, #tpu.memory_space<vmem>>) attributes {dimension_semantics = [#tpu.dimension_semantics<arbitrary>], iteration_bounds = array<i64: 10>, scalar_prefetch = 0 : i64, scratch_operands = 0 : i64, tpu.core_type = #tpu.core_type<tc>, window_params = [{transform_indices = @transform_0, window_bounds = array<i64: 1000, 128>}, {pipeline_mode = #tpu.pipeline_mode<synchronous>, transform_indices = @transform_1, window_bounds = array<i64: 128, 64>}, {transform_indices = @transform_2, window_bounds = array<i64: 1000, 64>}]} {
    %get3A = arith.constant 0 : index
    %get3A_0 = arith.constant 0 : index
    %get3A_1 = vector.load %arg1[%get3A, %get3A_0] : memref<1000x128xf32, #tpu.memory_space<vmem>>, vector<1000x128xf32>
    %get3A_2 = arith.constant 0 : index
    %get3A_3 = arith.constant 0 : index
    %get3A_4 = vector.load %arg2[%get3A_2, %get3A_3] : memref<128x64xf32, #tpu.memory_space<vmem>>, vector<128x64xf32>
    %dot_general3A = arith.constant dense<0.000000e+00> : vector<1000x64xf32>
    %dot_general3A_5 = tpu.matmul %get3A_1, %get3A_4, %dot_general3A {dimension_numbers = #tpu.dot_dimension_numbers<[1], [0], [0], [1], [0, 0, 1, 1], [], []>, transpose_lhs_hint = false} : vector<1000x128xf32>, vector<128x64xf32>, vector<1000x64xf32> -> vector<1000x64xf32>
    %swap3A = arith.constant 0 : index
    %swap3A_6 = arith.constant 0 : index
    %swap3A_7 = vector.load %arg3[%swap3A, %swap3A_6] : memref<1000x64xf32, #tpu.memory_space<vmem>>, vector<1000x64xf32>
    tpu.vector_store %arg3[%swap3A, %swap3A_6], %dot_general3A_5 {strides = array<i32>} : memref<1000x64xf32, #tpu.memory_space<vmem>>, vector<1000x64xf32>,
    return
  }
  func.func @transform_0(%arg0: i32) -> (i32, i32) {
    %c0_i32 = arith.constant 0 : i32
    %c0_i32_0 = arith.constant 0 : i32
    return %arg0, %c0_i32 : i32, i32
  }
  func.func @transform_1(%arg0: i32) -> (i32, i32) {
    %c0_i32 = arith.constant 0 : i32
    %c0_i32_0 = arith.constant 0 : i32
    %c0_i32_1 = arith.constant 0 : i32
    return %c0_i32, %c0_i32_0 : i32, i32
  }
  func.func @transform_2(%arg0: i32) -> (i32, i32) {
    %c0_i32 = arith.constant 0 : i32
    %c0_i32_0 = arith.constant 0 : i32
    return %arg0, %c0_i32 : i32, i32
  }
}

module attributes {stable_mosaic.version = 14 : i64} {
  func.func @_mlp1_body(%arg0: i32, %arg1: memref<1000x64xf32, #tpu.memory_space<vmem>>, %arg2: memref<1000x64xf32, #tpu.memory_space<vmem>>, %arg3: memref<1000x64xf32, #tpu.memory_space<vmem>>, %arg4: memref<1x64xf32, #tpu.memory_space<vmem>>, %arg5: memref<64x64xf32, #tpu.memory_space<vmem>>, %arg6: memref<1x64xf32, #tpu.memory_space<vmem>>, %arg7: memref<1x64xf32, #tpu.memory_space<vmem>>, %arg8: memref<1x64xf32, #tpu.memory_space<vmem>>, %arg9: memref<1000x64xf32, #tpu.memory_space<vmem>>) attributes {dimension_semantics = [#tpu.dimension_semantics<arbitrary>], iteration_bounds = array<i64: 10>, scalar_prefetch = 0 : i64, scratch_operands = 0 : i64, tpu.core_type = #tpu.core_type<tc>, window_params = [{transform_indices = @transform_0, window_bounds = array<i64: 1000, 64>}, {transform_indices = @transform_1, window_bounds = array<i64: 1000, 64>}, {transform_indices = @transform_2, window_bounds = array<i64: 1000, 64>}, {pipeline_mode = #tpu.pipeline_mode<synchronous>, transform_indices = @transform_3, window_bounds = array<i64: 1, 64>}, {pipeline_mode = #tpu.pipeline_mode<synchronous>, transform_indices = @transform_4, window_bounds = array<i64: 64, 64>}, {pipeline_mode = #tpu.pipeline_mode<synchronous>, transform_indices = @transform_5, window_bounds = array<i64: 1, 64>}, {pipeline_mode = #tpu.pipeline_mode<synchronous>, transform_indices = @transform_6, window_bounds = array<i64: 1, 64>}, {pipeline_mode = #tpu.pipeline_mode<synchronous>, transform_indices = @transform_7, window_bounds = array<i64: 1, 64>}, {transform_indices = @transform_8, window_bounds = array<i64: 1000, 64>}]} {
    %get3A = arith.constant 0 : index
    %get3A_0 = arith.constant 0 : index
    %get3A_1 = vector.load %arg1[%get3A, %get3A_0] : memref<1000x64xf32, #tpu.memory_space<vmem>>, vector<1000x64xf32>
    %get3A_2 = arith.constant 0 : index
    %get3A_3 = arith.constant 0 : index
    %get3A_4 = vector.load %arg2[%get3A_2, %get3A_3] : memref<1000x64xf32, #tpu.memory_space<vmem>>, vector<1000x64xf32>
    %add3A = arith.addf %get3A_1, %get3A_4 : vector<1000x64xf32>
    %get3A_5 = arith.constant 0 : index
    %get3A_6 = arith.constant 0 : index
    %get3A_7 = vector.load %arg3[%get3A_5, %get3A_6] : memref<1000x64xf32, #tpu.memory_space<vmem>>, vector<1000x64xf32>
    %add3A_8 = arith.addf %add3A, %get3A_7 : vector<1000x64xf32>
    %get3A_9 = arith.constant 0 : index
    %get3A_10 = arith.constant 0 : index
    %get3A_11 = vector.load %arg4[%get3A_9, %get3A_10] : memref<1x64xf32, #tpu.memory_space<vmem>>, vector<1x64xf32>
    %add3A_12 = vector.broadcast %get3A_11 : vector<1x64xf32> to vector<1000x64xf32>
    %add3A_13 = arith.addf %add3A_8, %add3A_12 : vector<1000x64xf32>
    %max3A = arith.constant 0.000000e+00 : f32
    %max3A_14 = vector.broadcast %max3A : f32 to vector<1000x64xf32>
    %max3A_15 = arith.maximumf %add3A_13, %max3A_14 : vector<1000x64xf32>
    %get3A_16 = arith.constant 0 : index
    %get3A_17 = arith.constant 0 : index
    %get3A_18 = vector.load %arg5[%get3A_16, %get3A_17] : memref<64x64xf32, #tpu.memory_space<vmem>>, vector<64x64xf32>
    %dot_general3A = arith.constant dense<0.000000e+00> : vector<1000x64xf32>
    %dot_general3A_19 = tpu.matmul %max3A_15, %get3A_18, %dot_general3A {dimension_numbers = #tpu.dot_dimension_numbers<[1], [0], [0], [1], [0, 0, 1, 1], [], []>, transpose_lhs_hint = false} : vector<1000x64xf32>, vector<64x64xf32>, vector<1000x64xf32> -> vector<1000x64xf32>
    %get3A_20 = arith.constant 0 : index
    %get3A_21 = arith.constant 0 : index
    %get3A_22 = vector.load %arg6[%get3A_20, %get3A_21] : memref<1x64xf32, #tpu.memory_space<vmem>>, vector<1x64xf32>
    %add3A_23 = vector.broadcast %get3A_22 : vector<1x64xf32> to vector<1000x64xf32>
    %add3A_24 = arith.addf %dot_general3A_19, %add3A_23 : vector<1000x64xf32>
    %get3A_25 = arith.constant 0 : index
    %get3A_26 = arith.constant 0 : index
    %get3A_27 = vector.load %arg7[%get3A_25, %get3A_26] : memref<1x64xf32, #tpu.memory_space<vmem>>, vector<1x64xf32>
    %mul3A = arith.constant 0.999994993 : f32
    %mul3A_28 = vector.broadcast %mul3A : f32 to vector<1x64xf32>
    %mul3A_29 = arith.mulf %get3A_27, %mul3A_28 : vector<1x64xf32>
    %mul3A_30 = vector.broadcast %mul3A_29 : vector<1x64xf32> to vector<1000x64xf32>
    %mul3A_31 = arith.mulf %add3A_24, %mul3A_30 : vector<1000x64xf32>
    %get3A_32 = arith.constant 0 : index
    %get3A_33 = arith.constant 0 : index
    %get3A_34 = vector.load %arg8[%get3A_32, %get3A_33] : memref<1x64xf32, #tpu.memory_space<vmem>>, vector<1x64xf32>
    %add3A_35 = vector.broadcast %get3A_34 : vector<1x64xf32> to vector<1000x64xf32>
    %add3A_36 = arith.addf %mul3A_31, %add3A_35 : vector<1000x64xf32>
    %max3A_37 = arith.constant 0.000000e+00 : f32
    %max3A_38 = vector.broadcast %max3A_37 : f32 to vector<1000x64xf32>
    %max3A_39 = arith.maximumf %add3A_36, %max3A_38 : vector<1000x64xf32>
    %swap3A = arith.constant 0 : index
    %swap3A_40 = arith.constant 0 : index
    %swap3A_41 = vector.load %arg9[%swap3A, %swap3A_40] : memref<1000x64xf32, #tpu.memory_space<vmem>>, vector<1000x64xf32>
    tpu.vector_store %arg9[%swap3A, %swap3A_40], %max3A_39 {strides = array<i32>} : memref<1000x64xf32, #tpu.memory_space<vmem>>, vector<1000x64xf32>,
    return
  }
  func.func @transform_0(%arg0: i32) -> (i32, i32) {
    %c0_i32 = arith.constant 0 : i32
    %c0_i32_0 = arith.constant 0 : i32
    return %arg0, %c0_i32 : i32, i32
  }
  func.func @transform_1(%arg0: i32) -> (i32, i32) {
    %c0_i32 = arith.constant 0 : i32
    %c0_i32_0 = arith.constant 0 : i32
    return %arg0, %c0_i32 : i32, i32
  }
  func.func @transform_2(%arg0: i32) -> (i32, i32) {
    %c0_i32 = arith.constant 0 : i32
    %c0_i32_0 = arith.constant 0 : i32
    return %arg0, %c0_i32 : i32, i32
  }
  func.func @transform_3(%arg0: i32) -> (i32, i32) {
    %c0_i32 = arith.constant 0 : i32
    %c0_i32_0 = arith.constant 0 : i32
    %c0_i32_1 = arith.constant 0 : i32
    return %c0_i32, %c0_i32_0 : i32, i32
  }
  func.func @transform_4(%arg0: i32) -> (i32, i32) {
    %c0_i32 = arith.constant 0 : i32
    %c0_i32_0 = arith.constant 0 : i32
    %c0_i32_1 = arith.constant 0 : i32
    return %c0_i32, %c0_i32_0 : i32, i32
  }
  func.func @transform_5(%arg0: i32) -> (i32, i32) {
    %c0_i32 = arith.constant 0 : i32
    %c0_i32_0 = arith.constant 0 : i32
    %c0_i32_1 = arith.constant 0 : i32
    return %c0_i32, %c0_i32_0 : i32, i32
  }
  func.func @transform_6(%arg0: i32) -> (i32, i32) {
    %c0_i32 = arith.constant 0 : i32
    %c0_i32_0 = arith.constant 0 : i32
    %c0_i32_1 = arith.constant 0 : i32
    return %c0_i32, %c0_i32_0 : i32, i32
  }
  func.func @transform_7(%arg0: i32) -> (i32, i32) {
    %c0_i32 = arith.constant 0 : i32
    %c0_i32_0 = arith.constant 0 : i32
    %c0_i32_1 = arith.constant 0 : i32
    return %c0_i32, %c0_i32_0 : i32, i32
  }
  func.func @transform_8(%arg0: i32) -> (i32, i32) {
    %c0_i32 = arith.constant 0 : i32
    %c0_i32_0 = arith.constant 0 : i32
    return %arg0, %c0_i32 : i32, i32
  }
}

module attributes {stable_mosaic.version = 14 : i64} {
  func.func @_mlp2_body(%arg0: i32, %arg1: memref<1000x64xf32, #tpu.memory_space<vmem>>, %arg2: memref<1000x64xf32, #tpu.memory_space<vmem>>, %arg3: memref<1000x64xf32, #tpu.memory_space<vmem>>, %arg4: memref<1000x1xi32, #tpu.memory_space<vmem>>, %arg5: memref<64x64xf32, #tpu.memory_space<vmem>>, %arg6: memref<1x64xf32, #tpu.memory_space<vmem>>, %arg7: memref<64x64xf32, #tpu.memory_space<vmem>>, %arg8: memref<1x64xf32, #tpu.memory_space<vmem>>, %arg9: memref<1x64xf32, #tpu.memory_space<vmem>>, %arg10: memref<1x64xf32, #tpu.memory_space<vmem>>, %arg11: memref<64x64xf32, #tpu.memory_space<vmem>>, %arg12: memref<64x64xf32, #tpu.memory_space<vmem>>, %arg13: memref<64x64xf32, #tpu.memory_space<vmem>>) attributes {dimension_semantics = [#tpu.dimension_semantics<arbitrary>], iteration_bounds = array<i64: 10>, scalar_prefetch = 0 : i64, scratch_operands = 2 : i64, tpu.core_type = #tpu.core_type<tc>, window_params = [{transform_indices = @transform_0, window_bounds = array<i64: 1000, 64>}, {transform_indices = @transform_1, window_bounds = array<i64: 1000, 64>}, {transform_indices = @transform_2, window_bounds = array<i64: 1000, 64>}, {transform_indices = @transform_3, window_bounds = array<i64: 1000, 1>}, {pipeline_mode = #tpu.pipeline_mode<synchronous>, transform_indices = @transform_4, window_bounds = array<i64: 64, 64>}, {pipeline_mode = #tpu.pipeline_mode<synchronous>, transform_indices = @transform_5, window_bounds = array<i64: 1, 64>}, {pipeline_mode = #tpu.pipeline_mode<synchronous>, transform_indices = @transform_6, window_bounds = array<i64: 64, 64>}, {pipeline_mode = #tpu.pipeline_mode<synchronous>, transform_indices = @transform_7, window_bounds = array<i64: 1, 64>}, {pipeline_mode = #tpu.pipeline_mode<synchronous>, transform_indices = @transform_8, window_bounds = array<i64: 1, 64>}, {pipeline_mode = #tpu.pipeline_mode<synchronous>, transform_indices = @transform_9, window_bounds = array<i64: 1, 64>}, {pipeline_mode = #tpu.pipeline_mode<synchronous>, transform_indices = @transform_10, window_bounds = array<i64: 64, 64>}]} {
    %eq3A = arith.constant 0 : i32
    %eq3A_0 = arith.cmpi eq, %arg0, %eq3A : i32
    %convert_element_type3A = arith.extui %eq3A_0 : i1 to i32
    %cond3A = arith.constant 0 : i32
    %cond3A_1 = arith.cmpi ne, %convert_element_type3A, %cond3A : i32
    scf.if %cond3A_1 {
      %broadcast_in_dim3A_78 = arith.constant 0.000000e+00 : f32
      %broadcast_in_dim3A_79 = vector.broadcast %broadcast_in_dim3A_78 : f32 to vector<64x64xf32>
      %swap3A_80 = arith.constant 0 : index
      %swap3A_81 = arith.constant 0 : index
      %swap3A_82 = vector.load %arg12[%swap3A_80, %swap3A_81] : memref<64x64xf32, #tpu.memory_space<vmem>>, vector<64x64xf32>
      tpu.vector_store %arg12[%swap3A_80, %swap3A_81], %broadcast_in_dim3A_79 {strides = array<i32>} : memref<64x64xf32, #tpu.memory_space<vmem>>, vector<64x64xf32>,
      %broadcast_in_dim3A_83 = arith.constant 0.000000e+00 : f32
      %broadcast_in_dim3A_84 = vector.broadcast %broadcast_in_dim3A_83 : f32 to vector<64x64xf32>
      %swap3A_85 = arith.constant 0 : index
      %swap3A_86 = arith.constant 0 : index
      %swap3A_87 = vector.load %arg13[%swap3A_85, %swap3A_86] : memref<64x64xf32, #tpu.memory_space<vmem>>, vector<64x64xf32>
      tpu.vector_store %arg13[%swap3A_85, %swap3A_86], %broadcast_in_dim3A_84 {strides = array<i32>} : memref<64x64xf32, #tpu.memory_space<vmem>>, vector<64x64xf32>,
    } else {
    }
    %get3A = arith.constant 0 : index
    %get3A_2 = arith.constant 0 : index
    %get3A_3 = vector.load %arg1[%get3A, %get3A_2] : memref<1000x64xf32, #tpu.memory_space<vmem>>, vector<1000x64xf32>
    %get3A_4 = arith.constant 0 : index
    %get3A_5 = arith.constant 0 : index
    %get3A_6 = vector.load %arg2[%get3A_4, %get3A_5] : memref<1000x64xf32, #tpu.memory_space<vmem>>, vector<1000x64xf32>
    %add3A = arith.addf %get3A_3, %get3A_6 : vector<1000x64xf32>
    %get3A_7 = arith.constant 0 : index
    %get3A_8 = arith.constant 0 : index
    %get3A_9 = vector.load %arg3[%get3A_7, %get3A_8] : memref<1000x64xf32, #tpu.memory_space<vmem>>, vector<1000x64xf32>
    %add3A_10 = arith.addf %add3A, %get3A_9 : vector<1000x64xf32>
    %get3A_11 = arith.constant 0 : index
    %get3A_12 = arith.constant 0 : index
    %get3A_13 = vector.load %arg5[%get3A_11, %get3A_12] : memref<64x64xf32, #tpu.memory_space<vmem>>, vector<64x64xf32>
    %dot_general3A = arith.constant dense<0.000000e+00> : vector<1000x64xf32>
    %dot_general3A_14 = tpu.matmul %add3A_10, %get3A_13, %dot_general3A {dimension_numbers = #tpu.dot_dimension_numbers<[1], [0], [0], [1], [0, 0, 1, 1], [], []>, transpose_lhs_hint = false} : vector<1000x64xf32>, vector<64x64xf32>, vector<1000x64xf32> -> vector<1000x64xf32>
    %get3A_15 = arith.constant 0 : index
    %get3A_16 = arith.constant 0 : index
    %get3A_17 = vector.load %arg6[%get3A_15, %get3A_16] : memref<1x64xf32, #tpu.memory_space<vmem>>, vector<1x64xf32>
    %add3A_18 = vector.broadcast %get3A_17 : vector<1x64xf32> to vector<1000x64xf32>
    %add3A_19 = arith.addf %dot_general3A_14, %add3A_18 : vector<1000x64xf32>
    %max3A = arith.constant 0.000000e+00 : f32
    %max3A_20 = vector.broadcast %max3A : f32 to vector<1000x64xf32>
    %max3A_21 = arith.maximumf %add3A_19, %max3A_20 : vector<1000x64xf32>
    %get3A_22 = arith.constant 0 : index
    %get3A_23 = arith.constant 0 : index
    %get3A_24 = vector.load %arg7[%get3A_22, %get3A_23] : memref<64x64xf32, #tpu.memory_space<vmem>>, vector<64x64xf32>
    %dot_general3A_25 = arith.constant dense<0.000000e+00> : vector<1000x64xf32>
    %dot_general3A_26 = tpu.matmul %max3A_21, %get3A_24, %dot_general3A_25 {dimension_numbers = #tpu.dot_dimension_numbers<[1], [0], [0], [1], [0, 0, 1, 1], [], []>, transpose_lhs_hint = false} : vector<1000x64xf32>, vector<64x64xf32>, vector<1000x64xf32> -> vector<1000x64xf32>
    %get3A_27 = arith.constant 0 : index
    %get3A_28 = arith.constant 0 : index
    %get3A_29 = vector.load %arg8[%get3A_27, %get3A_28] : memref<1x64xf32, #tpu.memory_space<vmem>>, vector<1x64xf32>
    %add3A_30 = vector.broadcast %get3A_29 : vector<1x64xf32> to vector<1000x64xf32>
    %add3A_31 = arith.addf %dot_general3A_26, %add3A_30 : vector<1000x64xf32>
    %get3A_32 = arith.constant 0 : index
    %get3A_33 = arith.constant 0 : index
    %get3A_34 = vector.load %arg9[%get3A_32, %get3A_33] : memref<1x64xf32, #tpu.memory_space<vmem>>, vector<1x64xf32>
    %mul3A = arith.constant 0.999994993 : f32
    %mul3A_35 = vector.broadcast %mul3A : f32 to vector<1x64xf32>
    %mul3A_36 = arith.mulf %get3A_34, %mul3A_35 : vector<1x64xf32>
    %mul3A_37 = vector.broadcast %mul3A_36 : vector<1x64xf32> to vector<1000x64xf32>
    %mul3A_38 = arith.mulf %add3A_31, %mul3A_37 : vector<1000x64xf32>
    %get3A_39 = arith.constant 0 : index
    %get3A_40 = arith.constant 0 : index
    %get3A_41 = vector.load %arg10[%get3A_39, %get3A_40] : memref<1x64xf32, #tpu.memory_space<vmem>>, vector<1x64xf32>
    %add3A_42 = vector.broadcast %get3A_41 : vector<1x64xf32> to vector<1000x64xf32>
    %add3A_43 = arith.addf %mul3A_38, %add3A_42 : vector<1000x64xf32>
    %max3A_44 = arith.constant 0.000000e+00 : f32
    %max3A_45 = vector.broadcast %max3A_44 : f32 to vector<1000x64xf32>
    %max3A_46 = arith.maximumf %add3A_43, %max3A_45 : vector<1000x64xf32>
    %get3A_47 = arith.constant 0 : index
    %get3A_48 = arith.constant 0 : index
    %get3A_49 = vector.load %arg4[%get3A_47, %get3A_48] : memref<1000x1xi32, #tpu.memory_space<vmem>>, vector<1000x1xi32>
    %iota3A = tpu.iota {dimensions = array<i32: 1>} : vector<1x64xi32>
    %eq3A_50 = vector.broadcast %get3A_49 : vector<1000x1xi32> to vector<1000x64xi32>
    %eq3A_51 = vector.broadcast %iota3A : vector<1x64xi32> to vector<1000x64xi32>
    %eq3A_52 = arith.cmpi eq, %eq3A_50, %eq3A_51 : vector<1000x64xi32>
    %convert_element_type3A_53 = arith.extui %eq3A_52 : vector<1000x64xi1> to vector<1000x64xi32>
    %convert_element_type3A_54 = arith.sitofp %convert_element_type3A_53 : vector<1000x64xi32> to vector<1000x64xf32>
    %get3A_55 = arith.constant 0 : index
    %get3A_56 = arith.constant 0 : index
    %get3A_57 = vector.load %arg12[%get3A_55, %get3A_56] : memref<64x64xf32, #tpu.memory_space<vmem>>, vector<64x64xf32>
    %dot_general3A_58 = arith.constant dense<0.000000e+00> : vector<64x64xf32>
    %dot_general3A_59 = tpu.matmul %convert_element_type3A_54, %max3A_46, %dot_general3A_58 {dimension_numbers = #tpu.dot_dimension_numbers<[0], [0], [1], [1], [0, 1, 1, 1], [], []>, transpose_lhs_hint = false} : vector<1000x64xf32>, vector<1000x64xf32>, vector<64x64xf32> -> vector<64x64xf32>
    %add3A_60 = arith.addf %get3A_57, %dot_general3A_59 : vector<64x64xf32>
    %swap3A = arith.constant 0 : index
    %swap3A_61 = arith.constant 0 : index
    %swap3A_62 = vector.load %arg12[%swap3A, %swap3A_61] : memref<64x64xf32, #tpu.memory_space<vmem>>, vector<64x64xf32>
    tpu.vector_store %arg12[%swap3A, %swap3A_61], %add3A_60 {strides = array<i32>} : memref<64x64xf32, #tpu.memory_space<vmem>>, vector<64x64xf32>,
    %get3A_63 = arith.constant 0 : index
    %get3A_64 = arith.constant 0 : index
    %get3A_65 = vector.load %arg13[%get3A_63, %get3A_64] : memref<64x64xf32, #tpu.memory_space<vmem>>, vector<64x64xf32>
    %broadcast_in_dim3A = arith.constant 1.000000e+00 : f32
    %broadcast_in_dim3A_66 = vector.broadcast %broadcast_in_dim3A : f32 to vector<1000x64xf32>
    %dot_general3A_67 = arith.constant dense<0.000000e+00> : vector<64x64xf32>
    %dot_general3A_68 = tpu.matmul %convert_element_type3A_54, %broadcast_in_dim3A_66, %dot_general3A_67 {dimension_numbers = #tpu.dot_dimension_numbers<[0], [0], [1], [1], [0, 1, 1, 1], [], []>, transpose_lhs_hint = false} : vector<1000x64xf32>, vector<1000x64xf32>, vector<64x64xf32> -> vector<64x64xf32>
    %add3A_69 = arith.addf %get3A_65, %dot_general3A_68 : vector<64x64xf32>
    %swap3A_70 = arith.constant 0 : index
    %swap3A_71 = arith.constant 0 : index
    %swap3A_72 = vector.load %arg13[%swap3A_70, %swap3A_71] : memref<64x64xf32, #tpu.memory_space<vmem>>, vector<64x64xf32>
    tpu.vector_store %arg13[%swap3A_70, %swap3A_71], %add3A_69 {strides = array<i32>} : memref<64x64xf32, #tpu.memory_space<vmem>>, vector<64x64xf32>,
    %eq3A_73 = arith.constant 9 : i32
    %eq3A_74 = arith.cmpi eq, %arg0, %eq3A_73 : i32
    %convert_element_type3A_75 = arith.extui %eq3A_74 : i1 to i32
    %cond3A_76 = arith.constant 0 : i32
    %cond3A_77 = arith.cmpi ne, %convert_element_type3A_75, %cond3A_76 : i32
    scf.if %cond3A_77 {
      %get3A_78 = arith.constant 0 : index
      %get3A_79 = arith.constant 0 : index
      %get3A_80 = vector.load %arg12[%get3A_78, %get3A_79] : memref<64x64xf32, #tpu.memory_space<vmem>>, vector<64x64xf32>
      %get3A_81 = arith.constant 0 : index
      %get3A_82 = arith.constant 0 : index
      %get3A_83 = vector.load %arg13[%get3A_81, %get3A_82] : memref<64x64xf32, #tpu.memory_space<vmem>>, vector<64x64xf32>
      %max3A_84 = arith.constant 1.000000e+00 : f32
      %max3A_85 = vector.broadcast %max3A_84 : f32 to vector<64x64xf32>
      %max3A_86 = arith.maximumf %get3A_83, %max3A_85 : vector<64x64xf32>
      %div3A = arith.divf %get3A_80, %max3A_86 : vector<64x64xf32>
      %swap3A_87 = arith.constant 0 : index
      %swap3A_88 = arith.constant 0 : index
      %swap3A_89 = vector.load %arg11[%swap3A_87, %swap3A_88] : memref<64x64xf32, #tpu.memory_space<vmem>>, vector<64x64xf32>
      tpu.vector_store %arg11[%swap3A_87, %swap3A_88], %div3A {strides = array<i32>} : memref<64x64xf32, #tpu.memory_space<vmem>>, vector<64x64xf32>,
    } else {
    }
    return
  }
  func.func @transform_0(%arg0: i32) -> (i32, i32) {
    %c0_i32 = arith.constant 0 : i32
    %c0_i32_0 = arith.constant 0 : i32
    return %arg0, %c0_i32 : i32, i32
  }
  func.func @transform_1(%arg0: i32) -> (i32, i32) {
    %c0_i32 = arith.constant 0 : i32
    %c0_i32_0 = arith.constant 0 : i32
    return %arg0, %c0_i32 : i32, i32
  }
  func.func @transform_2(%arg0: i32) -> (i32, i32) {
    %c0_i32 = arith.constant 0 : i32
    %c0_i32_0 = arith.constant 0 : i32
    return %arg0, %c0_i32 : i32, i32
  }
  func.func @transform_3(%arg0: i32) -> (i32, i32) {
    %c0_i32 = arith.constant 0 : i32
    %c0_i32_0 = arith.constant 0 : i32
    return %arg0, %c0_i32 : i32, i32
  }
  func.func @transform_4(%arg0: i32) -> (i32, i32) {
    %c0_i32 = arith.constant 0 : i32
    %c0_i32_0 = arith.constant 0 : i32
    %c0_i32_1 = arith.constant 0 : i32
    return %c0_i32, %c0_i32_0 : i32, i32
  }
  func.func @transform_5(%arg0: i32) -> (i32, i32) {
    %c0_i32 = arith.constant 0 : i32
    %c0_i32_0 = arith.constant 0 : i32
    %c0_i32_1 = arith.constant 0 : i32
    return %c0_i32, %c0_i32_0 : i32, i32
  }
  func.func @transform_6(%arg0: i32) -> (i32, i32) {
    %c0_i32 = arith.constant 0 : i32
    %c0_i32_0 = arith.constant 0 : i32
    %c0_i32_1 = arith.constant 0 : i32
    return %c0_i32, %c0_i32_0 : i32, i32
  }
  func.func @transform_7(%arg0: i32) -> (i32, i32) {
    %c0_i32 = arith.constant 0 : i32
    %c0_i32_0 = arith.constant 0 : i32
    %c0_i32_1 = arith.constant 0 : i32
    return %c0_i32, %c0_i32_0 : i32, i32
  }
  func.func @transform_8(%arg0: i32) -> (i32, i32) {
    %c0_i32 = arith.constant 0 : i32
    %c0_i32_0 = arith.constant 0 : i32
    %c0_i32_1 = arith.constant 0 : i32
    return %c0_i32, %c0_i32_0 : i32, i32
  }
  func.func @transform_9(%arg0: i32) -> (i32, i32) {
    %c0_i32 = arith.constant 0 : i32
    %c0_i32_0 = arith.constant 0 : i32
    %c0_i32_1 = arith.constant 0 : i32
    return %c0_i32, %c0_i32_0 : i32, i32
  }
  func.func @transform_10(%arg0: i32) -> (i32, i32) {
    %c0_i32 = arith.constant 0 : i32
    %c0_i32_0 = arith.constant 0 : i32
    %c0_i32_1 = arith.constant 0 : i32
    return %c0_i32, %c0_i32_0 : i32, i32
  }
}

</mosaic_0001>

<sc_bundles>
// kernel: kernel.10.cloned.1.call-start
scs
__scs_entry_jumppad:
0x0: {  	(pc) =	sbr.rel $0x88, $3  }
0x1: {  	(tag) =	ssettag $0x0;
	lr =	simm.s32 $0x1  }
0x2: {  	[smem:$0x3F92] =	sst lr;
	_ =	strace $0xD0000000  }
0x3: {  	_ = 	snop  }
0x4: {  	_ = 	snop  }
0x5: {  	_ = 	snop  }
0x6: {  	_ = 	snop  }
0x7: {  	_ = 	snop  }
__scs_overlays_trampoline_lowered:
0x8: {  	[smem:$0x3FA1] =	sst s0  }
0x9: {  	[smem:$0x3FA2] =	sst s1  }
0xa: {  	[smem:$0x3FA3] =	sst s2  }
0xb: {  	[smem:$0x3FA4] =	sst s3  }
0xc: {  	[smem:$0x3FA5] =	sst s4  }
0xd: {  	[smem:$0x3FA6] =	sst s5  }
0xe: {  	[smem:$0x3FA7] =	sst s6  }
0xf: {  	[smem:$0x3FA8] =	sst s7  }
0x10: {  	[smem:$0x3FA9] =	sst s8  }
0x11: {  	[smem:$0x3FAA] =	sst s9;
	s0 =	simm.s32 @!p0 $0x0  }
0x12: {  	s1 =	sld [smem:$0x3F90];
	s0 =	simm.s32 @p0 $0x1  }
0x13: {  	[smem:$0x3FAB] =	sst s0;
	s0 =	simm.s32 @!p1 $0x0  }
0x14: {  	s2 =	sld [smem:$0x3F8F];
	s0 =	simm.s32 @p1 $0x1  }
0x15: {  	[smem:$0x3FAC] =	sst s0;
	s0 =	simm.s32 @!p2 $0x0  }
0x16: {  	s3 =	sld [smem:$0x3FDB];
	s0 =	simm.s32 @p2 $0x1  }
0x17: {  	s4 =	simm.s32 $0x1BF5;
	[smem:$0x3FAE] =	sst s0  }
0x18: {  	s0 =	sld [smem:$0x3F91];
	_ =	swait.ge [sflag:s4], $0x0  }
0x19: {  	s7 =	sld [smem:$0x3F92]  }
0x1a: {  	s8 =	sadd.s32 $0xFFFFE003, lr  }
0x1b: {  	s9 =	sadd.s32 $0xFFFFFEF7, lr;
	s5 =	simm.s32 $0xFFFFFFFF;
	p2 =	slt.u32 s8, $0xFFFFF086  }
0x1c: {  	p1 =	slt.u32 s9, $0xF7A;
	s5 =	simm.s32 @!p2 $0x0  }
0x1d: {  	s5 =	simm.s32 @p1 $0x1;
	p0 =	seq.s32 s7, s2  }
0x1e: {  	s7 =	smul.u32 @!p0 $0xF7A, s2;
	p2 =	seq.s32 @!p0 s5, $0x0  }
0x1f: {  	s9 =	smul.u32 $0xF7A, s1;
	s8 =	simm.s32 @!p0 $0x1BF5;
	p2 =	por !p2, p0  }
0x20: {  	[sflag:s8] =	ssyncset.s32 @!p0 $0xFFFFF086;
	s6 =	sadd.s32 @!p0 s3, s7;
	s7 =	simm.s32 @!p0 $0x108  }
0x21: {  	s3 =	sadd.s32 s3, s9;
	s6 =	sadd.s32 @!p0 $0x88, s6;
	s7 =	simm.s32 @p2 $0x1082  }
0x22: {  	[simem:s7], [sflag:s8] =	dma.local @!p0 [hbm:s6], $0xF7A  }
0x23: {  	s9 =	sor.u32 $0xD0000000, s2;
	s6 =	simm.s32 $0x108;
	_ =	swait.ge @!p0 [sflag:s8], $0x0  }
0x24: {  	s3 =	sadd.s32 $0x88, s3;
	s6 =	simm.s32 @!p1 $0x1082;
	[sflag:s4] =	ssyncset.s32 $0xFFFFF086  }
0x25: {  	[simem:s6], [sflag:s4] =	dma.local [hbm:s3], $0xF7A  }
0x26: {  	[smem:$0x3F92] =	sst s1;
	(tag) =	ssettag s2;
	_ =	strace s9  }
0x27: {  	s1 =	sld [smem:$0x3FA2]  }
0x28: {  	s2 =	sld [smem:$0x3FA3]  }
0x29: {  	s4 =	sld [smem:$0x3FA5]  }
0x2a: {  	p0 =	seq.s32 s5, $0x0;
	s5 =	sld [smem:$0x3FA6]  }
0x2b: {  	s6 =	sld [smem:$0x3FA7]  }
0x2c: {  	s7 =	sld [smem:$0x3FA8]  }
0x2d: {  	s3 =	simm.s32 $0x108;
	s8 =	sld [smem:$0x3FA9]  }
0x2e: {  	s3 =	simm.s32 @!p0 $0x1082;
	s9 =	sld [smem:$0x3FAA]  }
0x2f: {  	lr =	sadd.s32 s0, s3;
	s0 =	sld [smem:$0x3FA1]  }
0x30: {  	s3 =	sld [smem:$0x3FA4]  }
0x31: {  	[smem:$0x3FAD] =	sst s10  }
0x32: {  	s10 =	sld [smem:$0x3FAB];
	_ =	sdelay $0x3  }
0x33: {  	p0 =	seq.s32 s10, $0x1;
	s10 =	sld [smem:$0x3FAD];
	_ =	sdelay $0x3  }
0x34: {  	[smem:$0x3FAD] =	sst s10  }
0x35: {  	s10 =	sld [smem:$0x3FAC];
	_ =	sdelay $0x3  }
0x36: {  	p1 =	seq.s32 s10, $0x1;
	s10 =	sld [smem:$0x3FAD];
	_ =	sdelay $0x3  }
0x37: {  	[smem:$0x3FAD] =	sst s10  }
0x38: {  	s10 =	sld [smem:$0x3FAE]  }
0x39: {  	_ = 	snop;
	(pc) =	sbr.ind lr, $3  }
0x3a: {  	_ = 	snop  }
0x3b: {  	_ = 	snop  }
0x3c: {  	p2 =	seq.s32 s10, $0x1;
	s10 =	sld [smem:$0x3FAD]  }
0x3d: {  	_ =	shalt  }
0x3e: {  	_ =	shalt  }
0x3f: {  	_ =	shalt  }
0x40: {  	_ =	shalt  }
0x41: {  	_ =	shalt  }
0x42: {  	_ =	shalt  }
0x43: {  	_ =	shalt  }
0x44: {  	_ =	shalt  }
0x45: {  	_ =	shalt  }
0x46: {  	_ =	shalt  }
0x47: {  	_ =	shalt  }
0x48: {  	_ =	shalt  }
0x49: {  	_ =	shalt  }
0x4a: {  	_ =	shalt  }
0x4b: {  	_ =	shalt  }
0x4c: {  	_ =	shalt  }
0x4d: {  	_ =	shalt  }
0x4e: {  	_ =	shalt  }
0x4f: {  	_ =	shalt  }
0x50: {  	_ =	shalt  }
0x51: {  	_ =	shalt  }
0x52: {  	_ =	shalt  }
0x53: {  	_ =	shalt  }
0x54: {  	_ =	shalt  }
0x55: {  	_ =	shalt  }
0x56: {  	_ =	shalt  }
0x57: {  	_ =	shalt  }
0x58: {  	_ =	shalt  }
0x59: {  	_ =	shalt  }
0x5a: {  	_ =	shalt  }
0x5b: {  	_ =	shalt  }
0x5c: {  	_ =	shalt  }
0x5d: {  	_ =	shalt  }
0x5e: {  	_ =	shalt  }
0x5f: {  	_ =	shalt  }
0x60: {  	_ =	shalt  }
0x61: {  	_ =	shalt  }
0x62: {  	_ =	shalt  }
0x63: {  	_ =	shalt  }
0x64: {  	_ =	shalt  }
0x65: {  	_ =	shalt  }
0x66: {  	_ =	shalt  }
0x67: {  	_ =	shalt  }
0x68: {  	_ =	shalt  }
0x69: {  	_ =	shalt  }
0x6a: {  	_ =	shalt  }
0x6b: {  	_ =	shalt  }
0x6c: {  	_ =	shalt  }
0x6d: {  	_ =	shalt  }
0x6e: {  	_ =	shalt  }
0x6f: {  	_ =	shalt  }
0x70: {  	_ =	shalt  }
0x71: {  	_ =	shalt  }
0x72: {  	_ =	shalt  }
0x73: {  	_ =	shalt  }
0x74: {  	_ =	shalt  }
0x75: {  	_ =	shalt  }
0x76: {  	_ =	shalt  }
0x77: {  	_ =	shalt  }
0x78: {  	_ =	shalt  }
0x79: {  	_ =	shalt  }
0x7a: {  	_ =	shalt  }
0x7b: {  	_ =	shalt  }
0x7c: {  	_ =	shalt  }
0x7d: {  	_ =	shalt  }
0x7e: {  	_ =	shalt  }
0x7f: {  	_ =	shalt  }
0x80: {  	_ =	shalt  }
0x81: {  	_ =	shalt  }
0x82: {  	_ =	shalt  }
0x83: {  	_ =	shalt  }
0x84: {  	_ =	shalt  }
0x85: {  	_ =	shalt  }
0x86: {  	_ =	shalt  }
0x87: {  	_ =	shalt  }
.Lfunc_end0:
.L_simem_size_0:
called_computation.1_lowered:
.L_overlay_start_0:
0x88: {  	s2 =	sld [smem:$0x3FD9]  }
0x89: {  	s3 =	sld [smem:$0x3FFE];
	_ =	sdelay $0x1  }
0x8a: {  	s1 =	srdreg.scid  }
0x8b: {  	s0 =	sand.u32 $0x1, s1  }
0x8c: {  	s16 =	sshll.u32 s0, $0xA;
	s2 =	sadd.s32 s3, s2  }
0x8d: {  	s2 =	sadd.s32 s2, s16  }
0x8e: {  	[smem:$0x3FB9] =	sst s2  }
0x8f: {  	_ = 	snop  }
0x90: {  	(tm) =	ssettm $0x1  }
0x91: {  	s17 =	sld [smem:$0x3FFB];
	_ =	sdelay $0x3  }
0x92: {  	_ =	strace s17  }
0x93: {  	s2 =	sld [smem:$0x3FFC];
	_ =	sdelay $0x3  }
0x94: {  	_ =	strace s2  }
0x95: {  	s2 =	sld [smem:$0x3FFD];
	_ =	sdelay $0x3  }
0x96: {  	_ =	strace s2  }
0x97: {  	_ =	strace $0x8FFFFFFF  }
0x98: {  	s18 =	sld [smem:$0x3FDB];
	_ =	sdelay $0x1  }
0x99: {  	s19 =	simm.s32 $_scs_section_size  }
0x9a: {  	s4 =	simm.s32 $_size__tile_overlayer_lowered;
	s5 =	simm.s32 $_tile_overlayer_lowered  }
0x9b: {  	s22 =	simm.s32 $0x1BFF;
	s21 =	sshll.u32 s5, $0x1;
	s2 =	sadd.s32 s19, s18  }
0x9c: {  	s6 =	simm.s32 $0x0;
	s20 =	sshll.u32 s4, $0x1;
	s4 =	sadd.s32 s21, s2  }
0x9d: {  	[timem:s6], [sflag:s22] =	dma.local [hbm:s4], s20  }
0x9e: {  	_ =	swait.ge [sflag:s22], s20  }
0x9f: {  	s3 =	ssub.s32 $0x0, s20;
	[sflag:s22] =	ssyncset.done $0x0  }
0xa0: {  	[sflag:s22] =	ssyncadd.s32 s3;
	_ =	sdelay $0x1  }
0xa1: {  	s23 =	simm.s32 $0x1B8B  }
0xa2: {  	_ =	swait.ge [sflag:s23], $0x1  }
0xa3: {  	[sflag:s23] =	ssyncset.done $0x0  }
0xa4: {  	s25 =	simm.s32 $0x1B8E;
	s24 =	sld [smem:$0x3FFE];
	[sflag:s23] =	ssyncadd.s32 $0xFFFFFFFF  }
0xa5: {  	s26 =	simm.s32 $execute0_lowered;
	[smem:$0x3FD2] =	sst s25  }
0xa6: {  	s4 =	sshll.u32 s26, $0x1;
	_ =	strace $0x80000049;
	[dreg:$0x1] =	wrdreg $0xFFFFFFFF  }
0xa7: {  	s28 =	simm.s32 $_size_execute0_lowered;
	s2 =	sadd.s32 s2, s4;
	[dreg:$0x0] =	wrdreg $0x0  }
0xa8: {  	s4 =	sshll.u32 s28, $0x1;
	[dreg:$0x2] =	wrdreg s2  }
0xa9: {  	[dreg:$0x3] =	wrdreg s4  }
0xaa: {  	[dreg:$0x4] =	wrdreg $0xC0  }
0xab: {  	_ =	task [dreg:s6], $0x5FFFF  }
0xac: {  	[dreg:$0x1] =	wrdreg $0xFFFFFFFF  }
0xad: {  	[dreg:$0x0] =	wrdreg $0x60  }
0xae: {  	[dreg:$0x2] =	wrdreg s24  }
0xaf: {  	[dreg:$0x3] =	wrdreg $0x134000  }
0xb0: {  	[dreg:$0x4] =	wrdreg $0x9  }
0xb1: {  	_ =	task.clear_ibuf [dreg:s6], $0x5FFFF;
	_ =	strace $0x90000049  }
0xb2: {  	s29 =	simm.s32 $0x9;
	_ =	strace $0x8000004B  }
0xb3: {  	_ =	swait.ge [sflag:s29], $0x1  }
0xb4: {  	[sflag:s29] =	ssyncadd.s32 $0xFFFFFFFF  }
0xb5: {  	_ =	strace $0x9000004B  }
0xb6: {  	_ =	sfence  }
0xb7: {  	s30 =	sld [smem:$0x0];
	_ =	sdelay $0x2  }
0xb8: {  	s31 =	sshll.u32 s1, $0xD;
	s1 =	sshrl.u32 s1, $0x2  }
0xb9: {  	s3 =	sand.u32 $0x4000, s31;
	s1 =	sadd.s32 s1, s30  }
0xba: {  	s0 =	sor.u32 s3, s0;
	s1 =	sshll.u32 s1, $0x11  }
0xbb: {  	s0 =	sor.u32 s1, s0  }
0xbc: {  	s0 =	sadd.s32 $0x8F2B, s0  }
0xbd: {  	[sflag:s0] =	ssyncadd.remote.s32 $0x1  }
0xbe: {  	_ =	sfence.sel $0xFFFF  }
0xbf: {  	[dreg:$0x0] =	wrdreg $0xFFFFFFFF;
	(pc) =	sbr.abs _section_cstart, $3  }
0xc0: {  	[dreg:$0x1] =	wrdreg $0xFFFFFFFF  }
0xc1: {  	_ =	task.clear_ibuf [dreg:s6], $0x2FFFF;
	_ =	strace $0x9FFFFFFF  }
0xc2: {  	(tm) =	ssettm $0x7FFFFFFF  }
0xc3: {  	_ =	shalt  }
tec
execute0_lowered:
.L_overlay_start_1:
0x0: {  	(tag) =	ssettag $0x1  }
0x1: {  	s0 =	rddreg [dreg:$0x0]  }
0x2: {  	s2 =	rddreg [dreg:$0x1];
	s3 =	simm.s32 $0x0  }
0x3: {  	s9 =	stileid.u32;
	s1 =	srdreg.scid;
	s17 =	simm.s32 $0x12000  }
0x4: {  	s18 =	simm.s32 $0x9;
	s20 =	simm.s32 $0x80;
	s21 =	simm.s32 $0xA000  }
0x5: {  	s28 =	simm.s32 $0x10000;
	s29 =	simm.s32 $0x1;
	s30 =	simm.s32 $0x8  }
0x6: {  	s31 =	simm.s32 $0x2;
	[smem:$0x7FF] =	sst s3;
	s5 =	smul.u32 $0xA00, s9  }
0x7: {  	s1 =	sand.u32 $0x1, s1;
	s4 =	sadd.s32 $0x2000, s0;
	s23 =	smul.u32 $0x28000, s9  }
0x8: {  	s25 =	smul.u32 $0xA000, s9;
	s26 =	sadd.s32 $0x9C400, s2;
	_ =	strace $0x8000004A  }
0x9: {  	s6 =	smul.u32 $0x14000, s1;
	s7 =	ssub.s32 $0x2, s1;
	[dreg:$0x5] =	wrdreg s26  }
0xa: {  	p0 =	sne.s32 s1, $0x0;
	s26 =	simm.s32 $0xE000;
	s5 =	sadd.s32 s5, s0  }
0xb: {  	s8 =	sshrl.u32 s7, $0x1;
	s19 =	sshrl.u32 s25, $0x3;
	s24 =	sadd.s32 $0x1FA00, s5  }
0xc: {  	s0 =	sadd.s32 s6, s0;
	s5 =	sadd.s32 $0x15A00, s5;
	[dreg:$0x3] =	wrdreg s24  }
0xd: {  	s22 =	ssub.s32 s7, s8;
	s7 =	sshrl.u32 s23, $0x2;
	[dreg:$0x4] =	wrdreg s5  }
0xe: {  	s0 =	sadd.s32 $0x29A00, s0;
	s5 =	sadd.s32 s25, s2;
	s8 =	sadd.s32 s7, s2  }
0xf: {  	s6 =	smax.u32 s22, $0x1;
	s22 =	simm.s32 $0xC000;
	s24 =	simm.s32 $0x6  }
.Ltmp0:
0x10: {  	[dreg:$0x6] =	wrdreg s6;
	s10 =	sadd.s32 $0x1400, s8;
	(pc) =	sbr.rel .LBB2_1-.Ltmp0, $4  }
0x11: {  	s11 =	sadd.s32 $0x2800, s8;
	s12 =	sadd.s32 $0x3C00, s8;
	s13 =	sadd.s32 $0x5000, s8  }
0x12: {  	s14 =	sadd.s32 $0x6400, s8;
	s15 =	sadd.s32 $0x7800, s8;
	s16 =	sadd.s32 $0x8C00, s8  }
0x13: {  	s23 =	sadd.s32 s19, s0;
	s25 =	sshrl.u32 s5, $0x3;
	s0 =	simm.s32 $0x5  }
0x14: {  	v0 =	vimm.f32 $0.0e+00;
	s19 =	simm.s32 $0x3;
	s5 =	simm.s32 $0x4;
	s6 =	simm.s32 $0x7  }
.LBB2_6:
0x15: {  	[tilespmem:s26], [sflag:$0x3] =	stream.indirect.gather [hbm4b:s4+s20], $0x40, s1, s20, $0xb8;
	[tilespmem:$0x1D400] =	vst v63  }
0x16: {  	_ =	swait.ge [sflag:s29], $0x2000  }
0x17: {  	[sflag:s29] =	ssyncset.done $0x0  }
0x18: {  	s9 =	simm.s32 $0x9E00;
	[sflag:s29] =	ssyncadd.s32 $0xFFFFE000  }
0x19: {  	[spmem:s2] =	stream.indirect.scatter.add.f32 [tilespmem:s21], [sflag:$0x5], $0x40, s9, s20, $0xb8;
	[tilespmem:$0x1D400] =	vst v63  }
0x1a: {  	_ =	swait.ge [sflag:s30], $0x2000  }
0x1b: {  	[sflag:s30] =	ssyncset.done $0x0  }
0x1c: {  	s7 =	simm.s32 $0x4F80;
	[sflag:s30] =	ssyncadd.s32 $0xFFFFE000  }
0x1d: {  	[tilespmem:s28], [sflag:$0x4] =	stream.indirect.gather [hbm4b:s4+s20], $0x40, s7, s20, $0xb8;
	[tilespmem:$0x1D400] =	vst v63  }
0x1e: {  	_ =	swait.ge [sflag:s31], $0x2000  }
0x1f: {  	[sflag:s31] =	ssyncset.done $0x0  }
0x20: {  	s9 =	simm.s32 $0x9E80;
	[sflag:s31] =	ssyncadd.s32 $0xFFFFE000  }
0x21: {  	[spmem:s2] =	stream.indirect.scatter.add.f32 [tilespmem:s22], [sflag:$0x6], $0x40, s9, s20, $0xb8;
	[tilespmem:$0x1D400] =	vst v63  }
0x22: {  	_ =	swait.ge [sflag:s19], $0x2000  }
0x23: {  	[sflag:s19] =	ssyncset.done $0x0  }
0x24: {  	s7 =	simm.s32 $0x9F00;
	[sflag:s19] =	ssyncadd.s32 $0xFFFFE000  }
0x25: {  	[spmem:s2] =	stream.indirect.scatter.add.f32 [tilespmem:s26], [sflag:$0x7], $0x40, s7, s20, $0xb8;
	[tilespmem:$0x1D400] =	vst v63  }
0x26: {  	_ =	swait.ge [sflag:s5], $0x2000  }
0x27: {  	[sflag:s5] =	ssyncset.done $0x0  }
0x28: {  	s9 =	simm.s32 $0x9F80;
	[sflag:s5] =	ssyncadd.s32 $0xFFFFE000  }
0x29: {  	[spmem:s2] =	stream.indirect.scatter.add.f32 [tilespmem:s28], [sflag:$0x8], $0x40, s9, s20, $0xb8;
	[tilespmem:$0x1D400] =	vst v63  }
0x2a: {  	_ =	swait.ge [sflag:s0], $0x2000  }
0x2b: {  	[sflag:s0] =	ssyncset.done $0x0  }
0x2c: {  	[sflag:s0] =	ssyncadd.s32 $0xFFFFE000  }
0x2d: {  	_ =	swait.ge [sflag:s24], $0x2000  }
0x2e: {  	[sflag:s24] =	ssyncset.done $0x0  }
0x2f: {  	[sflag:s24] =	ssyncadd.s32 $0xFFFFE000  }
0x30: {  	_ =	swait.ge [sflag:s6], $0x2000  }
0x31: {  	[sflag:s6] =	ssyncset.done $0x0  }
0x32: {  	[sflag:s6] =	ssyncadd.s32 $0xFFFFE000  }
0x33: {  	_ =	swait.ge [sflag:s30], $0x2000  }
0x34: {  	[sflag:s30] =	ssyncset.done $0x0  }
0x35: {  	[sflag:s30] =	ssyncadd.s32 $0xFFFFE000  }
.LBB2_7:
0x36: {  	s1 =	stileid.u32  }
0x37: {  	s1 =	sshll.u32 s1, $0x6  }
0x38: {  	[bflag:$0x0] =	sbarrier.arrive $0xFFFF;
	s1 =	sor.u32 $0x1C09, s1  }
0x39: {  	[hbm:s23], [sflag:s1] =	dma.local [spmem:s25], $0x1400  }
0x3a: {  	_ =	swait.ge [sflag:s18], $0x1400  }
0x3b: {  	s3 =	sadd.s32 $0x1, s3;
	s9 =	rddreg [dreg:$0x6]  }
0x3c: {  	p1 =	sne.s32 s3, s9  }
.Ltmp1:
0x3d: {  	_ = 	snop;
	(pc) =	sbr.rel @!p1 .LBB2_8-.Ltmp1, $3  }
0x3e: {  	_ =	sdelay $0x1  }
0x3f: {  	[sflag:s18] =	ssyncset.done $0x0  }
0x40: {  	[sflag:s18] =	ssyncadd.s32 $0xFFFFEC00  }
.LBB2_1:
0x41: {  	s7 =	simm.s32 $0x100;
	s1 =	simm.s32 $0x0  }
.LBB2_2:
0x42: {  	p1 =	sne.s32 s7, $0x4F00;
	[tilespmem:s1+$0x12030] =	vst v0;
	s9 =	smov.u32 s7;
	s7 =	sadd.s32 $0x100, s7  }
.Ltmp2:
0x43: {  	[tilespmem:s1+$0x12020] =	vst v0;
	(pc) =	sbr.rel @p1 .LBB2_2-.Ltmp2, $3  }
0x44: {  	[tilespmem:s1+$0x12000] =	vst v0  }
0x45: {  	[tilespmem:s1+$0x12010] =	vst v0;
	_ =	sdelay $0x1  }
0x46: {  	s1 =	sshra.s32 s9, $0x2  }
0x47: {  	[tilespmem:s1+$0x12030] =	vst v0  }
0x48: {  	[tilespmem:s1+$0x12020] =	vst v0  }
0x49: {  	[tilespmem:s1+$0x12000] =	vst v0  }
0x4a: {  	[tilespmem:s1+$0x12010] =	vst v0  }
0x4b: {  	[spmem:s8] =	stream.linear.scatter [tilespmem:s17], [sflag:$0x9], $0x1400, $0x38;
	[tilespmem:$0x1D400] =	vst v63  }
0x4c: {  	_ =	swait.ge [sflag:s18], $0x1400  }
0x4d: {  	[sflag:s18] =	ssyncset.done $0x0  }
0x4e: {  	[sflag:s18] =	ssyncadd.s32 $0xFFFFEC00  }
0x4f: {  	[spmem:s10] =	stream.linear.scatter [tilespmem:s17], [sflag:$0x9], $0x1400, $0x38;
	[tilespmem:$0x1D400] =	vst v63  }
0x50: {  	_ =	swait.ge [sflag:s18], $0x1400  }
0x51: {  	[sflag:s18] =	ssyncset.done $0x0  }
0x52: {  	[sflag:s18] =	ssyncadd.s32 $0xFFFFEC00  }
0x53: {  	[spmem:s11] =	stream.linear.scatter [tilespmem:s17], [sflag:$0x9], $0x1400, $0x38;
	[tilespmem:$0x1D400] =	vst v63  }
0x54: {  	_ =	swait.ge [sflag:s18], $0x1400  }
0x55: {  	[sflag:s18] =	ssyncset.done $0x0  }
0x56: {  	[sflag:s18] =	ssyncadd.s32 $0xFFFFEC00  }
0x57: {  	[spmem:s12] =	stream.linear.scatter [tilespmem:s17], [sflag:$0x9], $0x1400, $0x38;
	[tilespmem:$0x1D400] =	vst v63  }
0x58: {  	_ =	swait.ge [sflag:s18], $0x1400  }
0x59: {  	[sflag:s18] =	ssyncset.done $0x0  }
0x5a: {  	[sflag:s18] =	ssyncadd.s32 $0xFFFFEC00  }
0x5b: {  	[spmem:s13] =	stream.linear.scatter [tilespmem:s17], [sflag:$0x9], $0x1400, $0x38;
	[tilespmem:$0x1D400] =	vst v63  }
0x5c: {  	_ =	swait.ge [sflag:s18], $0x1400  }
0x5d: {  	[sflag:s18] =	ssyncset.done $0x0  }
0x5e: {  	[sflag:s18] =	ssyncadd.s32 $0xFFFFEC00  }
0x5f: {  	[spmem:s14] =	stream.linear.scatter [tilespmem:s17], [sflag:$0x9], $0x1400, $0x38;
	[tilespmem:$0x1D400] =	vst v63  }
0x60: {  	_ =	swait.ge [sflag:s18], $0x1400  }
0x61: {  	[sflag:s18] =	ssyncset.done $0x0  }
0x62: {  	[sflag:s18] =	ssyncadd.s32 $0xFFFFEC00  }
0x63: {  	[spmem:s15] =	stream.linear.scatter [tilespmem:s17], [sflag:$0x9], $0x1400, $0x38;
	[tilespmem:$0x1D400] =	vst v63  }
0x64: {  	_ =	swait.ge [sflag:s18], $0x1400  }
0x65: {  	[sflag:s18] =	ssyncset.done $0x0  }
0x66: {  	[sflag:s18] =	ssyncadd.s32 $0xFFFFEC00  }
0x67: {  	[spmem:s16] =	stream.linear.scatter [tilespmem:s17], [sflag:$0x9], $0x1400, $0x38;
	[tilespmem:$0x1D400] =	vst v63  }
.Ltmp3:
0x68: {  	_ =	swait.ge [sflag:s18], $0x1400;
	(pc) =	sbr.rel @p0 .LBB2_7-.Ltmp3, $3  }
0x69: {  	[sflag:s18] =	ssyncset.done $0x0  }
0x6a: {  	[sflag:s18] =	ssyncadd.s32 $0xFFFFEC00  }
0x6b: {  	[bflag:$0x0] =	sbarrier.arrive $0xFFFF;
	_ =	sdelay $0x1  }
0x6c: {  	s1 =	simm.s32 $0x0;
	s7 =	rddreg [dreg:$0x3]  }
0x6d: {  	[tilespmem:s1], [sflag:$0x9] =	stream.linear.gather [hbm4b:s7+s1], $0x5000, $0x38;
	[tilespmem:$0x1D400] =	vst v63  }
0x6e: {  	_ =	swait.ge [sflag:s18], $0x5000  }
0x6f: {  	[sflag:s18] =	ssyncset.done $0x0  }
0x70: {  	s9 =	simm.s32 $0x5000;
	s7 =	rddreg [dreg:$0x4];
	[sflag:s18] =	ssyncadd.s32 $0xFFFFB000  }
0x71: {  	[tilespmem:s9], [sflag:$0x9] =	stream.linear.gather [hbm4b:s7+s1], $0x5000, $0x38;
	[tilespmem:$0x1D400] =	vst v63  }
0x72: {  	_ =	swait.ge [sflag:s18], $0x5000  }
0x73: {  	[sflag:s18] =	ssyncset.done $0x0  }
0x74: {  	[sflag:s18] =	ssyncadd.s32 $0xFFFFB000  }
0x75: {  	[tilespmem:s21], [sflag:$0x1] =	stream.indirect.gather [hbm4b:s4+s20], $0x40, s1, s20, $0xb8;
	[tilespmem:$0x1D400] =	vst v63  }
0x76: {  	_ = 	snop  }
0x77: {  	[tilespmem:s22], [sflag:$0x2] =	stream.indirect.gather [hbm4b:s4+s20], $0x40, s20, s20, $0xb8;
	[tilespmem:$0x1D400] =	vst v63  }
0x78: {  	s9 =	simm.s32 $0x100  }
0x79: {  	[tilespmem:s26], [sflag:$0x3] =	stream.indirect.gather [hbm4b:s4+s20], $0x40, s9, s20, $0xb8;
	[tilespmem:$0x1D400] =	vst v63  }
0x7a: {  	s7 =	rddreg [dreg:$0x5]  }
0x7b: {  	[spmem:s7] =	stream.linear.scatter [tilespmem:s28], [sflag:$0x8], $0x2000, $0x38;
	[tilespmem:$0x1D400] =	vst v63  }
0x7c: {  	_ =	swait.ge [sflag:s29], $0x2000  }
0x7d: {  	[sflag:s29] =	ssyncset.done $0x0  }
0x7e: {  	s9 =	simm.s32 $0x5000;
	[sflag:s29] =	ssyncadd.s32 $0xFFFFE000  }
0x7f: {  	[spmem:s2] =	stream.indirect.scatter.add.f32 [tilespmem:s21], [sflag:$0x5], $0x40, s9, s20, $0xb8;
	[tilespmem:$0x1D400] =	vst v63  }
0x80: {  	_ =	swait.ge [sflag:s30], $0x2000  }
0x81: {  	[sflag:s30] =	ssyncset.done $0x0  }
0x82: {  	s7 =	simm.s32 $0x180;
	[sflag:s30] =	ssyncadd.s32 $0xFFFFE000  }
0x83: {  	[tilespmem:s28], [sflag:$0x4] =	stream.indirect.gather [hbm4b:s4+s20], $0x40, s7, s20, $0xb8;
	[tilespmem:$0x1D400] =	vst v63  }
0x84: {  	_ =	swait.ge [sflag:s31], $0x2000  }
0x85: {  	[sflag:s31] =	ssyncset.done $0x0  }
0x86: {  	s9 =	simm.s32 $0x5080;
	[sflag:s31] =	ssyncadd.s32 $0xFFFFE000  }
0x87: {  	[spmem:s2] =	stream.indirect.scatter.add.f32 [tilespmem:s22], [sflag:$0x6], $0x40, s9, s20, $0xb8;
	[tilespmem:$0x1D400] =	vst v63  }
0x88: {  	_ =	swait.ge [sflag:s0], $0x2000  }
0x89: {  	[sflag:s0] =	ssyncset.done $0x0  }
0x8a: {  	s7 =	simm.s32 $0x200;
	[sflag:s0] =	ssyncadd.s32 $0xFFFFE000  }
0x8b: {  	[tilespmem:s21], [sflag:$0x1] =	stream.indirect.gather [hbm4b:s4+s20], $0x40, s7, s20, $0xb8;
	[tilespmem:$0x1D400] =	vst v63  }
0x8c: {  	_ =	swait.ge [sflag:s19], $0x2000  }
0x8d: {  	[sflag:s19] =	ssyncset.done $0x0  }
0x8e: {  	s9 =	simm.s32 $0x5100;
	[sflag:s19] =	ssyncadd.s32 $0xFFFFE000  }
0x8f: {  	[spmem:s2] =	stream.indirect.scatter.add.f32 [tilespmem:s26], [sflag:$0x7], $0x40, s9, s20, $0xb8;
	[tilespmem:$0x1D400] =	vst v63  }
0x90: {  	_ =	swait.ge [sflag:s24], $0x2000  }
0x91: {  	[sflag:s24] =	ssyncset.done $0x0  }
0x92: {  	s7 =	simm.s32 $0x280;
	[sflag:s24] =	ssyncadd.s32 $0xFFFFE000  }
0x93: {  	[tilespmem:s22], [sflag:$0x2] =	stream.indirect.gather [hbm4b:s4+s20], $0x40, s7, s20, $0xb8;
	[tilespmem:$0x1D400] =	vst v63  }
0x94: {  	_ =	swait.ge [sflag:s5], $0x2000  }
0x95: {  	[sflag:s5] =	ssyncset.done $0x0  }
0x96: {  	s9 =	simm.s32 $0x5180;
	[sflag:s5] =	ssyncadd.s32 $0xFFFFE000  }
0x97: {  	[spmem:s2] =	stream.indirect.scatter.add.f32 [tilespmem:s28], [sflag:$0x8], $0x40, s9, s20, $0xb8;
	[tilespmem:$0x1D400] =	vst v63  }
0x98: {  	_ =	swait.ge [sflag:s6], $0x2000  }
0x99: {  	[sflag:s6] =	ssyncset.done $0x0  }
0x9a: {  	s1 =	simm.s32 $0x300;
	s7 =	simm.s32 $0x800;
	[sflag:s6] =	ssyncadd.s32 $0xFFFFE000  }
.LBB2_5:
0x9b: {  	[tilespmem:s26], [sflag:$0x3] =	stream.indirect.gather [hbm4b:s4+s20], $0x40, s1, s20, $0xb8;
	[tilespmem:$0x1D400] =	vst v63  }
0x9c: {  	s1 =	smov.u32 s7  }
0x9d: {  	p1 =	sne.s32 s7, $0x13000;
	s7 =	sadd.s32 $0x800, s7;
	_ =	swait.ge [sflag:s29], $0x2000  }
0x9e: {  	s1 =	sshra.s32 s1, $0x2;
	[sflag:s29] =	ssyncset.done $0x0  }
0x9f: {  	s9 =	sadd.s32 $0x5000, s1;
	[sflag:s29] =	ssyncadd.s32 $0xFFFFE000  }
0xa0: {  	[spmem:s2] =	stream.indirect.scatter.add.f32 [tilespmem:s21], [sflag:$0x5], $0x40, s9, s20, $0xb8;
	[tilespmem:$0x1D400] =	vst v63  }
0xa1: {  	_ =	swait.ge [sflag:s30], $0x2000  }
0xa2: {  	[sflag:s30] =	ssyncset.done $0x0  }
0xa3: {  	s9 =	sadd.s32 $0x180, s1;
	[sflag:s30] =	ssyncadd.s32 $0xFFFFE000  }
0xa4: {  	[tilespmem:s28], [sflag:$0x4] =	stream.indirect.gather [hbm4b:s4+s20], $0x40, s9, s20, $0xb8;
	[tilespmem:$0x1D400] =	vst v63  }
0xa5: {  	_ =	swait.ge [sflag:s31], $0x2000  }
0xa6: {  	[sflag:s31] =	ssyncset.done $0x0  }
0xa7: {  	s9 =	sadd.s32 $0x5080, s1;
	[sflag:s31] =	ssyncadd.s32 $0xFFFFE000  }
0xa8: {  	[spmem:s2] =	stream.indirect.scatter.add.f32 [tilespmem:s22], [sflag:$0x6], $0x40, s9, s20, $0xb8;
	[tilespmem:$0x1D400] =	vst v63  }
0xa9: {  	_ =	swait.ge [sflag:s0], $0x2000  }
0xaa: {  	[sflag:s0] =	ssyncset.done $0x0  }
0xab: {  	s9 =	sadd.s32 $0x200, s1;
	[sflag:s0] =	ssyncadd.s32 $0xFFFFE000  }
0xac: {  	[tilespmem:s21], [sflag:$0x1] =	stream.indirect.gather [hbm4b:s4+s20], $0x40, s9, s20, $0xb8;
	[tilespmem:$0x1D400] =	vst v63  }
0xad: {  	_ =	swait.ge [sflag:s19], $0x2000  }
0xae: {  	[sflag:s19] =	ssyncset.done $0x0  }
0xaf: {  	s9 =	sadd.s32 $0x5100, s1;
	[sflag:s19] =	ssyncadd.s32 $0xFFFFE000  }
0xb0: {  	[spmem:s2] =	stream.indirect.scatter.add.f32 [tilespmem:s26], [sflag:$0x7], $0x40, s9, s20, $0xb8;
	[tilespmem:$0x1D400] =	vst v63  }
0xb1: {  	_ =	swait.ge [sflag:s24], $0x2000  }
0xb2: {  	[sflag:s24] =	ssyncset.done $0x0  }
0xb3: {  	s9 =	sadd.s32 $0x280, s1;
	[sflag:s24] =	ssyncadd.s32 $0xFFFFE000  }
0xb4: {  	[tilespmem:s22], [sflag:$0x2] =	stream.indirect.gather [hbm4b:s4+s20], $0x40, s9, s20, $0xb8;
	[tilespmem:$0x1D400] =	vst v63  }
0xb5: {  	_ =	swait.ge [sflag:s5], $0x2000  }
0xb6: {  	[sflag:s5] =	ssyncset.done $0x0  }
.Ltmp4:
0xb7: {  	s9 =	sadd.s32 $0x5180, s1;
	[sflag:s5] =	ssyncadd.s32 $0xFFFFE000;
	(pc) =	sbr.rel @p1 .LBB2_5-.Ltmp4, $4  }
0xb8: {  	[spmem:s2] =	stream.indirect.scatter.add.f32 [tilespmem:s28], [sflag:$0x8], $0x40, s9, s20, $0xb8;
	[tilespmem:$0x1D400] =	vst v63  }
0xb9: {  	_ =	swait.ge [sflag:s6], $0x2000  }
0xba: {  	[sflag:s6] =	ssyncset.done $0x0  }
0xbb: {  	s1 =	sadd.s32 $0x300, s1;
	[sflag:s6] =	ssyncadd.s32 $0xFFFFE000  }
.Ltmp5:
0xbc: {  	_ = 	snop;
	(pc) =	sbr.rel .LBB2_6-.Ltmp5, $1  }
0xbd: {  	_ =	sdelay $0x3  }
.LBB2_8:
0xbe: {  	_ =	sfence.sel $0x180000  }
0xbf: {  	[bflag:$0x0] =	sbarrier.arrive $0xFFFF  }
0xc0: {  	_ =	strace $0x9000004A  }
0xc1: {  	s0 =	stileid.u32;
	[bflag:$0x2] =	sbarrier.arrive $0xFFFF  }
0xc2: {  	p0 =	sne.s32 s0, $0x0;
	s0 =	rddreg [dreg:$0x2]  }
0xc3: {  	s0 =	sadd.s32 @!p0 $0x100000, s0  }
0xc4: {  	[sflag:s0] =	ssyncadd.tile.s32 @!p0 $0x1;
	_ =	shalt  }
.Lfunc_end2:
_tile_overlayer_lowered:
.L_overlay_start_2:
0xc5: {  	(tag) =	ssettag $0x2  }
0xc6: {  	s0 =	rddreg [dreg:$0x0];
	s2 =	stileid.u32  }
0xc7: {  	s1 =	rddreg [dreg:$0x1];
	p0 =	sne.s32 s2, $0x0  }
0xc8: {  	s3 =	rddreg [dreg:$0x2];
	[bflag:$0x3] =	sbarrier.arrive $0xFFFF;
	s2 =	simm.s32 @!p0 $0x1C09  }
0xc9: {  	[timem:s3], [sflag:s2] =	dma.local @!p0 [hbm:s0], s1  }
0xca: {  	s0 =	simm.s32 @!p0 $0x9  }
0xcb: {  	_ =	swait.ge @!p0 [sflag:s0], s1  }
0xcc: {  	s1 =	ssub.s32 @!p0 $0x0, s1;
	[sflag:s0] =	ssyncset.done @!p0 $0x0  }
0xcd: {  	[sflag:s0] =	ssyncadd.s32 @!p0 s1  }
0xce: {  	[bflag:$0x3] =	sbarrier.arrive $0xFFFF  }
0xcf: {  	_ =	shalt  }

// kernel: kernel.7.cloned.1.call-start
scs
__scs_entry_jumppad:
0x0: {  	(pc) =	sbr.rel $0x88, $3  }
0x1: {  	(tag) =	ssettag $0x0;
	lr =	simm.s32 $0x1  }
0x2: {  	[smem:$0x3F92] =	sst lr;
	_ =	strace $0xD0000000  }
0x3: {  	_ = 	snop  }
0x4: {  	_ = 	snop  }
0x5: {  	_ = 	snop  }
0x6: {  	_ = 	snop  }
0x7: {  	_ = 	snop  }
__scs_overlays_trampoline_lowered:
0x8: {  	[smem:$0x3FA1] =	sst s0  }
0x9: {  	[smem:$0x3FA2] =	sst s1  }
0xa: {  	[smem:$0x3FA3] =	sst s2  }
0xb: {  	[smem:$0x3FA4] =	sst s3  }
0xc: {  	[smem:$0x3FA5] =	sst s4  }
0xd: {  	[smem:$0x3FA6] =	sst s5  }
0xe: {  	[smem:$0x3FA7] =	sst s6  }
0xf: {  	[smem:$0x3FA8] =	sst s7  }
0x10: {  	[smem:$0x3FA9] =	sst s8  }
0x11: {  	[smem:$0x3FAA] =	sst s9;
	s0 =	simm.s32 @!p0 $0x0  }
0x12: {  	s1 =	sld [smem:$0x3F90];
	s0 =	simm.s32 @p0 $0x1  }
0x13: {  	[smem:$0x3FAB] =	sst s0;
	s0 =	simm.s32 @!p1 $0x0  }
0x14: {  	s2 =	sld [smem:$0x3F8F];
	s0 =	simm.s32 @p1 $0x1  }
0x15: {  	[smem:$0x3FAC] =	sst s0;
	s0 =	simm.s32 @!p2 $0x0  }
0x16: {  	s3 =	sld [smem:$0x3FDB];
	s0 =	simm.s32 @p2 $0x1  }
0x17: {  	s4 =	simm.s32 $0x1BF5;
	[smem:$0x3FAE] =	sst s0  }
0x18: {  	s0 =	sld [smem:$0x3F91];
	_ =	swait.ge [sflag:s4], $0x0  }
0x19: {  	s7 =	sld [smem:$0x3F92]  }
0x1a: {  	s8 =	sadd.s32 $0xFFFFE003, lr  }
0x1b: {  	s9 =	sadd.s32 $0xFFFFFEF7, lr;
	s5 =	simm.s32 $0xFFFFFFFF;
	p2 =	slt.u32 s8, $0xFFFFF086  }
0x1c: {  	p1 =	slt.u32 s9, $0xF7A;
	s5 =	simm.s32 @!p2 $0x0  }
0x1d: {  	s5 =	simm.s32 @p1 $0x1;
	p0 =	seq.s32 s7, s2  }
0x1e: {  	s7 =	smul.u32 @!p0 $0xF7A, s2;
	p2 =	seq.s32 @!p0 s5, $0x0  }
0x1f: {  	s9 =	smul.u32 $0xF7A, s1;
	s8 =	simm.s32 @!p0 $0x1BF5;
	p2 =	por !p2, p0  }
0x20: {  	[sflag:s8] =	ssyncset.s32 @!p0 $0xFFFFF086;
	s6 =	sadd.s32 @!p0 s3, s7;
	s7 =	simm.s32 @!p0 $0x108  }
0x21: {  	s3 =	sadd.s32 s3, s9;
	s6 =	sadd.s32 @!p0 $0x88, s6;
	s7 =	simm.s32 @p2 $0x1082  }
0x22: {  	[simem:s7], [sflag:s8] =	dma.local @!p0 [hbm:s6], $0xF7A  }
0x23: {  	s9 =	sor.u32 $0xD0000000, s2;
	s6 =	simm.s32 $0x108;
	_ =	swait.ge @!p0 [sflag:s8], $0x0  }
0x24: {  	s3 =	sadd.s32 $0x88, s3;
	s6 =	simm.s32 @!p1 $0x1082;
	[sflag:s4] =	ssyncset.s32 $0xFFFFF086  }
0x25: {  	[simem:s6], [sflag:s4] =	dma.local [hbm:s3], $0xF7A  }
0x26: {  	[smem:$0x3F92] =	sst s1;
	(tag) =	ssettag s2;
	_ =	strace s9  }
0x27: {  	s1 =	sld [smem:$0x3FA2]  }
0x28: {  	s2 =	sld [smem:$0x3FA3]  }
0x29: {  	s4 =	sld [smem:$0x3FA5]  }
0x2a: {  	p0 =	seq.s32 s5, $0x0;
	s5 =	sld [smem:$0x3FA6]  }
0x2b: {  	s6 =	sld [smem:$0x3FA7]  }
0x2c: {  	s7 =	sld [smem:$0x3FA8]  }
0x2d: {  	s3 =	simm.s32 $0x108;
	s8 =	sld [smem:$0x3FA9]  }
0x2e: {  	s3 =	simm.s32 @!p0 $0x1082;
	s9 =	sld [smem:$0x3FAA]  }
0x2f: {  	lr =	sadd.s32 s0, s3;
	s0 =	sld [smem:$0x3FA1]  }
0x30: {  	s3 =	sld [smem:$0x3FA4]  }
0x31: {  	[smem:$0x3FAD] =	sst s10  }
0x32: {  	s10 =	sld [smem:$0x3FAB];
	_ =	sdelay $0x3  }
0x33: {  	p0 =	seq.s32 s10, $0x1;
	s10 =	sld [smem:$0x3FAD];
	_ =	sdelay $0x3  }
0x34: {  	[smem:$0x3FAD] =	sst s10  }
0x35: {  	s10 =	sld [smem:$0x3FAC];
	_ =	sdelay $0x3  }
0x36: {  	p1 =	seq.s32 s10, $0x1;
	s10 =	sld [smem:$0x3FAD];
	_ =	sdelay $0x3  }
0x37: {  	[smem:$0x3FAD] =	sst s10  }
0x38: {  	s10 =	sld [smem:$0x3FAE]  }
0x39: {  	_ = 	snop;
	(pc) =	sbr.ind lr, $3  }
0x3a: {  	_ = 	snop  }
0x3b: {  	_ = 	snop  }
0x3c: {  	p2 =	seq.s32 s10, $0x1;
	s10 =	sld [smem:$0x3FAD]  }
0x3d: {  	_ =	shalt  }
0x3e: {  	_ =	shalt  }
0x3f: {  	_ =	shalt  }
0x40: {  	_ =	shalt  }
0x41: {  	_ =	shalt  }
0x42: {  	_ =	shalt  }
0x43: {  	_ =	shalt  }
0x44: {  	_ =	shalt  }
0x45: {  	_ =	shalt  }
0x46: {  	_ =	shalt  }
0x47: {  	_ =	shalt  }
0x48: {  	_ =	shalt  }
0x49: {  	_ =	shalt  }
0x4a: {  	_ =	shalt  }
0x4b: {  	_ =	shalt  }
0x4c: {  	_ =	shalt  }
0x4d: {  	_ =	shalt  }
0x4e: {  	_ =	shalt  }
0x4f: {  	_ =	shalt  }
0x50: {  	_ =	shalt  }
0x51: {  	_ =	shalt  }
0x52: {  	_ =	shalt  }
0x53: {  	_ =	shalt  }
0x54: {  	_ =	shalt  }
0x55: {  	_ =	shalt  }
0x56: {  	_ =	shalt  }
0x57: {  	_ =	shalt  }
0x58: {  	_ =	shalt  }
0x59: {  	_ =	shalt  }
0x5a: {  	_ =	shalt  }
0x5b: {  	_ =	shalt  }
0x5c: {  	_ =	shalt  }
0x5d: {  	_ =	shalt  }
0x5e: {  	_ =	shalt  }
0x5f: {  	_ =	shalt  }
0x60: {  	_ =	shalt  }
0x61: {  	_ =	shalt  }
0x62: {  	_ =	shalt  }
0x63: {  	_ =	shalt  }
0x64: {  	_ =	shalt  }
0x65: {  	_ =	shalt  }
0x66: {  	_ =	shalt  }
0x67: {  	_ =	shalt  }
0x68: {  	_ =	shalt  }
0x69: {  	_ =	shalt  }
0x6a: {  	_ =	shalt  }
0x6b: {  	_ =	shalt  }
0x6c: {  	_ =	shalt  }
0x6d: {  	_ =	shalt  }
0x6e: {  	_ =	shalt  }
0x6f: {  	_ =	shalt  }
0x70: {  	_ =	shalt  }
0x71: {  	_ =	shalt  }
0x72: {  	_ =	shalt  }
0x73: {  	_ =	shalt  }
0x74: {  	_ =	shalt  }
0x75: {  	_ =	shalt  }
0x76: {  	_ =	shalt  }
0x77: {  	_ =	shalt  }
0x78: {  	_ =	shalt  }
0x79: {  	_ =	shalt  }
0x7a: {  	_ =	shalt  }
0x7b: {  	_ =	shalt  }
0x7c: {  	_ =	shalt  }
0x7d: {  	_ =	shalt  }
0x7e: {  	_ =	shalt  }
0x7f: {  	_ =	shalt  }
0x80: {  	_ =	shalt  }
0x81: {  	_ =	shalt  }
0x82: {  	_ =	shalt  }
0x83: {  	_ =	shalt  }
0x84: {  	_ =	shalt  }
0x85: {  	_ =	shalt  }
0x86: {  	_ =	shalt  }
0x87: {  	_ =	shalt  }
.Lfunc_end0:
.L_simem_size_0:
called_computation_lowered:
.L_overlay_start_0:
0x88: {  	s2 =	sld [smem:$0x3FD9]  }
0x89: {  	s3 =	sld [smem:$0x3FFE];
	_ =	sdelay $0x1  }
0x8a: {  	s1 =	srdreg.scid  }
0x8b: {  	s0 =	sand.u32 $0x1, s1  }
0x8c: {  	s16 =	sshll.u32 s0, $0xA;
	s2 =	sadd.s32 s3, s2  }
0x8d: {  	s2 =	sadd.s32 s2, s16  }
0x8e: {  	[smem:$0x3FB9] =	sst s2  }
0x8f: {  	_ = 	snop  }
0x90: {  	(tm) =	ssettm $0x1  }
0x91: {  	s17 =	sld [smem:$0x3FFB];
	_ =	sdelay $0x3  }
0x92: {  	_ =	strace s17  }
0x93: {  	s2 =	sld [smem:$0x3FFC];
	_ =	sdelay $0x3  }
0x94: {  	_ =	strace s2  }
0x95: {  	s2 =	sld [smem:$0x3FFD];
	_ =	sdelay $0x3  }
0x96: {  	_ =	strace s2  }
0x97: {  	_ =	strace $0x8FFFFFFF  }
0x98: {  	s18 =	sld [smem:$0x3FDB];
	_ =	sdelay $0x1  }
0x99: {  	s19 =	simm.s32 $_scs_section_size  }
0x9a: {  	s4 =	simm.s32 $_size__tile_overlayer_lowered;
	s5 =	simm.s32 $_tile_overlayer_lowered  }
0x9b: {  	s22 =	simm.s32 $0x1BFF;
	s21 =	sshll.u32 s5, $0x1;
	s2 =	sadd.s32 s19, s18  }
0x9c: {  	s6 =	simm.s32 $0x0;
	s20 =	sshll.u32 s4, $0x1;
	s4 =	sadd.s32 s21, s2  }
0x9d: {  	[timem:s6], [sflag:s22] =	dma.local [hbm:s4], s20  }
0x9e: {  	_ =	swait.ge [sflag:s22], s20  }
0x9f: {  	s3 =	ssub.s32 $0x0, s20;
	[sflag:s22] =	ssyncset.done $0x0  }
0xa0: {  	[sflag:s22] =	ssyncadd.s32 s3;
	_ =	sdelay $0x1  }
0xa1: {  	s23 =	simm.s32 $0x1B8B  }
0xa2: {  	_ =	swait.ge [sflag:s23], $0x1  }
0xa3: {  	[sflag:s23] =	ssyncset.done $0x0  }
0xa4: {  	s25 =	simm.s32 $0x1B8E;
	s24 =	sld [smem:$0x3FFE];
	[sflag:s23] =	ssyncadd.s32 $0xFFFFFFFF  }
0xa5: {  	s26 =	simm.s32 $execute0_lowered;
	[smem:$0x3FD2] =	sst s25  }
0xa6: {  	s4 =	sshll.u32 s26, $0x1;
	_ =	strace $0x80000046;
	[dreg:$0x1] =	wrdreg $0xFFFFFFFF  }
0xa7: {  	s28 =	simm.s32 $_size_execute0_lowered;
	s2 =	sadd.s32 s2, s4;
	[dreg:$0x0] =	wrdreg $0x0  }
0xa8: {  	s4 =	sshll.u32 s28, $0x1;
	[dreg:$0x2] =	wrdreg s2  }
0xa9: {  	[dreg:$0x3] =	wrdreg s4  }
0xaa: {  	[dreg:$0x4] =	wrdreg $0xC0  }
0xab: {  	_ =	task [dreg:s6], $0x5FFFF  }
0xac: {  	[dreg:$0x1] =	wrdreg $0xFFFFFFFF  }
0xad: {  	[dreg:$0x0] =	wrdreg $0x60  }
0xae: {  	[dreg:$0x2] =	wrdreg s24  }
0xaf: {  	[dreg:$0x3] =	wrdreg $0x134000  }
0xb0: {  	[dreg:$0x4] =	wrdreg $0x9  }
0xb1: {  	_ =	task.clear_ibuf [dreg:s6], $0x5FFFF;
	_ =	strace $0x90000046  }
0xb2: {  	s29 =	simm.s32 $0x9;
	_ =	strace $0x80000048  }
0xb3: {  	_ =	swait.ge [sflag:s29], $0x1  }
0xb4: {  	[sflag:s29] =	ssyncadd.s32 $0xFFFFFFFF  }
0xb5: {  	_ =	strace $0x90000048  }
0xb6: {  	_ =	sfence  }
0xb7: {  	s30 =	sld [smem:$0x0];
	_ =	sdelay $0x2  }
0xb8: {  	s31 =	sshll.u32 s1, $0xD;
	s1 =	sshrl.u32 s1, $0x2  }
0xb9: {  	s3 =	sand.u32 $0x4000, s31;
	s1 =	sadd.s32 s1, s30  }
0xba: {  	s0 =	sor.u32 s3, s0;
	s1 =	sshll.u32 s1, $0x11  }
0xbb: {  	s0 =	sor.u32 s1, s0  }
0xbc: {  	s0 =	sadd.s32 $0x8F2B, s0  }
0xbd: {  	[sflag:s0] =	ssyncadd.remote.s32 $0x1  }
0xbe: {  	_ =	sfence.sel $0xFFFF  }
0xbf: {  	[dreg:$0x0] =	wrdreg $0xFFFFFFFF;
	(pc) =	sbr.abs _section_cstart, $3  }
0xc0: {  	[dreg:$0x1] =	wrdreg $0xFFFFFFFF  }
0xc1: {  	_ =	task.clear_ibuf [dreg:s6], $0x2FFFF;
	_ =	strace $0x9FFFFFFF  }
0xc2: {  	(tm) =	ssettm $0x7FFFFFFF  }
0xc3: {  	_ =	shalt  }
tec
execute0_lowered:
.L_overlay_start_1:
0x0: {  	(tag) =	ssettag $0x1  }
0x1: {  	s0 =	rddreg [dreg:$0x0]  }
0x2: {  	s2 =	rddreg [dreg:$0x1];
	s3 =	simm.s32 $0x0  }
0x3: {  	s9 =	stileid.u32;
	s1 =	srdreg.scid;
	s17 =	simm.s32 $0x12000  }
0x4: {  	s18 =	simm.s32 $0x9;
	s20 =	simm.s32 $0x80;
	s21 =	simm.s32 $0xA000  }
0x5: {  	s28 =	simm.s32 $0x10000;
	s29 =	simm.s32 $0x1;
	s30 =	simm.s32 $0x8  }
0x6: {  	s31 =	simm.s32 $0x2;
	[smem:$0x7FF] =	sst s3;
	s5 =	smul.u32 $0xA00, s9  }
0x7: {  	s1 =	sand.u32 $0x1, s1;
	s4 =	sadd.s32 $0x2000, s0;
	s23 =	smul.u32 $0x28000, s9  }
0x8: {  	s25 =	smul.u32 $0xA000, s9;
	s26 =	sadd.s32 $0x9C400, s2;
	_ =	strace $0x80000047  }
0x9: {  	s6 =	smul.u32 $0x14000, s1;
	s7 =	ssub.s32 $0x2, s1;
	[dreg:$0x5] =	wrdreg s26  }
0xa: {  	p0 =	sne.s32 s1, $0x0;
	s26 =	simm.s32 $0xE000;
	s5 =	sadd.s32 s5, s0  }
0xb: {  	s8 =	sshrl.u32 s7, $0x1;
	s19 =	sshrl.u32 s25, $0x3;
	s24 =	sadd.s32 $0x1FA00, s5  }
0xc: {  	s0 =	sadd.s32 s6, s0;
	s5 =	sadd.s32 $0x15A00, s5;
	[dreg:$0x3] =	wrdreg s24  }
0xd: {  	s22 =	ssub.s32 s7, s8;
	s7 =	sshrl.u32 s23, $0x2;
	[dreg:$0x4] =	wrdreg s5  }
0xe: {  	s0 =	sadd.s32 $0x29A00, s0;
	s5 =	sadd.s32 s25, s2;
	s8 =	sadd.s32 s7, s2  }
0xf: {  	s6 =	smax.u32 s22, $0x1;
	s22 =	simm.s32 $0xC000;
	s24 =	simm.s32 $0x6  }
.Ltmp0:
0x10: {  	[dreg:$0x6] =	wrdreg s6;
	s10 =	sadd.s32 $0x1400, s8;
	(pc) =	sbr.rel .LBB2_1-.Ltmp0, $4  }
0x11: {  	s11 =	sadd.s32 $0x2800, s8;
	s12 =	sadd.s32 $0x3C00, s8;
	s13 =	sadd.s32 $0x5000, s8  }
0x12: {  	s14 =	sadd.s32 $0x6400, s8;
	s15 =	sadd.s32 $0x7800, s8;
	s16 =	sadd.s32 $0x8C00, s8  }
0x13: {  	s23 =	sadd.s32 s19, s0;
	s25 =	sshrl.u32 s5, $0x3;
	s0 =	simm.s32 $0x5  }
0x14: {  	v0 =	vimm.f32 $0.0e+00;
	s19 =	simm.s32 $0x3;
	s5 =	simm.s32 $0x4;
	s6 =	simm.s32 $0x7  }
.LBB2_6:
0x15: {  	[tilespmem:s26], [sflag:$0x3] =	stream.indirect.gather [hbm4b:s4+s20], $0x40, s1, s20, $0xb8;
	[tilespmem:$0x1D400] =	vst v63  }
0x16: {  	_ =	swait.ge [sflag:s29], $0x2000  }
0x17: {  	[sflag:s29] =	ssyncset.done $0x0  }
0x18: {  	s9 =	simm.s32 $0x9E00;
	[sflag:s29] =	ssyncadd.s32 $0xFFFFE000  }
0x19: {  	[spmem:s2] =	stream.indirect.scatter.add.f32 [tilespmem:s21], [sflag:$0x5], $0x40, s9, s20, $0xb8;
	[tilespmem:$0x1D400] =	vst v63  }
0x1a: {  	_ =	swait.ge [sflag:s30], $0x2000  }
0x1b: {  	[sflag:s30] =	ssyncset.done $0x0  }
0x1c: {  	s7 =	simm.s32 $0x4F80;
	[sflag:s30] =	ssyncadd.s32 $0xFFFFE000  }
0x1d: {  	[tilespmem:s28], [sflag:$0x4] =	stream.indirect.gather [hbm4b:s4+s20], $0x40, s7, s20, $0xb8;
	[tilespmem:$0x1D400] =	vst v63  }
0x1e: {  	_ =	swait.ge [sflag:s31], $0x2000  }
0x1f: {  	[sflag:s31] =	ssyncset.done $0x0  }
0x20: {  	s9 =	simm.s32 $0x9E80;
	[sflag:s31] =	ssyncadd.s32 $0xFFFFE000  }
0x21: {  	[spmem:s2] =	stream.indirect.scatter.add.f32 [tilespmem:s22], [sflag:$0x6], $0x40, s9, s20, $0xb8;
	[tilespmem:$0x1D400] =	vst v63  }
0x22: {  	_ =	swait.ge [sflag:s19], $0x2000  }
0x23: {  	[sflag:s19] =	ssyncset.done $0x0  }
0x24: {  	s7 =	simm.s32 $0x9F00;
	[sflag:s19] =	ssyncadd.s32 $0xFFFFE000  }
0x25: {  	[spmem:s2] =	stream.indirect.scatter.add.f32 [tilespmem:s26], [sflag:$0x7], $0x40, s7, s20, $0xb8;
	[tilespmem:$0x1D400] =	vst v63  }
0x26: {  	_ =	swait.ge [sflag:s5], $0x2000  }
0x27: {  	[sflag:s5] =	ssyncset.done $0x0  }
0x28: {  	s9 =	simm.s32 $0x9F80;
	[sflag:s5] =	ssyncadd.s32 $0xFFFFE000  }
0x29: {  	[spmem:s2] =	stream.indirect.scatter.add.f32 [tilespmem:s28], [sflag:$0x8], $0x40, s9, s20, $0xb8;
	[tilespmem:$0x1D400] =	vst v63  }
0x2a: {  	_ =	swait.ge [sflag:s0], $0x2000  }
0x2b: {  	[sflag:s0] =	ssyncset.done $0x0  }
0x2c: {  	[sflag:s0] =	ssyncadd.s32 $0xFFFFE000  }
0x2d: {  	_ =	swait.ge [sflag:s24], $0x2000  }
0x2e: {  	[sflag:s24] =	ssyncset.done $0x0  }
0x2f: {  	[sflag:s24] =	ssyncadd.s32 $0xFFFFE000  }
0x30: {  	_ =	swait.ge [sflag:s6], $0x2000  }
0x31: {  	[sflag:s6] =	ssyncset.done $0x0  }
0x32: {  	[sflag:s6] =	ssyncadd.s32 $0xFFFFE000  }
0x33: {  	_ =	swait.ge [sflag:s30], $0x2000  }
0x34: {  	[sflag:s30] =	ssyncset.done $0x0  }
0x35: {  	[sflag:s30] =	ssyncadd.s32 $0xFFFFE000  }
.LBB2_7:
0x36: {  	s1 =	stileid.u32  }
0x37: {  	s1 =	sshll.u32 s1, $0x6  }
0x38: {  	[bflag:$0x0] =	sbarrier.arrive $0xFFFF;
	s1 =	sor.u32 $0x1C09, s1  }
0x39: {  	[hbm:s23], [sflag:s1] =	dma.local [spmem:s25], $0x1400  }
0x3a: {  	_ =	swait.ge [sflag:s18], $0x1400  }
0x3b: {  	s3 =	sadd.s32 $0x1, s3;
	s9 =	rddreg [dreg:$0x6]  }
0x3c: {  	p1 =	sne.s32 s3, s9  }
.Ltmp1:
0x3d: {  	_ = 	snop;
	(pc) =	sbr.rel @!p1 .LBB2_8-.Ltmp1, $3  }
0x3e: {  	_ =	sdelay $0x1  }
0x3f: {  	[sflag:s18] =	ssyncset.done $0x0  }
0x40: {  	[sflag:s18] =	ssyncadd.s32 $0xFFFFEC00  }
.LBB2_1:
0x41: {  	s7 =	simm.s32 $0x100;
	s1 =	simm.s32 $0x0  }
.LBB2_2:
0x42: {  	p1 =	sne.s32 s7, $0x4F00;
	[tilespmem:s1+$0x12030] =	vst v0;
	s9 =	smov.u32 s7;
	s7 =	sadd.s32 $0x100, s7  }
.Ltmp2:
0x43: {  	[tilespmem:s1+$0x12020] =	vst v0;
	(pc) =	sbr.rel @p1 .LBB2_2-.Ltmp2, $3  }
0x44: {  	[tilespmem:s1+$0x12000] =	vst v0  }
0x45: {  	[tilespmem:s1+$0x12010] =	vst v0;
	_ =	sdelay $0x1  }
0x46: {  	s1 =	sshra.s32 s9, $0x2  }
0x47: {  	[tilespmem:s1+$0x12030] =	vst v0  }
0x48: {  	[tilespmem:s1+$0x12020] =	vst v0  }
0x49: {  	[tilespmem:s1+$0x12000] =	vst v0  }
0x4a: {  	[tilespmem:s1+$0x12010] =	vst v0  }
0x4b: {  	[spmem:s8] =	stream.linear.scatter [tilespmem:s17], [sflag:$0x9], $0x1400, $0x38;
	[tilespmem:$0x1D400] =	vst v63  }
0x4c: {  	_ =	swait.ge [sflag:s18], $0x1400  }
0x4d: {  	[sflag:s18] =	ssyncset.done $0x0  }
0x4e: {  	[sflag:s18] =	ssyncadd.s32 $0xFFFFEC00  }
0x4f: {  	[spmem:s10] =	stream.linear.scatter [tilespmem:s17], [sflag:$0x9], $0x1400, $0x38;
	[tilespmem:$0x1D400] =	vst v63  }
0x50: {  	_ =	swait.ge [sflag:s18], $0x1400  }
0x51: {  	[sflag:s18] =	ssyncset.done $0x0  }
0x52: {  	[sflag:s18] =	ssyncadd.s32 $0xFFFFEC00  }
0x53: {  	[spmem:s11] =	stream.linear.scatter [tilespmem:s17], [sflag:$0x9], $0x1400, $0x38;
	[tilespmem:$0x1D400] =	vst v63  }
0x54: {  	_ =	swait.ge [sflag:s18], $0x1400  }
0x55: {  	[sflag:s18] =	ssyncset.done $0x0  }
0x56: {  	[sflag:s18] =	ssyncadd.s32 $0xFFFFEC00  }
0x57: {  	[spmem:s12] =	stream.linear.scatter [tilespmem:s17], [sflag:$0x9], $0x1400, $0x38;
	[tilespmem:$0x1D400] =	vst v63  }
0x58: {  	_ =	swait.ge [sflag:s18], $0x1400  }
0x59: {  	[sflag:s18] =	ssyncset.done $0x0  }
0x5a: {  	[sflag:s18] =	ssyncadd.s32 $0xFFFFEC00  }
0x5b: {  	[spmem:s13] =	stream.linear.scatter [tilespmem:s17], [sflag:$0x9], $0x1400, $0x38;
	[tilespmem:$0x1D400] =	vst v63  }
0x5c: {  	_ =	swait.ge [sflag:s18], $0x1400  }
0x5d: {  	[sflag:s18] =	ssyncset.done $0x0  }
0x5e: {  	[sflag:s18] =	ssyncadd.s32 $0xFFFFEC00  }
0x5f: {  	[spmem:s14] =	stream.linear.scatter [tilespmem:s17], [sflag:$0x9], $0x1400, $0x38;
	[tilespmem:$0x1D400] =	vst v63  }
0x60: {  	_ =	swait.ge [sflag:s18], $0x1400  }
0x61: {  	[sflag:s18] =	ssyncset.done $0x0  }
0x62: {  	[sflag:s18] =	ssyncadd.s32 $0xFFFFEC00  }
0x63: {  	[spmem:s15] =	stream.linear.scatter [tilespmem:s17], [sflag:$0x9], $0x1400, $0x38;
	[tilespmem:$0x1D400] =	vst v63  }
0x64: {  	_ =	swait.ge [sflag:s18], $0x1400  }
0x65: {  	[sflag:s18] =	ssyncset.done $0x0  }
0x66: {  	[sflag:s18] =	ssyncadd.s32 $0xFFFFEC00  }
0x67: {  	[spmem:s16] =	stream.linear.scatter [tilespmem:s17], [sflag:$0x9], $0x1400, $0x38;
	[tilespmem:$0x1D400] =	vst v63  }
.Ltmp3:
0x68: {  	_ =	swait.ge [sflag:s18], $0x1400;
	(pc) =	sbr.rel @p0 .LBB2_7-.Ltmp3, $3  }
0x69: {  	[sflag:s18] =	ssyncset.done $0x0  }
0x6a: {  	[sflag:s18] =	ssyncadd.s32 $0xFFFFEC00  }
0x6b: {  	[bflag:$0x0] =	sbarrier.arrive $0xFFFF;
	_ =	sdelay $0x1  }
0x6c: {  	s1 =	simm.s32 $0x0;
	s7 =	rddreg [dreg:$0x3]  }
0x6d: {  	[tilespmem:s1], [sflag:$0x9] =	stream.linear.gather [hbm4b:s7+s1], $0x5000, $0x38;
	[tilespmem:$0x1D400] =	vst v63  }
0x6e: {  	_ =	swait.ge [sflag:s18], $0x5000  }
0x6f: {  	[sflag:s18] =	ssyncset.done $0x0  }
0x70: {  	s9 =	simm.s32 $0x5000;
	s7 =	rddreg [dreg:$0x4];
	[sflag:s18] =	ssyncadd.s32 $0xFFFFB000  }
0x71: {  	[tilespmem:s9], [sflag:$0x9] =	stream.linear.gather [hbm4b:s7+s1], $0x5000, $0x38;
	[tilespmem:$0x1D400] =	vst v63  }
0x72: {  	_ =	swait.ge [sflag:s18], $0x5000  }
0x73: {  	[sflag:s18] =	ssyncset.done $0x0  }
0x74: {  	[sflag:s18] =	ssyncadd.s32 $0xFFFFB000  }
0x75: {  	[tilespmem:s21], [sflag:$0x1] =	stream.indirect.gather [hbm4b:s4+s20], $0x40, s1, s20, $0xb8;
	[tilespmem:$0x1D400] =	vst v63  }
0x76: {  	_ = 	snop  }
0x77: {  	[tilespmem:s22], [sflag:$0x2] =	stream.indirect.gather [hbm4b:s4+s20], $0x40, s20, s20, $0xb8;
	[tilespmem:$0x1D400] =	vst v63  }
0x78: {  	s9 =	simm.s32 $0x100  }
0x79: {  	[tilespmem:s26], [sflag:$0x3] =	stream.indirect.gather [hbm4b:s4+s20], $0x40, s9, s20, $0xb8;
	[tilespmem:$0x1D400] =	vst v63  }
0x7a: {  	s7 =	rddreg [dreg:$0x5]  }
0x7b: {  	[spmem:s7] =	stream.linear.scatter [tilespmem:s28], [sflag:$0x8], $0x2000, $0x38;
	[tilespmem:$0x1D400] =	vst v63  }
0x7c: {  	_ =	swait.ge [sflag:s29], $0x2000  }
0x7d: {  	[sflag:s29] =	ssyncset.done $0x0  }
0x7e: {  	s9 =	simm.s32 $0x5000;
	[sflag:s29] =	ssyncadd.s32 $0xFFFFE000  }
0x7f: {  	[spmem:s2] =	stream.indirect.scatter.add.f32 [tilespmem:s21], [sflag:$0x5], $0x40, s9, s20, $0xb8;
	[tilespmem:$0x1D400] =	vst v63  }
0x80: {  	_ =	swait.ge [sflag:s30], $0x2000  }
0x81: {  	[sflag:s30] =	ssyncset.done $0x0  }
0x82: {  	s7 =	simm.s32 $0x180;
	[sflag:s30] =	ssyncadd.s32 $0xFFFFE000  }
0x83: {  	[tilespmem:s28], [sflag:$0x4] =	stream.indirect.gather [hbm4b:s4+s20], $0x40, s7, s20, $0xb8;
	[tilespmem:$0x1D400] =	vst v63  }
0x84: {  	_ =	swait.ge [sflag:s31], $0x2000  }
0x85: {  	[sflag:s31] =	ssyncset.done $0x0  }
0x86: {  	s9 =	simm.s32 $0x5080;
	[sflag:s31] =	ssyncadd.s32 $0xFFFFE000  }
0x87: {  	[spmem:s2] =	stream.indirect.scatter.add.f32 [tilespmem:s22], [sflag:$0x6], $0x40, s9, s20, $0xb8;
	[tilespmem:$0x1D400] =	vst v63  }
0x88: {  	_ =	swait.ge [sflag:s0], $0x2000  }
0x89: {  	[sflag:s0] =	ssyncset.done $0x0  }
0x8a: {  	s7 =	simm.s32 $0x200;
	[sflag:s0] =	ssyncadd.s32 $0xFFFFE000  }
0x8b: {  	[tilespmem:s21], [sflag:$0x1] =	stream.indirect.gather [hbm4b:s4+s20], $0x40, s7, s20, $0xb8;
	[tilespmem:$0x1D400] =	vst v63  }
0x8c: {  	_ =	swait.ge [sflag:s19], $0x2000  }
0x8d: {  	[sflag:s19] =	ssyncset.done $0x0  }
0x8e: {  	s9 =	simm.s32 $0x5100;
	[sflag:s19] =	ssyncadd.s32 $0xFFFFE000  }
0x8f: {  	[spmem:s2] =	stream.indirect.scatter.add.f32 [tilespmem:s26], [sflag:$0x7], $0x40, s9, s20, $0xb8;
	[tilespmem:$0x1D400] =	vst v63  }
0x90: {  	_ =	swait.ge [sflag:s24], $0x2000  }
0x91: {  	[sflag:s24] =	ssyncset.done $0x0  }
0x92: {  	s7 =	simm.s32 $0x280;
	[sflag:s24] =	ssyncadd.s32 $0xFFFFE000  }
0x93: {  	[tilespmem:s22], [sflag:$0x2] =	stream.indirect.gather [hbm4b:s4+s20], $0x40, s7, s20, $0xb8;
	[tilespmem:$0x1D400] =	vst v63  }
0x94: {  	_ =	swait.ge [sflag:s5], $0x2000  }
0x95: {  	[sflag:s5] =	ssyncset.done $0x0  }
0x96: {  	s9 =	simm.s32 $0x5180;
	[sflag:s5] =	ssyncadd.s32 $0xFFFFE000  }
0x97: {  	[spmem:s2] =	stream.indirect.scatter.add.f32 [tilespmem:s28], [sflag:$0x8], $0x40, s9, s20, $0xb8;
	[tilespmem:$0x1D400] =	vst v63  }
0x98: {  	_ =	swait.ge [sflag:s6], $0x2000  }
0x99: {  	[sflag:s6] =	ssyncset.done $0x0  }
0x9a: {  	s1 =	simm.s32 $0x300;
	s7 =	simm.s32 $0x800;
	[sflag:s6] =	ssyncadd.s32 $0xFFFFE000  }
.LBB2_5:
0x9b: {  	[tilespmem:s26], [sflag:$0x3] =	stream.indirect.gather [hbm4b:s4+s20], $0x40, s1, s20, $0xb8;
	[tilespmem:$0x1D400] =	vst v63  }
0x9c: {  	s1 =	smov.u32 s7  }
0x9d: {  	p1 =	sne.s32 s7, $0x13000;
	s7 =	sadd.s32 $0x800, s7;
	_ =	swait.ge [sflag:s29], $0x2000  }
0x9e: {  	s1 =	sshra.s32 s1, $0x2;
	[sflag:s29] =	ssyncset.done $0x0  }
0x9f: {  	s9 =	sadd.s32 $0x5000, s1;
	[sflag:s29] =	ssyncadd.s32 $0xFFFFE000  }
0xa0: {  	[spmem:s2] =	stream.indirect.scatter.add.f32 [tilespmem:s21], [sflag:$0x5], $0x40, s9, s20, $0xb8;
	[tilespmem:$0x1D400] =	vst v63  }
0xa1: {  	_ =	swait.ge [sflag:s30], $0x2000  }
0xa2: {  	[sflag:s30] =	ssyncset.done $0x0  }
0xa3: {  	s9 =	sadd.s32 $0x180, s1;
	[sflag:s30] =	ssyncadd.s32 $0xFFFFE000  }
0xa4: {  	[tilespmem:s28], [sflag:$0x4] =	stream.indirect.gather [hbm4b:s4+s20], $0x40, s9, s20, $0xb8;
	[tilespmem:$0x1D400] =	vst v63  }
0xa5: {  	_ =	swait.ge [sflag:s31], $0x2000  }
0xa6: {  	[sflag:s31] =	ssyncset.done $0x0  }
0xa7: {  	s9 =	sadd.s32 $0x5080, s1;
	[sflag:s31] =	ssyncadd.s32 $0xFFFFE000  }
0xa8: {  	[spmem:s2] =	stream.indirect.scatter.add.f32 [tilespmem:s22], [sflag:$0x6], $0x40, s9, s20, $0xb8;
	[tilespmem:$0x1D400] =	vst v63  }
0xa9: {  	_ =	swait.ge [sflag:s0], $0x2000  }
0xaa: {  	[sflag:s0] =	ssyncset.done $0x0  }
0xab: {  	s9 =	sadd.s32 $0x200, s1;
	[sflag:s0] =	ssyncadd.s32 $0xFFFFE000  }
0xac: {  	[tilespmem:s21], [sflag:$0x1] =	stream.indirect.gather [hbm4b:s4+s20], $0x40, s9, s20, $0xb8;
	[tilespmem:$0x1D400] =	vst v63  }
0xad: {  	_ =	swait.ge [sflag:s19], $0x2000  }
0xae: {  	[sflag:s19] =	ssyncset.done $0x0  }
0xaf: {  	s9 =	sadd.s32 $0x5100, s1;
	[sflag:s19] =	ssyncadd.s32 $0xFFFFE000  }
0xb0: {  	[spmem:s2] =	stream.indirect.scatter.add.f32 [tilespmem:s26], [sflag:$0x7], $0x40, s9, s20, $0xb8;
	[tilespmem:$0x1D400] =	vst v63  }
0xb1: {  	_ =	swait.ge [sflag:s24], $0x2000  }
0xb2: {  	[sflag:s24] =	ssyncset.done $0x0  }
0xb3: {  	s9 =	sadd.s32 $0x280, s1;
	[sflag:s24] =	ssyncadd.s32 $0xFFFFE000  }
0xb4: {  	[tilespmem:s22], [sflag:$0x2] =	stream.indirect.gather [hbm4b:s4+s20], $0x40, s9, s20, $0xb8;
	[tilespmem:$0x1D400] =	vst v63  }
0xb5: {  	_ =	swait.ge [sflag:s5], $0x2000  }
0xb6: {  	[sflag:s5] =	ssyncset.done $0x0  }
.Ltmp4:
0xb7: {  	s9 =	sadd.s32 $0x5180, s1;
	[sflag:s5] =	ssyncadd.s32 $0xFFFFE000;
	(pc) =	sbr.rel @p1 .LBB2_5-.Ltmp4, $4  }
0xb8: {  	[spmem:s2] =	stream.indirect.scatter.add.f32 [tilespmem:s28], [sflag:$0x8], $0x40, s9, s20, $0xb8;
	[tilespmem:$0x1D400] =	vst v63  }
0xb9: {  	_ =	swait.ge [sflag:s6], $0x2000  }
0xba: {  	[sflag:s6] =	ssyncset.done $0x0  }
0xbb: {  	s1 =	sadd.s32 $0x300, s1;
	[sflag:s6] =	ssyncadd.s32 $0xFFFFE000  }
.Ltmp5:
0xbc: {  	_ = 	snop;
	(pc) =	sbr.rel .LBB2_6-.Ltmp5, $1  }
0xbd: {  	_ =	sdelay $0x3  }
.LBB2_8:
0xbe: {  	_ =	sfence.sel $0x180000  }
0xbf: {  	[bflag:$0x0] =	sbarrier.arrive $0xFFFF  }
0xc0: {  	_ =	strace $0x90000047  }
0xc1: {  	s0 =	stileid.u32;
	[bflag:$0x2] =	sbarrier.arrive $0xFFFF  }
0xc2: {  	p0 =	sne.s32 s0, $0x0;
	s0 =	rddreg [dreg:$0x2]  }
0xc3: {  	s0 =	sadd.s32 @!p0 $0x100000, s0  }
0xc4: {  	[sflag:s0] =	ssyncadd.tile.s32 @!p0 $0x1;
	_ =	shalt  }
.Lfunc_end2:
_tile_overlayer_lowered:
.L_overlay_start_2:
0xc5: {  	(tag) =	ssettag $0x2  }
0xc6: {  	s0 =	rddreg [dreg:$0x0];
	s2 =	stileid.u32  }
0xc7: {  	s1 =	rddreg [dreg:$0x1];
	p0 =	sne.s32 s2, $0x0  }
0xc8: {  	s3 =	rddreg [dreg:$0x2];
	[bflag:$0x3] =	sbarrier.arrive $0xFFFF;
	s2 =	simm.s32 @!p0 $0x1C09  }
0xc9: {  	[timem:s3], [sflag:s2] =	dma.local @!p0 [hbm:s0], s1  }
0xca: {  	s0 =	simm.s32 @!p0 $0x9  }
0xcb: {  	_ =	swait.ge @!p0 [sflag:s0], s1  }
0xcc: {  	s1 =	ssub.s32 @!p0 $0x0, s1;
	[sflag:s0] =	ssyncset.done @!p0 $0x0  }
0xcd: {  	[sflag:s0] =	ssyncadd.s32 @!p0 s1  }
0xce: {  	[bflag:$0x3] =	sbarrier.arrive $0xFFFF  }
0xcf: {  	_ =	shalt  }

</sc_bundles>
